<compile_context>
chip_gen: v7x
topology: tpu7x:2x2x1
jax: 0.10.2.dev20260603
libtpu: 0.0.44.dev20260713+nightly
codegen_flags: <defaults>
</compile_context>

<pallas_src>
import jax
import jax.numpy as jnp
from jax import lax
from jax.experimental import pallas as pl
from jax.experimental.pallas import tpu as pltpu
from jax.experimental.pallas import tpu_sc as plsc

_NC = 2
_NS = 16
_NW = _NC * _NS
_C = 128


def _sc_gather_body(atom_hbm, edge_hbm, dist_hbm, iall_hbm,
                    a1_out, a2_out, eg_out, dg_out,
                    iv, r1_v, r2_v, re_v, rd_v,
                    semg0, semg1, sems0, sems1):
    wid = lax.axis_index("s") * _NC + lax.axis_index("c")
    n_chunks = iall_hbm.shape[0]
    n_rounds = (n_chunks + _NW - 1) // _NW
    semg = (semg0, semg1)
    sems = (sems0, sems1)

    def start(b, cid):
        pltpu.sync_copy(iall_hbm.at[cid], iv.at[b])
        pltpu.async_copy(atom_hbm.at[iv.at[b, 0]], r1_v.at[b], semg[b])
        pltpu.async_copy(atom_hbm.at[iv.at[b, 1]], r2_v.at[b], semg[b])
        pltpu.async_copy(edge_hbm.at[iv.at[b, 2]], re_v.at[b], semg[b])
        pltpu.async_copy(dist_hbm.at[iv.at[b, 2]], rd_v.at[b], semg[b])

    def wait_gathers(b):
        pltpu.make_async_copy(atom_hbm.at[iv.at[b, 0]], r1_v.at[b], semg[b]).wait()
        pltpu.make_async_copy(atom_hbm.at[iv.at[b, 1]], r2_v.at[b], semg[b]).wait()
        pltpu.make_async_copy(edge_hbm.at[iv.at[b, 2]], re_v.at[b], semg[b]).wait()
        pltpu.make_async_copy(dist_hbm.at[iv.at[b, 2]], rd_v.at[b], semg[b]).wait()

    def fire_stores(b, cid):
        base = cid * _C
        pltpu.async_copy(r1_v.at[b], a1_out.at[pl.ds(base, _C)], sems[b])
        pltpu.async_copy(r2_v.at[b], a2_out.at[pl.ds(base, _C)], sems[b])
        pltpu.async_copy(re_v.at[b], eg_out.at[pl.ds(base, _C)], sems[b])
        pltpu.async_copy(rd_v.at[b], dg_out.at[cid], sems[b])

    def wait_stores(b):
        pltpu.make_async_copy(r1_v.at[b], a1_out.at[pl.ds(0, _C)], sems[b]).wait()
        pltpu.make_async_copy(r2_v.at[b], a2_out.at[pl.ds(0, _C)], sems[b]).wait()
        pltpu.make_async_copy(re_v.at[b], eg_out.at[pl.ds(0, _C)], sems[b]).wait()
        pltpu.make_async_copy(rd_v.at[b], dg_out.at[0], sems[b]).wait()

    start(0, wid)
    n_r2 = (n_rounds + 1) // 2

    def body(j2, _):
        for b in (0, 1):
            j = j2 * 2 + b
            cur = j * _NW + wid
            nxt = cur + _NW

            @pl.when(nxt < n_chunks)
            def _():
                @pl.when(j >= 1)
                def _():
                    wait_stores(1 - b)
                start(1 - b, nxt)

            @pl.when(cur < n_chunks)
            def _():
                wait_gathers(b)
                fire_stores(b, cur)
        return 0

    lax.fori_loop(0, n_r2, body, 0)
    wait_stores(0)
    wait_stores(1)


def _make_sc_scatter_body(n_seg, s_total, da, rng, n_pass, chunk, n_chunk):
    stripe = rng // _NS
    per_tile = s_total // _NS
    n_vreg = chunk // 16

    def body(gated_hbm, idx_hbm, out_hbm,
             idxbuf, sstage, lstage, sflush, lflush, rows_v, zbuf, acc, sem):
        c = lax.axis_index("c")
        sid = lax.axis_index("s")
        toff = sid * per_tile
        ii = lax.iota(jnp.int32, 16)

        def zrow(i, _):
            for j in range(4):
                zbuf[i, pl.ds(j * 16, 16)] = jnp.zeros((16,), jnp.float32)
            return 0
        lax.fori_loop(0, zbuf.shape[0], zrow, 0)

        def flush_128():
            for j in range(8):
                sflush[0, pl.ds(j * 16, 16)] = sstage[pl.ds(j * 16, 16)]
                lflush[0, pl.ds(j * 16, 16)] = lstage[pl.ds(j * 16, 16)]
            pltpu.async_copy(gated_hbm.at[sflush.at[0]], rows_v, sem).wait()
            pltpu.sync_copy(rows_v, acc.at[lflush.at[0]], add=True)

        def do_pass(p, _):
            lo = (p * _NC + c) * rng
            nz = stripe // zbuf.shape[0]
            for j in range(nz):
                pltpu.sync_copy(zbuf, acc.at[pl.ds(sid * stripe + j * zbuf.shape[0],
                                                   zbuf.shape[0])])
            plsc.subcore_barrier()

            def kchunk(k, cnt):
                pltpu.sync_copy(idx_hbm.at[pl.ds(toff + k * chunk, chunk)], idxbuf)

                def vbody(i, cnt):
                    idxv = idxbuf[pl.ds(i * 16, 16)]
                    mask = (idxv >= lo) & (idxv < lo + rng)
                    mi = mask.astype(jnp.int32)
                    pos = cnt + plsc.cumsum(mi) - mi
                    plsc.store_scatter(sstage, [pos],
                                       toff + k * chunk + i * 16 + ii, mask=mask)
                    plsc.store_scatter(lstage, [pos], idxv - lo, mask=mask)
                    cnt = cnt + jnp.sum(mi)

                    def fl(cn):
                        flush_128()
                        sstage[pl.ds(0, 16)] = sstage[pl.ds(128, 16)]
                        lstage[pl.ds(0, 16)] = lstage[pl.ds(128, 16)]
                        return cn - 128
                    return lax.cond(cnt >= 128, fl, lambda cn: cn, cnt)

                return lax.fori_loop(0, n_vreg, vbody, cnt)

            cnt = lax.fori_loop(0, n_chunk, kchunk, jnp.int32(0))

            @pl.when(cnt > 0)
            def _():
                for j in range(8):
                    pos = j * 16 + ii
                    mp = pos >= cnt
                    plsc.store_scatter(sstage, [pos], ii, mask=mp)
                    plsc.store_scatter(lstage, [pos], rng + ii, mask=mp)
                flush_128()
            plsc.subcore_barrier()

            pltpu.sync_copy(acc.at[pl.ds(sid * stripe, stripe)],
                            out_hbm.at[pl.ds(lo + sid * stripe, stripe)])
            return 0

        lax.fori_loop(0, n_pass, do_pass, 0)

    return body


def _gated_body(a1_ref, a2_ref, e_ref, ang_ref, d_ref,
                w1_ref, w2_ref, we_ref, wa_ref, b_ref,
                out_ref):
    da = a1_ref.shape[1]
    pre = (jnp.dot(a1_ref[...], w1_ref[...], preferred_element_type=jnp.float32)
           + jnp.dot(a2_ref[...], w2_ref[...], preferred_element_type=jnp.float32)
           + jnp.dot(e_ref[...], we_ref[...], preferred_element_type=jnp.float32)
           + jnp.dot(ang_ref[...], wa_ref[...], preferred_element_type=jnp.float32)
           + b_ref[...])
    pre_f = pre[:, :da]
    pre_s = pre[:, da:]
    sp = jnp.maximum(pre_s, 0.0) + jnp.log1p(jnp.exp(-jnp.abs(pre_s)))
    gate = jax.nn.sigmoid(pre_f) * sp
    d = d_ref[...]
    expfac = jnp.exp(d * d * (-1.0 / 18.0))
    out_ref[...] = gate * expfac


def _final_body(x01_ref, e_ref, w1a_ref, w1b_ref, w1e_ref, b1_ref,
                w2_ref, b2_ref, out_ref):
    x01 = x01_ref[...]
    h = (jnp.dot(x01[:, 0, :], w1a_ref[...], preferred_element_type=jnp.float32)
         + jnp.dot(x01[:, 1, :], w1b_ref[...], preferred_element_type=jnp.float32)
         + jnp.dot(e_ref[...], w1e_ref[...], preferred_element_type=jnp.float32)
         + b1_ref[...])
    h = h * jax.nn.sigmoid(h)
    out_ref[...] = (jnp.dot(h, w2_ref[...], preferred_element_type=jnp.float32)
                    + b2_ref[...])


def _full_w(shape_nd):
    return pl.BlockSpec(shape_nd, lambda i: tuple(0 for _ in shape_nd))


def kernel(atom_fea, edge_fea, sub_atom_idx, sub_edge_idx, sub_edge_ang,
           sub_index, distance, Wf, bf, Ws, bs, W1, b1, W2, b2):
    n_atom, da = atom_fea.shape
    n_edge, de = edge_fea.shape
    s = sub_edge_idx.shape[0]
    ang = sub_edge_ang.shape[1]
    hid = W1.shape[1]
    dout = W2.shape[1]
    n_chunks = s // _C

    iall = jnp.stack([sub_atom_idx[:, 0].reshape(n_chunks, _C),
                      sub_atom_idx[:, 1].reshape(n_chunks, _C),
                      sub_edge_idx.reshape(n_chunks, _C)], axis=1)

    mesh = plsc.VectorSubcoreMesh(core_axis_name="c", subcore_axis_name="s",
                                  num_cores=_NC, num_subcores=_NS)
    gather_k = pl.kernel(
        _sc_gather_body,
        out_type=(
            jax.ShapeDtypeStruct((s, da), jnp.float32),
            jax.ShapeDtypeStruct((s, da), jnp.float32),
            jax.ShapeDtypeStruct((s, de), jnp.float32),
            jax.ShapeDtypeStruct((n_chunks, _C), jnp.float32),
        ),
        mesh=mesh,
        compiler_params=pltpu.CompilerParams(use_tc_tiling_on_sc=False),
        scratch_types=[
            pltpu.VMEM((2, 3, _C), jnp.int32),
            pltpu.VMEM((2, _C, da), jnp.float32),
            pltpu.VMEM((2, _C, da), jnp.float32),
            pltpu.VMEM((2, _C, de), jnp.float32),
            pltpu.VMEM((2, _C), jnp.float32),
            pltpu.SemaphoreType.DMA,
            pltpu.SemaphoreType.DMA,
            pltpu.SemaphoreType.DMA,
            pltpu.SemaphoreType.DMA,
        ],
    )
    a1, a2, eg, dg = gather_k(atom_fea, edge_fea, distance, iall)
    dg = dg.reshape(s, 1)

    wfs1 = jnp.concatenate([Wf[:da], Ws[:da]], axis=1)
    wfs2 = jnp.concatenate([Wf[da:2 * da], Ws[da:2 * da]], axis=1)
    wfse = jnp.concatenate([Wf[2 * da:2 * da + de], Ws[2 * da:2 * da + de]], axis=1)
    wfsa = jnp.concatenate([Wf[2 * da + de:], Ws[2 * da + de:]], axis=1)
    bfs = jnp.concatenate([bf, bs])

    bs_blk = 4000
    grid = (s // bs_blk,)
    row = lambda i: (i, 0)
    gated = pl.pallas_call(
        _gated_body,
        grid=grid,
        in_specs=[
            pl.BlockSpec((bs_blk, da), row),
            pl.BlockSpec((bs_blk, da), row),
            pl.BlockSpec((bs_blk, de), row),
            pl.BlockSpec((bs_blk, ang), row),
            pl.BlockSpec((bs_blk, 1), row),
            _full_w((da, 2 * da)), _full_w((da, 2 * da)), _full_w((de, 2 * da)),
            _full_w((ang, 2 * da)), _full_w((2 * da,)),
        ],
        out_specs=pl.BlockSpec((bs_blk, da), row),
        out_shape=jax.ShapeDtypeStruct((s, da), jnp.float32),
    )(a1, a2, eg, sub_edge_ang, dg, wfs1, wfs2, wfse, wfsa, bfs)

    n_seg = 2 * n_edge
    rng = 20000
    n_pass = n_seg // (rng * _NC)
    chunk = 2000
    n_chunk = (s // _NS) // chunk
    scatter_k = pl.kernel(
        _make_sc_scatter_body(n_seg, s, da, rng, n_pass, chunk, n_chunk),
        out_type=jax.ShapeDtypeStruct((n_seg, da), jnp.float32),
        mesh=plsc.VectorSubcoreMesh(core_axis_name="c", subcore_axis_name="s",
                                    num_cores=_NC, num_subcores=_NS),
        compiler_params=pltpu.CompilerParams(use_tc_tiling_on_sc=False,
                                             needs_layout_passes=False),
        scratch_types=[
            pltpu.VMEM((chunk,), jnp.int32),
            pltpu.VMEM((144,), jnp.int32),
            pltpu.VMEM((144,), jnp.int32),
            pltpu.VMEM((1, 128), jnp.int32),
            pltpu.VMEM((1, 128), jnp.int32),
            pltpu.VMEM((128, da), jnp.float32),
            pltpu.VMEM((250, da), jnp.float32),
            pltpu.VMEM_SHARED((rng + 16, da), jnp.float32),
            pltpu.SemaphoreType.DMA,
        ],
    )
    seg = scatter_k(gated, sub_index)
    seg3 = seg.reshape(n_edge, 2, da)

    w1a, w1b, w1e = W1[:da], W1[da:2 * da], W1[2 * da:]
    eb = 4000
    grid2 = (n_edge // eb,)
    out = pl.pallas_call(
        _final_body,
        grid=grid2,
        in_specs=[
            pl.BlockSpec((eb, 2, da), lambda i: (i, 0, 0)),
            pl.BlockSpec((eb, de), row),
            _full_w((da, hid)), _full_w((da, hid)), _full_w((de, hid)),
            _full_w((hid,)),
            _full_w((hid, dout)), _full_w((dout,)),
        ],
        out_specs=pl.BlockSpec((eb, dout), row),
        out_shape=jax.ShapeDtypeStruct((n_edge, dout), jnp.float32),
    )(seg3, edge_fea, w1a, w1b, w1e, b1, W2, b2)

    return out

# --- scband reference (transcript-rebuilt; emitter-appended) ---
"""Pipeline reference for scband-deep-qth-34437047779388 (READ-ONLY COPY).

The authoritative reference and input builder live on the scoring server;
editing this copy changes nothing except your own understanding.
"""

import jax, jax.numpy as jnp
import numpy as np

N_ATOM = 10000
N_EDGE = 160000
S = 320000
DA = 64      # in_atom_fea_len
ANG = 16     # num_l ** 2
DE = 48      # edge_fea dim = in_edge_fea_len - num_l**2
ZDIM = 2 * DA + DE + ANG  # 192 = in_atom_fea_len*2 + in_edge_fea_len
HID = 128
DOUT = 48    # out_edge_fea_len


def setup_inputs(seed: int = 0) -> dict:
    key = jax.random.key(seed)
    ks = jax.random.split(key, 15)
    inp = {}
    inp['atom_fea'] = jax.random.normal(ks[0], (N_ATOM, DA), dtype=jnp.float32)
    inp['edge_fea'] = jax.random.normal(ks[1], (N_EDGE, DE), dtype=jnp.float32)
    inp['sub_atom_idx'] = jax.random.randint(ks[2], (S, 2), 0, N_ATOM, dtype=jnp.int32)
    inp['sub_edge_idx'] = jax.random.randint(ks[3], (S,), 0, N_EDGE, dtype=jnp.int32)
    inp['sub_edge_ang'] = jax.random.normal(ks[4], (S, ANG), dtype=jnp.float32)
    inp['sub_index'] = jax.random.randint(ks[5], (S,), 0, 2 * N_EDGE, dtype=jnp.int32)
    inp['distance'] = jax.random.uniform(ks[6], (N_EDGE,), dtype=jnp.float32)
    # learned parameters (lin_f, lin_s, e_lin = Linear->SiLU->Linear)
    inp['Wf'] = jax.random.normal(ks[7], (ZDIM, DA), dtype=jnp.float32) * 0.05
    inp['bf'] = jnp.zeros((DA,), dtype=jnp.float32)
    inp['Ws'] = jax.random.normal(ks[8], (ZDIM, DA), dtype=jnp.float32) * 0.05
    inp['bs'] = jnp.zeros((DA,), dtype=jnp.float32)
    inp['W1'] = jax.random.normal(ks[9], (2 * DA + DE, HID), dtype=jnp.float32) * 0.05
    inp['b1'] = jnp.zeros((HID,), dtype=jnp.float32)
    inp['W2'] = jax.random.normal(ks[10], (HID, DOUT), dtype=jnp.float32) * 0.05
    inp['b2'] = jnp.zeros((DOUT,), dtype=jnp.float32)
    return inp


def reference(atom_fea, edge_fea, sub_atom_idx, sub_edge_idx, sub_edge_ang,
              sub_index, distance, Wf, bf, Ws, bs, W1, b1, W2, b2):
    # z = [atom_i || atom_j || edge || angular]
    z = jnp.concatenate([
        atom_fea[sub_atom_idx[:, 0]],
        atom_fea[sub_atom_idx[:, 1]],
        edge_fea[sub_edge_idx],
        sub_edge_ang,
    ], axis=-1)
    out = jax.nn.sigmoid(z @ Wf + bf) * jax.nn.softplus(z @ Ws + bs)
    # if_exp=True: sigma=3, n=2
    out = out * jnp.exp(-(distance[sub_edge_idx] ** 2) / 9.0 / 2.0)[:, None]
    # scatter_add into 2*num_edge slots
    out = jax.ops.segment_sum(out, sub_index, num_segments=2 * N_EDGE)
    out = out.reshape(N_EDGE, 2, DA)
    cat = jnp.concatenate([out[:, 0, :], out[:, 1, :], edge_fea], axis=-1)
    return jax.nn.silu(cat @ W1 + b1) @ W2 + b2

if __name__ == "__main__":
    import jax
    _d = setup_inputs()
    print(jax.jit(kernel)(*tuple(_d.values())))

</pallas_src>

<mosaic_0001>
#map = affine_map<(d0, d1) -> (0, 0)>
#map1 = affine_map<(d0, d1) -> (0)>
module attributes {stable_mosaic.version = 14 : i64} {
  func.func @body(%arg0: i32, %arg1: i32, %arg2: memref<320000x64xf32, #tpu.memory_space<hbm>>, %arg3: memref<320000xi32, #tpu.memory_space<hbm>>, %arg4: memref<320000x64xf32, #tpu.memory_space<hbm>>, %arg5: memref<2000xi32, #tpu.memory_space<vmem>>, %arg6: memref<144xi32, #tpu.memory_space<vmem>>, %arg7: memref<144xi32, #tpu.memory_space<vmem>>, %arg8: memref<1x128xi32, #tpu.memory_space<vmem>>, %arg9: memref<1x128xi32, #tpu.memory_space<vmem>>, %arg10: memref<128x64xf32, #tpu.memory_space<vmem>>, %arg11: memref<250x64xf32, #tpu.memory_space<vmem>>, %arg12: memref<20016x64xf32, #tpu.memory_space<vmem_shared>>, %arg13: memref<!tpu.dma_semaphore, #tpu.memory_space<semaphore_mem>>) attributes {dimension_semantics = [#tpu.dimension_semantics<core_parallel>, #tpu.dimension_semantics<subcore_parallel>], iteration_bounds = array<i64: 2, 16>, scalar_prefetch = 0 : i64, scratch_operands = 9 : i64, tpu.core_type = #tpu.core_type<sc_vector_subcore>, window_params = [{transform_indices = #map}, {transform_indices = #map1}, {transform_indices = #map}]} {
    %mul3A = arith.constant 20000 : i32
    %mul3A_0 = arith.muli %arg1, %mul3A : i32
    %iota3A = tpu.iota {dimensions = array<i32: 0>} : vector<16xi32>
    %scan3A = arith.constant 0 : i32
    %scan3A_1 = arith.constant 0 : i32
    %scan3A_2 = arith.constant 250 : i32
    %scan3A_3 = arith.addi %scan3A_1, %scan3A_2 : i32
    %scan3A_4 = arith.constant 1 : i32
    %scan3A_5 = scf.for %scan3A_14 = %scan3A_1 to %scan3A_3 step %scan3A_4 iter_args(%scan3A_15 = %scan3A) -> (i32)  : i32 {
      %broadcast_in_dim3A = arith.constant 0.000000e+00 : f32
      %broadcast_in_dim3A_16 = vector.broadcast %broadcast_in_dim3A : f32 to vector<16xf32>
      %swap3A = arith.index_cast %scan3A_14 : i32 to index
      %swap3A_17 = arith.constant 0 : index
      %swap3A_18 = tpu.vector_load %arg11[%swap3A, %swap3A_17] {strides = array<i32>} : memref<250x64xf32, #tpu.memory_space<vmem>>, vector<16xf32>,
      tpu.vector_store %arg11[%swap3A, %swap3A_17], %broadcast_in_dim3A_16 {strides = array<i32>} : memref<250x64xf32, #tpu.memory_space<vmem>>, vector<16xf32>,
      %broadcast_in_dim3A_19 = arith.constant 0.000000e+00 : f32
      %broadcast_in_dim3A_20 = vector.broadcast %broadcast_in_dim3A_19 : f32 to vector<16xf32>
      %swap3A_21 = arith.index_cast %scan3A_14 : i32 to index
      %swap3A_22 = arith.constant 16 : index
      %swap3A_23 = tpu.vector_load %arg11[%swap3A_21, %swap3A_22] {strides = array<i32>} : memref<250x64xf32, #tpu.memory_space<vmem>>, vector<16xf32>,
      tpu.vector_store %arg11[%swap3A_21, %swap3A_22], %broadcast_in_dim3A_20 {strides = array<i32>} : memref<250x64xf32, #tpu.memory_space<vmem>>, vector<16xf32>,
      %broadcast_in_dim3A_24 = arith.constant 0.000000e+00 : f32
      %broadcast_in_dim3A_25 = vector.broadcast %broadcast_in_dim3A_24 : f32 to vector<16xf32>
      %swap3A_26 = arith.index_cast %scan3A_14 : i32 to index
      %swap3A_27 = arith.constant 32 : index
      %swap3A_28 = tpu.vector_load %arg11[%swap3A_26, %swap3A_27] {strides = array<i32>} : memref<250x64xf32, #tpu.memory_space<vmem>>, vector<16xf32>,
      tpu.vector_store %arg11[%swap3A_26, %swap3A_27], %broadcast_in_dim3A_25 {strides = array<i32>} : memref<250x64xf32, #tpu.memory_space<vmem>>, vector<16xf32>,
      %broadcast_in_dim3A_29 = arith.constant 0.000000e+00 : f32
      %broadcast_in_dim3A_30 = vector.broadcast %broadcast_in_dim3A_29 : f32 to vector<16xf32>
      %swap3A_31 = arith.index_cast %scan3A_14 : i32 to index
      %swap3A_32 = arith.constant 48 : index
      %swap3A_33 = tpu.vector_load %arg11[%swap3A_31, %swap3A_32] {strides = array<i32>} : memref<250x64xf32, #tpu.memory_space<vmem>>, vector<16xf32>,
      tpu.vector_store %arg11[%swap3A_31, %swap3A_32], %broadcast_in_dim3A_30 {strides = array<i32>} : memref<250x64xf32, #tpu.memory_space<vmem>>, vector<16xf32>,
      %scan3A_34 = arith.constant 0 : i32
      scf.yield %scan3A_34 : i32
    }
    %scan3A_6 = arith.constant 250 : i32
    %scan3A_7 = arith.constant 0 : i32
    %scan3A_8 = arith.constant 0 : i32
    %scan3A_9 = arith.constant 8 : i32
    %scan3A_10 = arith.addi %scan3A_8, %scan3A_9 : i32
    %scan3A_11 = arith.constant 1 : i32
    %scan3A_12 = scf.for %scan3A_14 = %scan3A_8 to %scan3A_10 step %scan3A_11 iter_args(%scan3A_15 = %scan3A_7) -> (i32)  : i32 {
      %mul3A_16 = arith.constant 2 : i32
      %mul3A_17 = arith.muli %scan3A_14, %mul3A_16 : i32
      %add3A = arith.addi %mul3A_17, %arg0 : i32
      %mul3A_18 = arith.constant 20000 : i32
      %mul3A_19 = arith.muli %add3A, %mul3A_18 : i32
      %mul3A_20 = arith.constant 1250 : i32
      %mul3A_21 = arith.muli %arg1, %mul3A_20 : i32
      %add3A_22 = arith.constant 0 : i32
      %add3A_23 = arith.addi %mul3A_21, %add3A_22 : i32
      "tpu.region"() ({
        %run_scoped3A = tpu.sem_alloc : memref<!tpu.dma_semaphore, #tpu.memory_space<semaphore_mem>>
        %dma_start3A = arith.constant 0 : i32
        %dma_start3A_56 = tpu.memref_slice %arg12[%add3A_23, %dma_start3A] : memref<20016x64xf32, #tpu.memory_space<vmem_shared>> -> memref<250x64xf32, #tpu.memory_space<vmem_shared>>
        %dma_start3A_57 = arith.constant 0 : i32
        %dma_start3A_58 = tpu.memref_slice %arg12[%add3A_23, %dma_start3A_57] : memref<20016x64xf32, #tpu.memory_space<vmem_shared>> -> memref<250x64xf32, #tpu.memory_space<vmem_shared>>
        tpu.enqueue_dma source(%arg11 : memref<250x64xf32, #tpu.memory_space<vmem>>) target(%dma_start3A_58 : memref<250x64xf32, #tpu.memory_space<vmem_shared>>) target_semaphore(%run_scoped3A : memref<!tpu.dma_semaphore, #tpu.memory_space<semaphore_mem>>)
        %dma_wait3A = arith.constant 0 : i32
        %dma_wait3A_59 = tpu.memref_slice %arg12[%add3A_23, %dma_wait3A] : memref<20016x64xf32, #tpu.memory_space<vmem_shared>> -> memref<250x64xf32, #tpu.memory_space<vmem_shared>>
        %dma_wait3A_60 = arith.constant 0 : i32
        %dma_wait3A_61 = tpu.memref_slice %arg12[%add3A_23, %dma_wait3A_60] : memref<20016x64xf32, #tpu.memory_space<vmem_shared>> -> memref<250x64xf32, #tpu.memory_space<vmem_shared>>
        tpu.wait_dma2 semaphore(%run_scoped3A : memref<!tpu.dma_semaphore, #tpu.memory_space<semaphore_mem>>) src(%arg11 : memref<250x64xf32, #tpu.memory_space<vmem>>) dst(%dma_wait3A_61 : memref<250x64xf32, #tpu.memory_space<vmem_shared>>)
        tpu.yield
      }) : () -> ()
      %mul3A_24 = arith.constant 1250 : i32
      %mul3A_25 = arith.muli %arg1, %mul3A_24 : i32
      %add3A_26 = arith.constant 250 : i32
      %add3A_27 = arith.addi %mul3A_25, %add3A_26 : i32
      "tpu.region"() ({
        %run_scoped3A = tpu.sem_alloc : memref<!tpu.dma_semaphore, #tpu.memory_space<semaphore_mem>>
        %dma_start3A = arith.constant 0 : i32
        %dma_start3A_56 = tpu.memref_slice %arg12[%add3A_27, %dma_start3A] : memref<20016x64xf32, #tpu.memory_space<vmem_shared>> -> memref<250x64xf32, #tpu.memory_space<vmem_shared>>
        %dma_start3A_57 = arith.constant 0 : i32
        %dma_start3A_58 = tpu.memref_slice %arg12[%add3A_27, %dma_start3A_57] : memref<20016x64xf32, #tpu.memory_space<vmem_shared>> -> memref<250x64xf32, #tpu.memory_space<vmem_shared>>
        tpu.enqueue_dma source(%arg11 : memref<250x64xf32, #tpu.memory_space<vmem>>) target(%dma_start3A_58 : memref<250x64xf32, #tpu.memory_space<vmem_shared>>) target_semaphore(%run_scoped3A : memref<!tpu.dma_semaphore, #tpu.memory_space<semaphore_mem>>)
        %dma_wait3A = arith.constant 0 : i32
        %dma_wait3A_59 = tpu.memref_slice %arg12[%add3A_27, %dma_wait3A] : memref<20016x64xf32, #tpu.memory_space<vmem_shared>> -> memref<250x64xf32, #tpu.memory_space<vmem_shared>>
        %dma_wait3A_60 = arith.constant 0 : i32
        %dma_wait3A_61 = tpu.memref_slice %arg12[%add3A_27, %dma_wait3A_60] : memref<20016x64xf32, #tpu.memory_space<vmem_shared>> -> memref<250x64xf32, #tpu.memory_space<vmem_shared>>
        tpu.wait_dma2 semaphore(%run_scoped3A : memref<!tpu.dma_semaphore, #tpu.memory_space<semaphore_mem>>) src(%arg11 : memref<250x64xf32, #tpu.memory_space<vmem>>) dst(%dma_wait3A_61 : memref<250x64xf32, #tpu.memory_space<vmem_shared>>)
        tpu.yield
      }) : () -> ()
      %mul3A_28 = arith.constant 1250 : i32
      %mul3A_29 = arith.muli %arg1, %mul3A_28 : i32
      %add3A_30 = arith.constant 500 : i32
      %add3A_31 = arith.addi %mul3A_29, %add3A_30 : i32
      "tpu.region"() ({
        %run_scoped3A = tpu.sem_alloc : memref<!tpu.dma_semaphore, #tpu.memory_space<semaphore_mem>>
        %dma_start3A = arith.constant 0 : i32
        %dma_start3A_56 = tpu.memref_slice %arg12[%add3A_31, %dma_start3A] : memref<20016x64xf32, #tpu.memory_space<vmem_shared>> -> memref<250x64xf32, #tpu.memory_space<vmem_shared>>
        %dma_start3A_57 = arith.constant 0 : i32
        %dma_start3A_58 = tpu.memref_slice %arg12[%add3A_31, %dma_start3A_57] : memref<20016x64xf32, #tpu.memory_space<vmem_shared>> -> memref<250x64xf32, #tpu.memory_space<vmem_shared>>
        tpu.enqueue_dma source(%arg11 : memref<250x64xf32, #tpu.memory_space<vmem>>) target(%dma_start3A_58 : memref<250x64xf32, #tpu.memory_space<vmem_shared>>) target_semaphore(%run_scoped3A : memref<!tpu.dma_semaphore, #tpu.memory_space<semaphore_mem>>)
        %dma_wait3A = arith.constant 0 : i32
        %dma_wait3A_59 = tpu.memref_slice %arg12[%add3A_31, %dma_wait3A] : memref<20016x64xf32, #tpu.memory_space<vmem_shared>> -> memref<250x64xf32, #tpu.memory_space<vmem_shared>>
        %dma_wait3A_60 = arith.constant 0 : i32
        %dma_wait3A_61 = tpu.memref_slice %arg12[%add3A_31, %dma_wait3A_60] : memref<20016x64xf32, #tpu.memory_space<vmem_shared>> -> memref<250x64xf32, #tpu.memory_space<vmem_shared>>
        tpu.wait_dma2 semaphore(%run_scoped3A : memref<!tpu.dma_semaphore, #tpu.memory_space<semaphore_mem>>) src(%arg11 : memref<250x64xf32, #tpu.memory_space<vmem>>) dst(%dma_wait3A_61 : memref<250x64xf32, #tpu.memory_space<vmem_shared>>)
        tpu.yield
      }) : () -> ()
      %mul3A_32 = arith.constant 1250 : i32
      %mul3A_33 = arith.muli %arg1, %mul3A_32 : i32
      %add3A_34 = arith.constant 750 : i32
      %add3A_35 = arith.addi %mul3A_33, %add3A_34 : i32
      "tpu.region"() ({
        %run_scoped3A = tpu.sem_alloc : memref<!tpu.dma_semaphore, #tpu.memory_space<semaphore_mem>>
        %dma_start3A = arith.constant 0 : i32
        %dma_start3A_56 = tpu.memref_slice %arg12[%add3A_35, %dma_start3A] : memref<20016x64xf32, #tpu.memory_space<vmem_shared>> -> memref<250x64xf32, #tpu.memory_space<vmem_shared>>
        %dma_start3A_57 = arith.constant 0 : i32
        %dma_start3A_58 = tpu.memref_slice %arg12[%add3A_35, %dma_start3A_57] : memref<20016x64xf32, #tpu.memory_space<vmem_shared>> -> memref<250x64xf32, #tpu.memory_space<vmem_shared>>
        tpu.enqueue_dma source(%arg11 : memref<250x64xf32, #tpu.memory_space<vmem>>) target(%dma_start3A_58 : memref<250x64xf32, #tpu.memory_space<vmem_shared>>) target_semaphore(%run_scoped3A : memref<!tpu.dma_semaphore, #tpu.memory_space<semaphore_mem>>)
        %dma_wait3A = arith.constant 0 : i32
        %dma_wait3A_59 = tpu.memref_slice %arg12[%add3A_35, %dma_wait3A] : memref<20016x64xf32, #tpu.memory_space<vmem_shared>> -> memref<250x64xf32, #tpu.memory_space<vmem_shared>>
        %dma_wait3A_60 = arith.constant 0 : i32
        %dma_wait3A_61 = tpu.memref_slice %arg12[%add3A_35, %dma_wait3A_60] : memref<20016x64xf32, #tpu.memory_space<vmem_shared>> -> memref<250x64xf32, #tpu.memory_space<vmem_shared>>
        tpu.wait_dma2 semaphore(%run_scoped3A : memref<!tpu.dma_semaphore, #tpu.memory_space<semaphore_mem>>) src(%arg11 : memref<250x64xf32, #tpu.memory_space<vmem>>) dst(%dma_wait3A_61 : memref<250x64xf32, #tpu.memory_space<vmem_shared>>)
        tpu.yield
      }) : () -> ()
      %mul3A_36 = arith.constant 1250 : i32
      %mul3A_37 = arith.muli %arg1, %mul3A_36 : i32
      %add3A_38 = arith.constant 1000 : i32
      %add3A_39 = arith.addi %mul3A_37, %add3A_38 : i32
      "tpu.region"() ({
        %run_scoped3A = tpu.sem_alloc : memref<!tpu.dma_semaphore, #tpu.memory_space<semaphore_mem>>
        %dma_start3A = arith.constant 0 : i32
        %dma_start3A_56 = tpu.memref_slice %arg12[%add3A_39, %dma_start3A] : memref<20016x64xf32, #tpu.memory_space<vmem_shared>> -> memref<250x64xf32, #tpu.memory_space<vmem_shared>>
        %dma_start3A_57 = arith.constant 0 : i32
        %dma_start3A_58 = tpu.memref_slice %arg12[%add3A_39, %dma_start3A_57] : memref<20016x64xf32, #tpu.memory_space<vmem_shared>> -> memref<250x64xf32, #tpu.memory_space<vmem_shared>>
        tpu.enqueue_dma source(%arg11 : memref<250x64xf32, #tpu.memory_space<vmem>>) target(%dma_start3A_58 : memref<250x64xf32, #tpu.memory_space<vmem_shared>>) target_semaphore(%run_scoped3A : memref<!tpu.dma_semaphore, #tpu.memory_space<semaphore_mem>>)
        %dma_wait3A = arith.constant 0 : i32
        %dma_wait3A_59 = tpu.memref_slice %arg12[%add3A_39, %dma_wait3A] : memref<20016x64xf32, #tpu.memory_space<vmem_shared>> -> memref<250x64xf32, #tpu.memory_space<vmem_shared>>
        %dma_wait3A_60 = arith.constant 0 : i32
        %dma_wait3A_61 = tpu.memref_slice %arg12[%add3A_39, %dma_wait3A_60] : memref<20016x64xf32, #tpu.memory_space<vmem_shared>> -> memref<250x64xf32, #tpu.memory_space<vmem_shared>>
        tpu.wait_dma2 semaphore(%run_scoped3A : memref<!tpu.dma_semaphore, #tpu.memory_space<semaphore_mem>>) src(%arg11 : memref<250x64xf32, #tpu.memory_space<vmem>>) dst(%dma_wait3A_61 : memref<250x64xf32, #tpu.memory_space<vmem_shared>>)
        tpu.yield
      }) : () -> ()
      %barrier3A = arith.constant 0 : index
      tpu.barrier barrier_id(%barrier3A)
      %scan3A_40 = arith.constant 0 : i32
      %scan3A_41 = arith.constant 0 : i32
      %scan3A_42 = arith.constant 10 : i32
      %scan3A_43 = arith.addi %scan3A_41, %scan3A_42 : i32
      %scan3A_44 = arith.constant 1 : i32
      %scan3A_45 = scf.for %scan3A_56 = %scan3A_41 to %scan3A_43 step %scan3A_44 iter_args(%scan3A_57 = %scan3A_40) -> (i32)  : i32 {
        %mul3A_58 = arith.constant 2000 : i32
        %mul3A_59 = arith.muli %scan3A_56, %mul3A_58 : i32
        %add3A_60 = arith.addi %mul3A_0, %mul3A_59 : i32
        "tpu.region"() ({
          %run_scoped3A = tpu.sem_alloc : memref<!tpu.dma_semaphore, #tpu.memory_space<semaphore_mem>>
          %dma_start3A = tpu.memref_slice %arg3[%add3A_60] : memref<320000xi32, #tpu.memory_space<hbm>> -> memref<2000xi32, #tpu.memory_space<hbm>>
          %dma_start3A_67 = tpu.memref_slice %arg3[%add3A_60] : memref<320000xi32, #tpu.memory_space<hbm>> -> memref<2000xi32, #tpu.memory_space<hbm>>
          tpu.enqueue_dma source(%dma_start3A_67 : memref<2000xi32, #tpu.memory_space<hbm>>) target(%arg5 : memref<2000xi32, #tpu.memory_space<vmem>>) target_semaphore(%run_scoped3A : memref<!tpu.dma_semaphore, #tpu.memory_space<semaphore_mem>>)
          %dma_wait3A = tpu.memref_slice %arg3[%add3A_60] : memref<320000xi32, #tpu.memory_space<hbm>> -> memref<2000xi32, #tpu.memory_space<hbm>>
          %dma_wait3A_68 = tpu.memref_slice %arg3[%add3A_60] : memref<320000xi32, #tpu.memory_space<hbm>> -> memref<2000xi32, #tpu.memory_space<hbm>>
          tpu.wait_dma2 semaphore(%run_scoped3A : memref<!tpu.dma_semaphore, #tpu.memory_space<semaphore_mem>>) src(%dma_wait3A_68 : memref<2000xi32, #tpu.memory_space<hbm>>) dst(%arg5 : memref<2000xi32, #tpu.memory_space<vmem>>)
          tpu.yield
        }) : () -> ()
        %scan3A_61 = arith.constant 0 : i32
        %scan3A_62 = arith.constant 125 : i32
        %scan3A_63 = arith.addi %scan3A_61, %scan3A_62 : i32
        %scan3A_64 = arith.constant 1 : i32
        %scan3A_65 = scf.for %scan3A_67 = %scan3A_61 to %scan3A_63 step %scan3A_64 iter_args(%scan3A_68 = %scan3A_57) -> (i32)  : i32 {
          %mul3A_69 = arith.constant 16 : i32
          %mul3A_70 = arith.muli %scan3A_67, %mul3A_69 : i32
          %get3A = arith.index_cast %mul3A_70 : i32 to index
          %get3A_71 = tpu.vector_load %arg5[%get3A] {strides = array<i32>} : memref<2000xi32, #tpu.memory_space<vmem>>, vector<16xi32>,
          %ge3A = vector.broadcast %mul3A_19 : i32 to vector<16xi32>
          %ge3A_72 = arith.cmpi sge, %get3A_71, %ge3A : vector<16xi32>
          %add3A_73 = arith.constant 20000 : i32
          %add3A_74 = arith.addi %mul3A_19, %add3A_73 : i32
          %lt3A = vector.broadcast %add3A_74 : i32 to vector<16xi32>
          %lt3A_75 = arith.cmpi slt, %get3A_71, %lt3A : vector<16xi32>
          %and3A = arith.andi %ge3A_72, %lt3A_75 : vector<16xi1>
          %convert_element_type3A_76 = arith.extui %and3A : vector<16xi1> to vector<16xi32>
          %broadcast_in_dim3A = arith.constant true
          %broadcast_in_dim3A_77 = vector.broadcast %broadcast_in_dim3A : i1 to vector<16xi1>
          %masked_cumsum3A = tpu.scan <sum>, %convert_element_type3A_76 masked %broadcast_in_dim3A_77 : vector<16xi32>, vector<16xi1> -> vector<16xi32>
          %add3A_78 = vector.broadcast %scan3A_68 : i32 to vector<16xi32>
          %add3A_79 = arith.addi %add3A_78, %masked_cumsum3A : vector<16xi32>
          %sub3A = arith.subi %add3A_79, %convert_element_type3A_76 : vector<16xi32>
          %mul3A_80 = arith.constant 2000 : i32
          %mul3A_81 = arith.muli %scan3A_56, %mul3A_80 : i32
          %add3A_82 = arith.addi %mul3A_0, %mul3A_81 : i32
          %mul3A_83 = arith.constant 16 : i32
          %mul3A_84 = arith.muli %scan3A_67, %mul3A_83 : i32
          %add3A_85 = arith.addi %add3A_82, %mul3A_84 : i32
          %add3A_86 = vector.broadcast %add3A_85 : i32 to vector<16xi32>
          %add3A_87 = arith.addi %add3A_86, %iota3A : vector<16xi32>
          tpu.vector_store_idx %arg6[%sub3A], %add3A_87 masked %and3A : memref<144xi32, #tpu.memory_space<vmem>>[vector<16xi32>], vector<16xi32>, vector<16xi1>
          %sub3A_88 = vector.broadcast %mul3A_19 : i32 to vector<16xi32>
          %sub3A_89 = arith.subi %get3A_71, %sub3A_88 : vector<16xi32>
          tpu.vector_store_idx %arg7[%sub3A], %sub3A_89 masked %and3A : memref<144xi32, #tpu.memory_space<vmem>>[vector<16xi32>], vector<16xi32>, vector<16xi1>
          %reduce_sum3A = arith.constant true
          %reduce_sum3A_90 = vector.broadcast %reduce_sum3A : i1 to vector<16xi1>
          %reduce_sum3A_91 = tpu.scan <sum>, %convert_element_type3A_76 masked %reduce_sum3A_90 : vector<16xi32>, vector<16xi1> -> vector<16xi32>
          %reduce_sum3A_92 = vector.extract %reduce_sum3A_91[15] : i32 from vector<16xi32>
          %add3A_93 = arith.addi %scan3A_68, %reduce_sum3A_92 : i32
          %ge3A_94 = arith.constant 128 : i32
          %ge3A_95 = arith.cmpi sge, %add3A_93, %ge3A_94 : i32
          %convert_element_type3A_96 = arith.extui %ge3A_95 : i1 to i32
          %cond3A_97 = arith.constant 0 : i32
          %cond3A_98 = arith.cmpi ne, %convert_element_type3A_96, %cond3A_97 : i32
          %cond3A_99 = scf.if %cond3A_98 -> (i32) {
            %get3A_100 = arith.constant 0 : index
            %get3A_101 = tpu.vector_load %arg6[%get3A_100] {strides = array<i32>} : memref<144xi32, #tpu.memory_space<vmem>>, vector<16xi32>,
            %swap3A = arith.constant 0 : i32
            %swap3A_102 = arith.index_cast %swap3A : i32 to index
            %swap3A_103 = arith.constant 0 : index
            %swap3A_104 = tpu.vector_load %arg8[%swap3A_102, %swap3A_103] {strides = array<i32>} : memref<1x128xi32, #tpu.memory_space<vmem>>, vector<16xi32>,
            tpu.vector_store %arg8[%swap3A_102, %swap3A_103], %get3A_101 {strides = array<i32>} : memref<1x128xi32, #tpu.memory_space<vmem>>, vector<16xi32>,
            %get3A_105 = arith.constant 0 : index
            %get3A_106 = tpu.vector_load %arg7[%get3A_105] {strides = array<i32>} : memref<144xi32, #tpu.memory_space<vmem>>, vector<16xi32>,
            %swap3A_107 = arith.constant 0 : i32
            %swap3A_108 = arith.index_cast %swap3A_107 : i32 to index
            %swap3A_109 = arith.constant 0 : index
            %swap3A_110 = tpu.vector_load %arg9[%swap3A_108, %swap3A_109] {strides = array<i32>} : memref<1x128xi32, #tpu.memory_space<vmem>>, vector<16xi32>,
            tpu.vector_store %arg9[%swap3A_108, %swap3A_109], %get3A_106 {strides = array<i32>} : memref<1x128xi32, #tpu.memory_space<vmem>>, vector<16xi32>,
            %get3A_111 = arith.constant 16 : index
            %get3A_112 = tpu.vector_load %arg6[%get3A_111] {strides = array<i32>} : memref<144xi32, #tpu.memory_space<vmem>>, vector<16xi32>,
            %swap3A_113 = arith.constant 0 : i32
            %swap3A_114 = arith.index_cast %swap3A_113 : i32 to index
            %swap3A_115 = arith.constant 16 : index
            %swap3A_116 = tpu.vector_load %arg8[%swap3A_114, %swap3A_115] {strides = array<i32>} : memref<1x128xi32, #tpu.memory_space<vmem>>, vector<16xi32>,
            tpu.vector_store %arg8[%swap3A_114, %swap3A_115], %get3A_112 {strides = array<i32>} : memref<1x128xi32, #tpu.memory_space<vmem>>, vector<16xi32>,
            %get3A_117 = arith.constant 16 : index
            %get3A_118 = tpu.vector_load %arg7[%get3A_117] {strides = array<i32>} : memref<144xi32, #tpu.memory_space<vmem>>, vector<16xi32>,
            %swap3A_119 = arith.constant 0 : i32
            %swap3A_120 = arith.index_cast %swap3A_119 : i32 to index
            %swap3A_121 = arith.constant 16 : index
            %swap3A_122 = tpu.vector_load %arg9[%swap3A_120, %swap3A_121] {strides = array<i32>} : memref<1x128xi32, #tpu.memory_space<vmem>>, vector<16xi32>,
            tpu.vector_store %arg9[%swap3A_120, %swap3A_121], %get3A_118 {strides = array<i32>} : memref<1x128xi32, #tpu.memory_space<vmem>>, vector<16xi32>,
            %get3A_123 = arith.constant 32 : index
            %get3A_124 = tpu.vector_load %arg6[%get3A_123] {strides = array<i32>} : memref<144xi32, #tpu.memory_space<vmem>>, vector<16xi32>,
            %swap3A_125 = arith.constant 0 : i32
            %swap3A_126 = arith.index_cast %swap3A_125 : i32 to index
            %swap3A_127 = arith.constant 32 : index
            %swap3A_128 = tpu.vector_load %arg8[%swap3A_126, %swap3A_127] {strides = array<i32>} : memref<1x128xi32, #tpu.memory_space<vmem>>, vector<16xi32>,
            tpu.vector_store %arg8[%swap3A_126, %swap3A_127], %get3A_124 {strides = array<i32>} : memref<1x128xi32, #tpu.memory_space<vmem>>, vector<16xi32>,
            %get3A_129 = arith.constant 32 : index
            %get3A_130 = tpu.vector_load %arg7[%get3A_129] {strides = array<i32>} : memref<144xi32, #tpu.memory_space<vmem>>, vector<16xi32>,
            %swap3A_131 = arith.constant 0 : i32
            %swap3A_132 = arith.index_cast %swap3A_131 : i32 to index
            %swap3A_133 = arith.constant 32 : index
            %swap3A_134 = tpu.vector_load %arg9[%swap3A_132, %swap3A_133] {strides = array<i32>} : memref<1x128xi32, #tpu.memory_space<vmem>>, vector<16xi32>,
            tpu.vector_store %arg9[%swap3A_132, %swap3A_133], %get3A_130 {strides = array<i32>} : memref<1x128xi32, #tpu.memory_space<vmem>>, vector<16xi32>,
            %get3A_135 = arith.constant 48 : index
            %get3A_136 = tpu.vector_load %arg6[%get3A_135] {strides = array<i32>} : memref<144xi32, #tpu.memory_space<vmem>>, vector<16xi32>,
            %swap3A_137 = arith.constant 0 : i32
            %swap3A_138 = arith.index_cast %swap3A_137 : i32 to index
            %swap3A_139 = arith.constant 48 : index
            %swap3A_140 = tpu.vector_load %arg8[%swap3A_138, %swap3A_139] {strides = array<i32>} : memref<1x128xi32, #tpu.memory_space<vmem>>, vector<16xi32>,
            tpu.vector_store %arg8[%swap3A_138, %swap3A_139], %get3A_136 {strides = array<i32>} : memref<1x128xi32, #tpu.memory_space<vmem>>, vector<16xi32>,
            %get3A_141 = arith.constant 48 : index
            %get3A_142 = tpu.vector_load %arg7[%get3A_141] {strides = array<i32>} : memref<144xi32, #tpu.memory_space<vmem>>, vector<16xi32>,
            %swap3A_143 = arith.constant 0 : i32
            %swap3A_144 = arith.index_cast %swap3A_143 : i32 to index
            %swap3A_145 = arith.constant 48 : index
            %swap3A_146 = tpu.vector_load %arg9[%swap3A_144, %swap3A_145] {strides = array<i32>} : memref<1x128xi32, #tpu.memory_space<vmem>>, vector<16xi32>,
            tpu.vector_store %arg9[%swap3A_144, %swap3A_145], %get3A_142 {strides = array<i32>} : memref<1x128xi32, #tpu.memory_space<vmem>>, vector<16xi32>,
            %get3A_147 = arith.constant 64 : index
            %get3A_148 = tpu.vector_load %arg6[%get3A_147] {strides = array<i32>} : memref<144xi32, #tpu.memory_space<vmem>>, vector<16xi32>,
            %swap3A_149 = arith.constant 0 : i32
            %swap3A_150 = arith.index_cast %swap3A_149 : i32 to index
            %swap3A_151 = arith.constant 64 : index
            %swap3A_152 = tpu.vector_load %arg8[%swap3A_150, %swap3A_151] {strides = array<i32>} : memref<1x128xi32, #tpu.memory_space<vmem>>, vector<16xi32>,
            tpu.vector_store %arg8[%swap3A_150, %swap3A_151], %get3A_148 {strides = array<i32>} : memref<1x128xi32, #tpu.memory_space<vmem>>, vector<16xi32>,
            %get3A_153 = arith.constant 64 : index
            %get3A_154 = tpu.vector_load %arg7[%get3A_153] {strides = array<i32>} : memref<144xi32, #tpu.memory_space<vmem>>, vector<16xi32>,
            %swap3A_155 = arith.constant 0 : i32
            %swap3A_156 = arith.index_cast %swap3A_155 : i32 to index
            %swap3A_157 = arith.constant 64 : index
            %swap3A_158 = tpu.vector_load %arg9[%swap3A_156, %swap3A_157] {strides = array<i32>} : memref<1x128xi32, #tpu.memory_space<vmem>>, vector<16xi32>,
            tpu.vector_store %arg9[%swap3A_156, %swap3A_157], %get3A_154 {strides = array<i32>} : memref<1x128xi32, #tpu.memory_space<vmem>>, vector<16xi32>,
            %get3A_159 = arith.constant 80 : index
            %get3A_160 = tpu.vector_load %arg6[%get3A_159] {strides = array<i32>} : memref<144xi32, #tpu.memory_space<vmem>>, vector<16xi32>,
            %swap3A_161 = arith.constant 0 : i32
            %swap3A_162 = arith.index_cast %swap3A_161 : i32 to index
            %swap3A_163 = arith.constant 80 : index
            %swap3A_164 = tpu.vector_load %arg8[%swap3A_162, %swap3A_163] {strides = array<i32>} : memref<1x128xi32, #tpu.memory_space<vmem>>, vector<16xi32>,
            tpu.vector_store %arg8[%swap3A_162, %swap3A_163], %get3A_160 {strides = array<i32>} : memref<1x128xi32, #tpu.memory_space<vmem>>, vector<16xi32>,
            %get3A_165 = arith.constant 80 : index
            %get3A_166 = tpu.vector_load %arg7[%get3A_165] {strides = array<i32>} : memref<144xi32, #tpu.memory_space<vmem>>, vector<16xi32>,
            %swap3A_167 = arith.constant 0 : i32
            %swap3A_168 = arith.index_cast %swap3A_167 : i32 to index
            %swap3A_169 = arith.constant 80 : index
            %swap3A_170 = tpu.vector_load %arg9[%swap3A_168, %swap3A_169] {strides = array<i32>} : memref<1x128xi32, #tpu.memory_space<vmem>>, vector<16xi32>,
            tpu.vector_store %arg9[%swap3A_168, %swap3A_169], %get3A_166 {strides = array<i32>} : memref<1x128xi32, #tpu.memory_space<vmem>>, vector<16xi32>,
            %get3A_171 = arith.constant 96 : index
            %get3A_172 = tpu.vector_load %arg6[%get3A_171] {strides = array<i32>} : memref<144xi32, #tpu.memory_space<vmem>>, vector<16xi32>,
            %swap3A_173 = arith.constant 0 : i32
            %swap3A_174 = arith.index_cast %swap3A_173 : i32 to index
            %swap3A_175 = arith.constant 96 : index
            %swap3A_176 = tpu.vector_load %arg8[%swap3A_174, %swap3A_175] {strides = array<i32>} : memref<1x128xi32, #tpu.memory_space<vmem>>, vector<16xi32>,
            tpu.vector_store %arg8[%swap3A_174, %swap3A_175], %get3A_172 {strides = array<i32>} : memref<1x128xi32, #tpu.memory_space<vmem>>, vector<16xi32>,
            %get3A_177 = arith.constant 96 : index
            %get3A_178 = tpu.vector_load %arg7[%get3A_177] {strides = array<i32>} : memref<144xi32, #tpu.memory_space<vmem>>, vector<16xi32>,
            %swap3A_179 = arith.constant 0 : i32
            %swap3A_180 = arith.index_cast %swap3A_179 : i32 to index
            %swap3A_181 = arith.constant 96 : index
            %swap3A_182 = tpu.vector_load %arg9[%swap3A_180, %swap3A_181] {strides = array<i32>} : memref<1x128xi32, #tpu.memory_space<vmem>>, vector<16xi32>,
            tpu.vector_store %arg9[%swap3A_180, %swap3A_181], %get3A_178 {strides = array<i32>} : memref<1x128xi32, #tpu.memory_space<vmem>>, vector<16xi32>,
            %get3A_183 = arith.constant 112 : index
            %get3A_184 = tpu.vector_load %arg6[%get3A_183] {strides = array<i32>} : memref<144xi32, #tpu.memory_space<vmem>>, vector<16xi32>,
            %swap3A_185 = arith.constant 0 : i32
            %swap3A_186 = arith.index_cast %swap3A_185 : i32 to index
            %swap3A_187 = arith.constant 112 : index
            %swap3A_188 = tpu.vector_load %arg8[%swap3A_186, %swap3A_187] {strides = array<i32>} : memref<1x128xi32, #tpu.memory_space<vmem>>, vector<16xi32>,
            tpu.vector_store %arg8[%swap3A_186, %swap3A_187], %get3A_184 {strides = array<i32>} : memref<1x128xi32, #tpu.memory_space<vmem>>, vector<16xi32>,
            %get3A_189 = arith.constant 112 : index
            %get3A_190 = tpu.vector_load %arg7[%get3A_189] {strides = array<i32>} : memref<144xi32, #tpu.memory_space<vmem>>, vector<16xi32>,
            %swap3A_191 = arith.constant 0 : i32
            %swap3A_192 = arith.index_cast %swap3A_191 : i32 to index
            %swap3A_193 = arith.constant 112 : index
            %swap3A_194 = tpu.vector_load %arg9[%swap3A_192, %swap3A_193] {strides = array<i32>} : memref<1x128xi32, #tpu.memory_space<vmem>>, vector<16xi32>,
            tpu.vector_store %arg9[%swap3A_192, %swap3A_193], %get3A_190 {strides = array<i32>} : memref<1x128xi32, #tpu.memory_space<vmem>>, vector<16xi32>,
            %dma_start3A = arith.constant 0 : i32
            %dma_start3A_195 = arith.constant 0 : i32
            %dma_start3A_196 = tpu.memref_slice %arg8[%dma_start3A, %dma_start3A_195] : memref<1x128xi32, #tpu.memory_space<vmem>> -> memref<1x128xi32, #tpu.memory_space<vmem>>
            %dma_start3A_197 = tpu.memref_squeeze %dma_start3A_196 : memref<1x128xi32, #tpu.memory_space<vmem>> -> memref<128xi32, #tpu.memory_space<vmem>>
            %dma_start3A_198 = arith.constant 0 : i32
            %dma_start3A_199 = arith.constant 0 : i32
            %dma_start3A_200 = tpu.memref_slice %arg2[%dma_start3A_198, %dma_start3A_199] : memref<320000x64xf32, #tpu.memory_space<hbm>> -> memref<320000x64xf32, #tpu.memory_space<hbm>>
            tpu.enqueue_indirect_dma source(%dma_start3A_200 : memref<320000x64xf32, #tpu.memory_space<hbm>>) target(%arg10 : memref<128x64xf32, #tpu.memory_space<vmem>>) offsets(%dma_start3A_197 : memref<128xi32, #tpu.memory_space<vmem>>) semaphore(%arg13 : memref<!tpu.dma_semaphore, #tpu.memory_space<semaphore_mem>>)
            %dma_wait3A = arith.constant 0 : i32
            %dma_wait3A_201 = arith.constant 0 : i32
            %dma_wait3A_202 = tpu.memref_slice %arg8[%dma_wait3A, %dma_wait3A_201] : memref<1x128xi32, #tpu.memory_space<vmem>> -> memref<1x128xi32, #tpu.memory_space<vmem>>
            %dma_wait3A_203 = tpu.memref_squeeze %dma_wait3A_202 : memref<1x128xi32, #tpu.memory_space<vmem>> -> memref<128xi32, #tpu.memory_space<vmem>>
            %dma_wait3A_204 = arith.constant 0 : i32
            %dma_wait3A_205 = arith.constant 0 : i32
            %dma_wait3A_206 = tpu.memref_slice %arg2[%dma_wait3A_204, %dma_wait3A_205] : memref<320000x64xf32, #tpu.memory_space<hbm>> -> memref<320000x64xf32, #tpu.memory_space<hbm>>
            tpu.wait_indirect_dma semaphore(%arg13 : memref<!tpu.dma_semaphore, #tpu.memory_space<semaphore_mem>>) src(%dma_wait3A_206 : memref<320000x64xf32, #tpu.memory_space<hbm>>) dst(%arg10 : memref<128x64xf32, #tpu.memory_space<vmem>>)
            %run_scoped3A = arith.constant 0 : i32
            "tpu.region"() ({
              %run_scoped3A_217 = tpu.sem_alloc : memref<!tpu.dma_semaphore, #tpu.memory_space<semaphore_mem>>
              %dma_start3A_218 = arith.constant 0 : i32
              %dma_start3A_219 = tpu.memref_slice %arg9[%run_scoped3A, %dma_start3A_218] : memref<1x128xi32, #tpu.memory_space<vmem>> -> memref<1x128xi32, #tpu.memory_space<vmem>>
              %dma_start3A_220 = tpu.memref_squeeze %dma_start3A_219 : memref<1x128xi32, #tpu.memory_space<vmem>> -> memref<128xi32, #tpu.memory_space<vmem>>
              %dma_start3A_221 = arith.constant 0 : i32
              %dma_start3A_222 = arith.constant 0 : i32
              %dma_start3A_223 = tpu.memref_slice %arg12[%dma_start3A_221, %dma_start3A_222] : memref<20016x64xf32, #tpu.memory_space<vmem_shared>> -> memref<20016x64xf32, #tpu.memory_space<vmem_shared>>
              tpu.enqueue_indirect_dma source(%arg10 : memref<128x64xf32, #tpu.memory_space<vmem>>) target(%dma_start3A_223 : memref<20016x64xf32, #tpu.memory_space<vmem_shared>>) offsets(%dma_start3A_220 : memref<128xi32, #tpu.memory_space<vmem>>) semaphore(%run_scoped3A_217 : memref<!tpu.dma_semaphore, #tpu.memory_space<semaphore_mem>>) {add = true}
              %dma_wait3A_224 = arith.constant 0 : i32
              %dma_wait3A_225 = tpu.memref_slice %arg9[%run_scoped3A, %dma_wait3A_224] : memref<1x128xi32, #tpu.memory_space<vmem>> -> memref<1x128xi32, #tpu.memory_space<vmem>>
              %dma_wait3A_226 = tpu.memref_squeeze %dma_wait3A_225 : memref<1x128xi32, #tpu.memory_space<vmem>> -> memref<128xi32, #tpu.memory_space<vmem>>
              %dma_wait3A_227 = arith.constant 0 : i32
              %dma_wait3A_228 = arith.constant 0 : i32
              %dma_wait3A_229 = tpu.memref_slice %arg12[%dma_wait3A_227, %dma_wait3A_228] : memref<20016x64xf32, #tpu.memory_space<vmem_shared>> -> memref<20016x64xf32, #tpu.memory_space<vmem_shared>>
              tpu.wait_indirect_dma semaphore(%run_scoped3A_217 : memref<!tpu.dma_semaphore, #tpu.memory_space<semaphore_mem>>) src(%arg10 : memref<128x64xf32, #tpu.memory_space<vmem>>) dst(%dma_wait3A_229 : memref<20016x64xf32, #tpu.memory_space<vmem_shared>>)
              tpu.yield
            }) : () -> ()
            %get3A_207 = arith.constant 128 : index
            %get3A_208 = tpu.vector_load %arg6[%get3A_207] {strides = array<i32>} : memref<144xi32, #tpu.memory_space<vmem>>, vector<16xi32>,
            %swap3A_209 = arith.constant 0 : index
            %swap3A_210 = tpu.vector_load %arg6[%swap3A_209] {strides = array<i32>} : memref<144xi32, #tpu.memory_space<vmem>>, vector<16xi32>,
            tpu.vector_store %arg6[%swap3A_209], %get3A_208 {strides = array<i32>} : memref<144xi32, #tpu.memory_space<vmem>>, vector<16xi32>,
            %get3A_211 = arith.constant 128 : index
            %get3A_212 = tpu.vector_load %arg7[%get3A_211] {strides = array<i32>} : memref<144xi32, #tpu.memory_space<vmem>>, vector<16xi32>,
            %swap3A_213 = arith.constant 0 : index
            %swap3A_214 = tpu.vector_load %arg7[%swap3A_213] {strides = array<i32>} : memref<144xi32, #tpu.memory_space<vmem>>, vector<16xi32>,
            tpu.vector_store %arg7[%swap3A_213], %get3A_212 {strides = array<i32>} : memref<144xi32, #tpu.memory_space<vmem>>, vector<16xi32>,
            %sub3A_215 = arith.constant 128 : i32
            %sub3A_216 = arith.subi %add3A_93, %sub3A_215 : i32
            scf.yield %sub3A_216 : i32
          } else {
            scf.yield %add3A_93 : i32
          }
          scf.yield %cond3A_99 : i32
        }
        %scan3A_66 = arith.constant 125 : i32
        scf.yield %scan3A_65 : i32
      }
      %scan3A_46 = arith.constant 10 : i32
      %gt3A = arith.constant 0 : i32
      %gt3A_47 = arith.cmpi sgt, %scan3A_45, %gt3A : i32
      %convert_element_type3A = arith.extui %gt3A_47 : i1 to i32
      %cond3A = arith.constant 0 : i32
      %cond3A_48 = arith.cmpi ne, %convert_element_type3A, %cond3A : i32
      scf.if %cond3A_48 {
        %add3A_56 = arith.constant 0 : i32
        %add3A_57 = vector.broadcast %add3A_56 : i32 to vector<16xi32>
        %add3A_58 = arith.addi %add3A_57, %iota3A : vector<16xi32>
        %ge3A = vector.broadcast %scan3A_45 : i32 to vector<16xi32>
        %ge3A_59 = arith.cmpi sge, %add3A_58, %ge3A : vector<16xi32>
        tpu.vector_store_idx %arg6[%add3A_58], %iota3A masked %ge3A_59 : memref<144xi32, #tpu.memory_space<vmem>>[vector<16xi32>], vector<16xi32>, vector<16xi1>
        %add3A_60 = arith.constant 20000 : i32
        %add3A_61 = vector.broadcast %add3A_60 : i32 to vector<16xi32>
        %add3A_62 = arith.addi %add3A_61, %iota3A : vector<16xi32>
        tpu.vector_store_idx %arg7[%add3A_58], %add3A_62 masked %ge3A_59 : memref<144xi32, #tpu.memory_space<vmem>>[vector<16xi32>], vector<16xi32>, vector<16xi1>
        %add3A_63 = arith.constant 16 : i32
        %add3A_64 = vector.broadcast %add3A_63 : i32 to vector<16xi32>
        %add3A_65 = arith.addi %add3A_64, %iota3A : vector<16xi32>
        %ge3A_66 = vector.broadcast %scan3A_45 : i32 to vector<16xi32>
        %ge3A_67 = arith.cmpi sge, %add3A_65, %ge3A_66 : vector<16xi32>
        tpu.vector_store_idx %arg6[%add3A_65], %iota3A masked %ge3A_67 : memref<144xi32, #tpu.memory_space<vmem>>[vector<16xi32>], vector<16xi32>, vector<16xi1>
        %add3A_68 = arith.constant 20000 : i32
        %add3A_69 = vector.broadcast %add3A_68 : i32 to vector<16xi32>
        %add3A_70 = arith.addi %add3A_69, %iota3A : vector<16xi32>
        tpu.vector_store_idx %arg7[%add3A_65], %add3A_70 masked %ge3A_67 : memref<144xi32, #tpu.memory_space<vmem>>[vector<16xi32>], vector<16xi32>, vector<16xi1>
        %add3A_71 = arith.constant 32 : i32
        %add3A_72 = vector.broadcast %add3A_71 : i32 to vector<16xi32>
        %add3A_73 = arith.addi %add3A_72, %iota3A : vector<16xi32>
        %ge3A_74 = vector.broadcast %scan3A_45 : i32 to vector<16xi32>
        %ge3A_75 = arith.cmpi sge, %add3A_73, %ge3A_74 : vector<16xi32>
        tpu.vector_store_idx %arg6[%add3A_73], %iota3A masked %ge3A_75 : memref<144xi32, #tpu.memory_space<vmem>>[vector<16xi32>], vector<16xi32>, vector<16xi1>
        %add3A_76 = arith.constant 20000 : i32
        %add3A_77 = vector.broadcast %add3A_76 : i32 to vector<16xi32>
        %add3A_78 = arith.addi %add3A_77, %iota3A : vector<16xi32>
        tpu.vector_store_idx %arg7[%add3A_73], %add3A_78 masked %ge3A_75 : memref<144xi32, #tpu.memory_space<vmem>>[vector<16xi32>], vector<16xi32>, vector<16xi1>
        %add3A_79 = arith.constant 48 : i32
        %add3A_80 = vector.broadcast %add3A_79 : i32 to vector<16xi32>
        %add3A_81 = arith.addi %add3A_80, %iota3A : vector<16xi32>
        %ge3A_82 = vector.broadcast %scan3A_45 : i32 to vector<16xi32>
        %ge3A_83 = arith.cmpi sge, %add3A_81, %ge3A_82 : vector<16xi32>
        tpu.vector_store_idx %arg6[%add3A_81], %iota3A masked %ge3A_83 : memref<144xi32, #tpu.memory_space<vmem>>[vector<16xi32>], vector<16xi32>, vector<16xi1>
        %add3A_84 = arith.constant 20000 : i32
        %add3A_85 = vector.broadcast %add3A_84 : i32 to vector<16xi32>
        %add3A_86 = arith.addi %add3A_85, %iota3A : vector<16xi32>
        tpu.vector_store_idx %arg7[%add3A_81], %add3A_86 masked %ge3A_83 : memref<144xi32, #tpu.memory_space<vmem>>[vector<16xi32>], vector<16xi32>, vector<16xi1>
        %add3A_87 = arith.constant 64 : i32
        %add3A_88 = vector.broadcast %add3A_87 : i32 to vector<16xi32>
        %add3A_89 = arith.addi %add3A_88, %iota3A : vector<16xi32>
        %ge3A_90 = vector.broadcast %scan3A_45 : i32 to vector<16xi32>
        %ge3A_91 = arith.cmpi sge, %add3A_89, %ge3A_90 : vector<16xi32>
        tpu.vector_store_idx %arg6[%add3A_89], %iota3A masked %ge3A_91 : memref<144xi32, #tpu.memory_space<vmem>>[vector<16xi32>], vector<16xi32>, vector<16xi1>
        %add3A_92 = arith.constant 20000 : i32
        %add3A_93 = vector.broadcast %add3A_92 : i32 to vector<16xi32>
        %add3A_94 = arith.addi %add3A_93, %iota3A : vector<16xi32>
        tpu.vector_store_idx %arg7[%add3A_89], %add3A_94 masked %ge3A_91 : memref<144xi32, #tpu.memory_space<vmem>>[vector<16xi32>], vector<16xi32>, vector<16xi1>
        %add3A_95 = arith.constant 80 : i32
        %add3A_96 = vector.broadcast %add3A_95 : i32 to vector<16xi32>
        %add3A_97 = arith.addi %add3A_96, %iota3A : vector<16xi32>
        %ge3A_98 = vector.broadcast %scan3A_45 : i32 to vector<16xi32>
        %ge3A_99 = arith.cmpi sge, %add3A_97, %ge3A_98 : vector<16xi32>
        tpu.vector_store_idx %arg6[%add3A_97], %iota3A masked %ge3A_99 : memref<144xi32, #tpu.memory_space<vmem>>[vector<16xi32>], vector<16xi32>, vector<16xi1>
        %add3A_100 = arith.constant 20000 : i32
        %add3A_101 = vector.broadcast %add3A_100 : i32 to vector<16xi32>
        %add3A_102 = arith.addi %add3A_101, %iota3A : vector<16xi32>
        tpu.vector_store_idx %arg7[%add3A_97], %add3A_102 masked %ge3A_99 : memref<144xi32, #tpu.memory_space<vmem>>[vector<16xi32>], vector<16xi32>, vector<16xi1>
        %add3A_103 = arith.constant 96 : i32
        %add3A_104 = vector.broadcast %add3A_103 : i32 to vector<16xi32>
        %add3A_105 = arith.addi %add3A_104, %iota3A : vector<16xi32>
        %ge3A_106 = vector.broadcast %scan3A_45 : i32 to vector<16xi32>
        %ge3A_107 = arith.cmpi sge, %add3A_105, %ge3A_106 : vector<16xi32>
        tpu.vector_store_idx %arg6[%add3A_105], %iota3A masked %ge3A_107 : memref<144xi32, #tpu.memory_space<vmem>>[vector<16xi32>], vector<16xi32>, vector<16xi1>
        %add3A_108 = arith.constant 20000 : i32
        %add3A_109 = vector.broadcast %add3A_108 : i32 to vector<16xi32>
        %add3A_110 = arith.addi %add3A_109, %iota3A : vector<16xi32>
        tpu.vector_store_idx %arg7[%add3A_105], %add3A_110 masked %ge3A_107 : memref<144xi32, #tpu.memory_space<vmem>>[vector<16xi32>], vector<16xi32>, vector<16xi1>
        %add3A_111 = arith.constant 112 : i32
        %add3A_112 = vector.broadcast %add3A_111 : i32 to vector<16xi32>
        %add3A_113 = arith.addi %add3A_112, %iota3A : vector<16xi32>
        %ge3A_114 = vector.broadcast %scan3A_45 : i32 to vector<16xi32>
        %ge3A_115 = arith.cmpi sge, %add3A_113, %ge3A_114 : vector<16xi32>
        tpu.vector_store_idx %arg6[%add3A_113], %iota3A masked %ge3A_115 : memref<144xi32, #tpu.memory_space<vmem>>[vector<16xi32>], vector<16xi32>, vector<16xi1>
        %add3A_116 = arith.constant 20000 : i32
        %add3A_117 = vector.broadcast %add3A_116 : i32 to vector<16xi32>
        %add3A_118 = arith.addi %add3A_117, %iota3A : vector<16xi32>
        tpu.vector_store_idx %arg7[%add3A_113], %add3A_118 masked %ge3A_115 : memref<144xi32, #tpu.memory_space<vmem>>[vector<16xi32>], vector<16xi32>, vector<16xi1>
        %get3A = arith.constant 0 : index
        %get3A_119 = tpu.vector_load %arg6[%get3A] {strides = array<i32>} : memref<144xi32, #tpu.memory_space<vmem>>, vector<16xi32>,
        %swap3A = arith.constant 0 : i32
        %swap3A_120 = arith.index_cast %swap3A : i32 to index
        %swap3A_121 = arith.constant 0 : index
        %swap3A_122 = tpu.vector_load %arg8[%swap3A_120, %swap3A_121] {strides = array<i32>} : memref<1x128xi32, #tpu.memory_space<vmem>>, vector<16xi32>,
        tpu.vector_store %arg8[%swap3A_120, %swap3A_121], %get3A_119 {strides = array<i32>} : memref<1x128xi32, #tpu.memory_space<vmem>>, vector<16xi32>,
        %get3A_123 = arith.constant 0 : index
        %get3A_124 = tpu.vector_load %arg7[%get3A_123] {strides = array<i32>} : memref<144xi32, #tpu.memory_space<vmem>>, vector<16xi32>,
        %swap3A_125 = arith.constant 0 : i32
        %swap3A_126 = arith.index_cast %swap3A_125 : i32 to index
        %swap3A_127 = arith.constant 0 : index
        %swap3A_128 = tpu.vector_load %arg9[%swap3A_126, %swap3A_127] {strides = array<i32>} : memref<1x128xi32, #tpu.memory_space<vmem>>, vector<16xi32>,
        tpu.vector_store %arg9[%swap3A_126, %swap3A_127], %get3A_124 {strides = array<i32>} : memref<1x128xi32, #tpu.memory_space<vmem>>, vector<16xi32>,
        %get3A_129 = arith.constant 16 : index
        %get3A_130 = tpu.vector_load %arg6[%get3A_129] {strides = array<i32>} : memref<144xi32, #tpu.memory_space<vmem>>, vector<16xi32>,
        %swap3A_131 = arith.constant 0 : i32
        %swap3A_132 = arith.index_cast %swap3A_131 : i32 to index
        %swap3A_133 = arith.constant 16 : index
        %swap3A_134 = tpu.vector_load %arg8[%swap3A_132, %swap3A_133] {strides = array<i32>} : memref<1x128xi32, #tpu.memory_space<vmem>>, vector<16xi32>,
        tpu.vector_store %arg8[%swap3A_132, %swap3A_133], %get3A_130 {strides = array<i32>} : memref<1x128xi32, #tpu.memory_space<vmem>>, vector<16xi32>,
        %get3A_135 = arith.constant 16 : index
        %get3A_136 = tpu.vector_load %arg7[%get3A_135] {strides = array<i32>} : memref<144xi32, #tpu.memory_space<vmem>>, vector<16xi32>,
        %swap3A_137 = arith.constant 0 : i32
        %swap3A_138 = arith.index_cast %swap3A_137 : i32 to index
        %swap3A_139 = arith.constant 16 : index
        %swap3A_140 = tpu.vector_load %arg9[%swap3A_138, %swap3A_139] {strides = array<i32>} : memref<1x128xi32, #tpu.memory_space<vmem>>, vector<16xi32>,
        tpu.vector_store %arg9[%swap3A_138, %swap3A_139], %get3A_136 {strides = array<i32>} : memref<1x128xi32, #tpu.memory_space<vmem>>, vector<16xi32>,
        %get3A_141 = arith.constant 32 : index
        %get3A_142 = tpu.vector_load %arg6[%get3A_141] {strides = array<i32>} : memref<144xi32, #tpu.memory_space<vmem>>, vector<16xi32>,
        %swap3A_143 = arith.constant 0 : i32
        %swap3A_144 = arith.index_cast %swap3A_143 : i32 to index
        %swap3A_145 = arith.constant 32 : index
        %swap3A_146 = tpu.vector_load %arg8[%swap3A_144, %swap3A_145] {strides = array<i32>} : memref<1x128xi32, #tpu.memory_space<vmem>>, vector<16xi32>,
        tpu.vector_store %arg8[%swap3A_144, %swap3A_145], %get3A_142 {strides = array<i32>} : memref<1x128xi32, #tpu.memory_space<vmem>>, vector<16xi32>,
        %get3A_147 = arith.constant 32 : index
        %get3A_148 = tpu.vector_load %arg7[%get3A_147] {strides = array<i32>} : memref<144xi32, #tpu.memory_space<vmem>>, vector<16xi32>,
        %swap3A_149 = arith.constant 0 : i32
        %swap3A_150 = arith.index_cast %swap3A_149 : i32 to index
        %swap3A_151 = arith.constant 32 : index
        %swap3A_152 = tpu.vector_load %arg9[%swap3A_150, %swap3A_151] {strides = array<i32>} : memref<1x128xi32, #tpu.memory_space<vmem>>, vector<16xi32>,
        tpu.vector_store %arg9[%swap3A_150, %swap3A_151], %get3A_148 {strides = array<i32>} : memref<1x128xi32, #tpu.memory_space<vmem>>, vector<16xi32>,
        %get3A_153 = arith.constant 48 : index
        %get3A_154 = tpu.vector_load %arg6[%get3A_153] {strides = array<i32>} : memref<144xi32, #tpu.memory_space<vmem>>, vector<16xi32>,
        %swap3A_155 = arith.constant 0 : i32
        %swap3A_156 = arith.index_cast %swap3A_155 : i32 to index
        %swap3A_157 = arith.constant 48 : index
        %swap3A_158 = tpu.vector_load %arg8[%swap3A_156, %swap3A_157] {strides = array<i32>} : memref<1x128xi32, #tpu.memory_space<vmem>>, vector<16xi32>,
        tpu.vector_store %arg8[%swap3A_156, %swap3A_157], %get3A_154 {strides = array<i32>} : memref<1x128xi32, #tpu.memory_space<vmem>>, vector<16xi32>,
        %get3A_159 = arith.constant 48 : index
        %get3A_160 = tpu.vector_load %arg7[%get3A_159] {strides = array<i32>} : memref<144xi32, #tpu.memory_space<vmem>>, vector<16xi32>,
        %swap3A_161 = arith.constant 0 : i32
        %swap3A_162 = arith.index_cast %swap3A_161 : i32 to index
        %swap3A_163 = arith.constant 48 : index
        %swap3A_164 = tpu.vector_load %arg9[%swap3A_162, %swap3A_163] {strides = array<i32>} : memref<1x128xi32, #tpu.memory_space<vmem>>, vector<16xi32>,
        tpu.vector_store %arg9[%swap3A_162, %swap3A_163], %get3A_160 {strides = array<i32>} : memref<1x128xi32, #tpu.memory_space<vmem>>, vector<16xi32>,
        %get3A_165 = arith.constant 64 : index
        %get3A_166 = tpu.vector_load %arg6[%get3A_165] {strides = array<i32>} : memref<144xi32, #tpu.memory_space<vmem>>, vector<16xi32>,
        %swap3A_167 = arith.constant 0 : i32
        %swap3A_168 = arith.index_cast %swap3A_167 : i32 to index
        %swap3A_169 = arith.constant 64 : index
        %swap3A_170 = tpu.vector_load %arg8[%swap3A_168, %swap3A_169] {strides = array<i32>} : memref<1x128xi32, #tpu.memory_space<vmem>>, vector<16xi32>,
        tpu.vector_store %arg8[%swap3A_168, %swap3A_169], %get3A_166 {strides = array<i32>} : memref<1x128xi32, #tpu.memory_space<vmem>>, vector<16xi32>,
        %get3A_171 = arith.constant 64 : index
        %get3A_172 = tpu.vector_load %arg7[%get3A_171] {strides = array<i32>} : memref<144xi32, #tpu.memory_space<vmem>>, vector<16xi32>,
        %swap3A_173 = arith.constant 0 : i32
        %swap3A_174 = arith.index_cast %swap3A_173 : i32 to index
        %swap3A_175 = arith.constant 64 : index
        %swap3A_176 = tpu.vector_load %arg9[%swap3A_174, %swap3A_175] {strides = array<i32>} : memref<1x128xi32, #tpu.memory_space<vmem>>, vector<16xi32>,
        tpu.vector_store %arg9[%swap3A_174, %swap3A_175], %get3A_172 {strides = array<i32>} : memref<1x128xi32, #tpu.memory_space<vmem>>, vector<16xi32>,
        %get3A_177 = arith.constant 80 : index
        %get3A_178 = tpu.vector_load %arg6[%get3A_177] {strides = array<i32>} : memref<144xi32, #tpu.memory_space<vmem>>, vector<16xi32>,
        %swap3A_179 = arith.constant 0 : i32
        %swap3A_180 = arith.index_cast %swap3A_179 : i32 to index
        %swap3A_181 = arith.constant 80 : index
        %swap3A_182 = tpu.vector_load %arg8[%swap3A_180, %swap3A_181] {strides = array<i32>} : memref<1x128xi32, #tpu.memory_space<vmem>>, vector<16xi32>,
        tpu.vector_store %arg8[%swap3A_180, %swap3A_181], %get3A_178 {strides = array<i32>} : memref<1x128xi32, #tpu.memory_space<vmem>>, vector<16xi32>,
        %get3A_183 = arith.constant 80 : index
        %get3A_184 = tpu.vector_load %arg7[%get3A_183] {strides = array<i32>} : memref<144xi32, #tpu.memory_space<vmem>>, vector<16xi32>,
        %swap3A_185 = arith.constant 0 : i32
        %swap3A_186 = arith.index_cast %swap3A_185 : i32 to index
        %swap3A_187 = arith.constant 80 : index
        %swap3A_188 = tpu.vector_load %arg9[%swap3A_186, %swap3A_187] {strides = array<i32>} : memref<1x128xi32, #tpu.memory_space<vmem>>, vector<16xi32>,
        tpu.vector_store %arg9[%swap3A_186, %swap3A_187], %get3A_184 {strides = array<i32>} : memref<1x128xi32, #tpu.memory_space<vmem>>, vector<16xi32>,
        %get3A_189 = arith.constant 96 : index
        %get3A_190 = tpu.vector_load %arg6[%get3A_189] {strides = array<i32>} : memref<144xi32, #tpu.memory_space<vmem>>, vector<16xi32>,
        %swap3A_191 = arith.constant 0 : i32
        %swap3A_192 = arith.index_cast %swap3A_191 : i32 to index
        %swap3A_193 = arith.constant 96 : index
        %swap3A_194 = tpu.vector_load %arg8[%swap3A_192, %swap3A_193] {strides = array<i32>} : memref<1x128xi32, #tpu.memory_space<vmem>>, vector<16xi32>,
        tpu.vector_store %arg8[%swap3A_192, %swap3A_193], %get3A_190 {strides = array<i32>} : memref<1x128xi32, #tpu.memory_space<vmem>>, vector<16xi32>,
        %get3A_195 = arith.constant 96 : index
        %get3A_196 = tpu.vector_load %arg7[%get3A_195] {strides = array<i32>} : memref<144xi32, #tpu.memory_space<vmem>>, vector<16xi32>,
        %swap3A_197 = arith.constant 0 : i32
        %swap3A_198 = arith.index_cast %swap3A_197 : i32 to index
        %swap3A_199 = arith.constant 96 : index
        %swap3A_200 = tpu.vector_load %arg9[%swap3A_198, %swap3A_199] {strides = array<i32>} : memref<1x128xi32, #tpu.memory_space<vmem>>, vector<16xi32>,
        tpu.vector_store %arg9[%swap3A_198, %swap3A_199], %get3A_196 {strides = array<i32>} : memref<1x128xi32, #tpu.memory_space<vmem>>, vector<16xi32>,
        %get3A_201 = arith.constant 112 : index
        %get3A_202 = tpu.vector_load %arg6[%get3A_201] {strides = array<i32>} : memref<144xi32, #tpu.memory_space<vmem>>, vector<16xi32>,
        %swap3A_203 = arith.constant 0 : i32
        %swap3A_204 = arith.index_cast %swap3A_203 : i32 to index
        %swap3A_205 = arith.constant 112 : index
        %swap3A_206 = tpu.vector_load %arg8[%swap3A_204, %swap3A_205] {strides = array<i32>} : memref<1x128xi32, #tpu.memory_space<vmem>>, vector<16xi32>,
        tpu.vector_store %arg8[%swap3A_204, %swap3A_205], %get3A_202 {strides = array<i32>} : memref<1x128xi32, #tpu.memory_space<vmem>>, vector<16xi32>,
        %get3A_207 = arith.constant 112 : index
        %get3A_208 = tpu.vector_load %arg7[%get3A_207] {strides = array<i32>} : memref<144xi32, #tpu.memory_space<vmem>>, vector<16xi32>,
        %swap3A_209 = arith.constant 0 : i32
        %swap3A_210 = arith.index_cast %swap3A_209 : i32 to index
        %swap3A_211 = arith.constant 112 : index
        %swap3A_212 = tpu.vector_load %arg9[%swap3A_210, %swap3A_211] {strides = array<i32>} : memref<1x128xi32, #tpu.memory_space<vmem>>, vector<16xi32>,
        tpu.vector_store %arg9[%swap3A_210, %swap3A_211], %get3A_208 {strides = array<i32>} : memref<1x128xi32, #tpu.memory_space<vmem>>, vector<16xi32>,
        %dma_start3A = arith.constant 0 : i32
        %dma_start3A_213 = arith.constant 0 : i32
        %dma_start3A_214 = tpu.memref_slice %arg8[%dma_start3A, %dma_start3A_213] : memref<1x128xi32, #tpu.memory_space<vmem>> -> memref<1x128xi32, #tpu.memory_space<vmem>>
        %dma_start3A_215 = tpu.memref_squeeze %dma_start3A_214 : memref<1x128xi32, #tpu.memory_space<vmem>> -> memref<128xi32, #tpu.memory_space<vmem>>
        %dma_start3A_216 = arith.constant 0 : i32
        %dma_start3A_217 = arith.constant 0 : i32
        %dma_start3A_218 = tpu.memref_slice %arg2[%dma_start3A_216, %dma_start3A_217] : memref<320000x64xf32, #tpu.memory_space<hbm>> -> memref<320000x64xf32, #tpu.memory_space<hbm>>
        tpu.enqueue_indirect_dma source(%dma_start3A_218 : memref<320000x64xf32, #tpu.memory_space<hbm>>) target(%arg10 : memref<128x64xf32, #tpu.memory_space<vmem>>) offsets(%dma_start3A_215 : memref<128xi32, #tpu.memory_space<vmem>>) semaphore(%arg13 : memref<!tpu.dma_semaphore, #tpu.memory_space<semaphore_mem>>)
        %dma_wait3A = arith.constant 0 : i32
        %dma_wait3A_219 = arith.constant 0 : i32
        %dma_wait3A_220 = tpu.memref_slice %arg8[%dma_wait3A, %dma_wait3A_219] : memref<1x128xi32, #tpu.memory_space<vmem>> -> memref<1x128xi32, #tpu.memory_space<vmem>>
        %dma_wait3A_221 = tpu.memref_squeeze %dma_wait3A_220 : memref<1x128xi32, #tpu.memory_space<vmem>> -> memref<128xi32, #tpu.memory_space<vmem>>
        %dma_wait3A_222 = arith.constant 0 : i32
        %dma_wait3A_223 = arith.constant 0 : i32
        %dma_wait3A_224 = tpu.memref_slice %arg2[%dma_wait3A_222, %dma_wait3A_223] : memref<320000x64xf32, #tpu.memory_space<hbm>> -> memref<320000x64xf32, #tpu.memory_space<hbm>>
        tpu.wait_indirect_dma semaphore(%arg13 : memref<!tpu.dma_semaphore, #tpu.memory_space<semaphore_mem>>) src(%dma_wait3A_224 : memref<320000x64xf32, #tpu.memory_space<hbm>>) dst(%arg10 : memref<128x64xf32, #tpu.memory_space<vmem>>)
        %run_scoped3A = arith.constant 0 : i32
        "tpu.region"() ({
          %run_scoped3A_225 = tpu.sem_alloc : memref<!tpu.dma_semaphore, #tpu.memory_space<semaphore_mem>>
          %dma_start3A_226 = arith.constant 0 : i32
          %dma_start3A_227 = tpu.memref_slice %arg9[%run_scoped3A, %dma_start3A_226] : memref<1x128xi32, #tpu.memory_space<vmem>> -> memref<1x128xi32, #tpu.memory_space<vmem>>
          %dma_start3A_228 = tpu.memref_squeeze %dma_start3A_227 : memref<1x128xi32, #tpu.memory_space<vmem>> -> memref<128xi32, #tpu.memory_space<vmem>>
          %dma_start3A_229 = arith.constant 0 : i32
          %dma_start3A_230 = arith.constant 0 : i32
          %dma_start3A_231 = tpu.memref_slice %arg12[%dma_start3A_229, %dma_start3A_230] : memref<20016x64xf32, #tpu.memory_space<vmem_shared>> -> memref<20016x64xf32, #tpu.memory_space<vmem_shared>>
          tpu.enqueue_indirect_dma source(%arg10 : memref<128x64xf32, #tpu.memory_space<vmem>>) target(%dma_start3A_231 : memref<20016x64xf32, #tpu.memory_space<vmem_shared>>) offsets(%dma_start3A_228 : memref<128xi32, #tpu.memory_space<vmem>>) semaphore(%run_scoped3A_225 : memref<!tpu.dma_semaphore, #tpu.memory_space<semaphore_mem>>) {add = true}
          %dma_wait3A_232 = arith.constant 0 : i32
          %dma_wait3A_233 = tpu.memref_slice %arg9[%run_scoped3A, %dma_wait3A_232] : memref<1x128xi32, #tpu.memory_space<vmem>> -> memref<1x128xi32, #tpu.memory_space<vmem>>
          %dma_wait3A_234 = tpu.memref_squeeze %dma_wait3A_233 : memref<1x128xi32, #tpu.memory_space<vmem>> -> memref<128xi32, #tpu.memory_space<vmem>>
          %dma_wait3A_235 = arith.constant 0 : i32
          %dma_wait3A_236 = arith.constant 0 : i32
          %dma_wait3A_237 = tpu.memref_slice %arg12[%dma_wait3A_235, %dma_wait3A_236] : memref<20016x64xf32, #tpu.memory_space<vmem_shared>> -> memref<20016x64xf32, #tpu.memory_space<vmem_shared>>
          tpu.wait_indirect_dma semaphore(%run_scoped3A_225 : memref<!tpu.dma_semaphore, #tpu.memory_space<semaphore_mem>>) src(%arg10 : memref<128x64xf32, #tpu.memory_space<vmem>>) dst(%dma_wait3A_237 : memref<20016x64xf32, #tpu.memory_space<vmem_shared>>)
          tpu.yield
        }) : () -> ()
      } else {
      }
      %barrier3A_49 = arith.constant 0 : index
      tpu.barrier barrier_id(%barrier3A_49)
      %mul3A_50 = arith.constant 1250 : i32
      %mul3A_51 = arith.muli %arg1, %mul3A_50 : i32
      %mul3A_52 = arith.constant 1250 : i32
      %mul3A_53 = arith.muli %arg1, %mul3A_52 : i32
      %add3A_54 = arith.addi %mul3A_19, %mul3A_53 : i32
      "tpu.region"() ({
        %run_scoped3A = tpu.sem_alloc : memref<!tpu.dma_semaphore, #tpu.memory_space<semaphore_mem>>
        %dma_start3A = arith.constant 0 : i32
        %dma_start3A_56 = tpu.memref_slice %arg4[%add3A_54, %dma_start3A] : memref<320000x64xf32, #tpu.memory_space<hbm>> -> memref<1250x64xf32, #tpu.memory_space<hbm>>
        %dma_start3A_57 = arith.constant 0 : i32
        %dma_start3A_58 = tpu.memref_slice %arg12[%mul3A_51, %dma_start3A_57] : memref<20016x64xf32, #tpu.memory_space<vmem_shared>> -> memref<1250x64xf32, #tpu.memory_space<vmem_shared>>
        tpu.enqueue_dma source(%dma_start3A_58 : memref<1250x64xf32, #tpu.memory_space<vmem_shared>>) target(%dma_start3A_56 : memref<1250x64xf32, #tpu.memory_space<hbm>>) target_semaphore(%run_scoped3A : memref<!tpu.dma_semaphore, #tpu.memory_space<semaphore_mem>>)
        %dma_wait3A = arith.constant 0 : i32
        %dma_wait3A_59 = tpu.memref_slice %arg4[%add3A_54, %dma_wait3A] : memref<320000x64xf32, #tpu.memory_space<hbm>> -> memref<1250x64xf32, #tpu.memory_space<hbm>>
        %dma_wait3A_60 = arith.constant 0 : i32
        %dma_wait3A_61 = tpu.memref_slice %arg12[%mul3A_51, %dma_wait3A_60] : memref<20016x64xf32, #tpu.memory_space<vmem_shared>> -> memref<1250x64xf32, #tpu.memory_space<vmem_shared>>
        tpu.wait_dma2 semaphore(%run_scoped3A : memref<!tpu.dma_semaphore, #tpu.memory_space<semaphore_mem>>) src(%dma_wait3A_61 : memref<1250x64xf32, #tpu.memory_space<vmem_shared>>) dst(%dma_wait3A_59 : memref<1250x64xf32, #tpu.memory_space<hbm>>)
        tpu.yield
      }) : () -> ()
      %scan3A_55 = arith.constant 0 : i32
      scf.yield %scan3A_55 : i32
    }
    %scan3A_13 = arith.constant 8 : i32
    return
  }
}

#map = affine_map<(d0, d1) -> (0, 0)>
#map1 = affine_map<(d0, d1) -> (0)>
#map2 = affine_map<(d0, d1) -> (0, 0, 0)>
module attributes {stable_mosaic.version = 14 : i64} {
  func.func @_sc_gather_body(%arg0: i32, %arg1: i32, %arg2: memref<10000x64xf32, #tpu.memory_space<hbm>>, %arg3: memref<160000x48xf32, #tpu.memory_space<hbm>>, %arg4: memref<160000xf32, #tpu.memory_space<hbm>>, %arg5: memref<2500x3x128xi32, #tpu.memory_space<hbm>>, %arg6: memref<320000x64xf32, #tpu.memory_space<hbm>>, %arg7: memref<320000x64xf32, #tpu.memory_space<hbm>>, %arg8: memref<320000x48xf32, #tpu.memory_space<hbm>>, %arg9: memref<2500x128xf32, #tpu.memory_space<hbm>>, %arg10: memref<2x3x128xi32, #tpu.memory_space<vmem>>, %arg11: memref<2x128x64xf32, #tpu.memory_space<vmem>>, %arg12: memref<2x128x64xf32, #tpu.memory_space<vmem>>, %arg13: memref<2x128x48xf32, #tpu.memory_space<vmem>>, %arg14: memref<2x128xf32, #tpu.memory_space<vmem>>, %arg15: memref<!tpu.dma_semaphore, #tpu.memory_space<semaphore_mem>>, %arg16: memref<!tpu.dma_semaphore, #tpu.memory_space<semaphore_mem>>, %arg17: memref<!tpu.dma_semaphore, #tpu.memory_space<semaphore_mem>>, %arg18: memref<!tpu.dma_semaphore, #tpu.memory_space<semaphore_mem>>) attributes {dimension_semantics = [#tpu.dimension_semantics<core_parallel>, #tpu.dimension_semantics<subcore_parallel>], iteration_bounds = array<i64: 2, 16>, scalar_prefetch = 0 : i64, scratch_operands = 9 : i64, tpu.core_type = #tpu.core_type<sc_vector_subcore>, window_params = [{transform_indices = #map}, {transform_indices = #map}, {transform_indices = #map1}, {transform_indices = #map2}, {transform_indices = #map}, {transform_indices = #map}, {transform_indices = #map}, {transform_indices = #map}]} {
    %mul3A = arith.constant 2 : i32
    %mul3A_0 = arith.muli %arg1, %mul3A : i32
    %add3A = arith.addi %mul3A_0, %arg0 : i32
    %run_scoped3A = arith.constant 0 : i32
    "tpu.region"() ({
      %run_scoped3A_173 = tpu.sem_alloc : memref<!tpu.dma_semaphore, #tpu.memory_space<semaphore_mem>>
      %dma_start3A_174 = arith.constant 0 : i32
      %dma_start3A_175 = arith.constant 0 : i32
      %dma_start3A_176 = tpu.memref_slice %arg10[%run_scoped3A, %dma_start3A_174, %dma_start3A_175] : memref<2x3x128xi32, #tpu.memory_space<vmem>> -> memref<1x3x128xi32, #tpu.memory_space<vmem>>
      %dma_start3A_177 = tpu.memref_squeeze %dma_start3A_176 : memref<1x3x128xi32, #tpu.memory_space<vmem>> -> memref<3x128xi32, #tpu.memory_space<vmem>>
      %dma_start3A_178 = arith.constant 0 : i32
      %dma_start3A_179 = arith.constant 0 : i32
      %dma_start3A_180 = tpu.memref_slice %arg5[%add3A, %dma_start3A_178, %dma_start3A_179] : memref<2500x3x128xi32, #tpu.memory_space<hbm>> -> memref<1x3x128xi32, #tpu.memory_space<hbm>>
      %dma_start3A_181 = tpu.memref_squeeze %dma_start3A_180 : memref<1x3x128xi32, #tpu.memory_space<hbm>> -> memref<3x128xi32, #tpu.memory_space<hbm>>
      %dma_start3A_182 = arith.constant 0 : i32
      %dma_start3A_183 = arith.constant 0 : i32
      %dma_start3A_184 = tpu.memref_slice %arg10[%run_scoped3A, %dma_start3A_182, %dma_start3A_183] : memref<2x3x128xi32, #tpu.memory_space<vmem>> -> memref<1x3x128xi32, #tpu.memory_space<vmem>>
      %dma_start3A_185 = tpu.memref_squeeze %dma_start3A_184 : memref<1x3x128xi32, #tpu.memory_space<vmem>> -> memref<3x128xi32, #tpu.memory_space<vmem>>
      %dma_start3A_186 = arith.constant 0 : i32
      %dma_start3A_187 = arith.constant 0 : i32
      %dma_start3A_188 = tpu.memref_slice %arg5[%add3A, %dma_start3A_186, %dma_start3A_187] : memref<2500x3x128xi32, #tpu.memory_space<hbm>> -> memref<1x3x128xi32, #tpu.memory_space<hbm>>
      %dma_start3A_189 = tpu.memref_squeeze %dma_start3A_188 : memref<1x3x128xi32, #tpu.memory_space<hbm>> -> memref<3x128xi32, #tpu.memory_space<hbm>>
      tpu.enqueue_dma source(%dma_start3A_189 : memref<3x128xi32, #tpu.memory_space<hbm>>) target(%dma_start3A_185 : memref<3x128xi32, #tpu.memory_space<vmem>>) target_semaphore(%run_scoped3A_173 : memref<!tpu.dma_semaphore, #tpu.memory_space<semaphore_mem>>)
      %dma_wait3A_190 = arith.constant 0 : i32
      %dma_wait3A_191 = arith.constant 0 : i32
      %dma_wait3A_192 = tpu.memref_slice %arg10[%run_scoped3A, %dma_wait3A_190, %dma_wait3A_191] : memref<2x3x128xi32, #tpu.memory_space<vmem>> -> memref<1x3x128xi32, #tpu.memory_space<vmem>>
      %dma_wait3A_193 = tpu.memref_squeeze %dma_wait3A_192 : memref<1x3x128xi32, #tpu.memory_space<vmem>> -> memref<3x128xi32, #tpu.memory_space<vmem>>
      %dma_wait3A_194 = arith.constant 0 : i32
      %dma_wait3A_195 = arith.constant 0 : i32
      %dma_wait3A_196 = tpu.memref_slice %arg5[%add3A, %dma_wait3A_194, %dma_wait3A_195] : memref<2500x3x128xi32, #tpu.memory_space<hbm>> -> memref<1x3x128xi32, #tpu.memory_space<hbm>>
      %dma_wait3A_197 = tpu.memref_squeeze %dma_wait3A_196 : memref<1x3x128xi32, #tpu.memory_space<hbm>> -> memref<3x128xi32, #tpu.memory_space<hbm>>
      %dma_wait3A_198 = arith.constant 0 : i32
      %dma_wait3A_199 = arith.constant 0 : i32
      %dma_wait3A_200 = tpu.memref_slice %arg10[%run_scoped3A, %dma_wait3A_198, %dma_wait3A_199] : memref<2x3x128xi32, #tpu.memory_space<vmem>> -> memref<1x3x128xi32, #tpu.memory_space<vmem>>
      %dma_wait3A_201 = tpu.memref_squeeze %dma_wait3A_200 : memref<1x3x128xi32, #tpu.memory_space<vmem>> -> memref<3x128xi32, #tpu.memory_space<vmem>>
      %dma_wait3A_202 = arith.constant 0 : i32
      %dma_wait3A_203 = arith.constant 0 : i32
      %dma_wait3A_204 = tpu.memref_slice %arg5[%add3A, %dma_wait3A_202, %dma_wait3A_203] : memref<2500x3x128xi32, #tpu.memory_space<hbm>> -> memref<1x3x128xi32, #tpu.memory_space<hbm>>
      %dma_wait3A_205 = tpu.memref_squeeze %dma_wait3A_204 : memref<1x3x128xi32, #tpu.memory_space<hbm>> -> memref<3x128xi32, #tpu.memory_space<hbm>>
      tpu.wait_dma2 semaphore(%run_scoped3A_173 : memref<!tpu.dma_semaphore, #tpu.memory_space<semaphore_mem>>) src(%dma_wait3A_205 : memref<3x128xi32, #tpu.memory_space<hbm>>) dst(%dma_wait3A_201 : memref<3x128xi32, #tpu.memory_space<vmem>>)
      tpu.yield
    }) : () -> ()
    %dma_start3A = arith.constant 0 : i32
    %dma_start3A_1 = arith.constant 0 : i32
    %dma_start3A_2 = arith.constant 0 : i32
    %dma_start3A_3 = arith.constant 0 : i32
    %dma_start3A_4 = arith.constant 0 : i32
    %dma_start3A_5 = tpu.memref_slice %arg11[%dma_start3A_2, %dma_start3A_3, %dma_start3A_4] : memref<2x128x64xf32, #tpu.memory_space<vmem>> -> memref<1x128x64xf32, #tpu.memory_space<vmem>>
    %dma_start3A_6 = tpu.memref_squeeze %dma_start3A_5 : memref<1x128x64xf32, #tpu.memory_space<vmem>> -> memref<128x64xf32, #tpu.memory_space<vmem>>
    %dma_start3A_7 = arith.constant 0 : i32
    %dma_start3A_8 = tpu.memref_slice %arg10[%dma_start3A, %dma_start3A_1, %dma_start3A_7] : memref<2x3x128xi32, #tpu.memory_space<vmem>> -> memref<1x1x128xi32, #tpu.memory_space<vmem>>
    %dma_start3A_9 = tpu.memref_squeeze %dma_start3A_8 : memref<1x1x128xi32, #tpu.memory_space<vmem>> -> memref<128xi32, #tpu.memory_space<vmem>>
    %dma_start3A_10 = arith.constant 0 : i32
    %dma_start3A_11 = arith.constant 0 : i32
    %dma_start3A_12 = tpu.memref_slice %arg2[%dma_start3A_10, %dma_start3A_11] : memref<10000x64xf32, #tpu.memory_space<hbm>> -> memref<10000x64xf32, #tpu.memory_space<hbm>>
    tpu.enqueue_indirect_dma source(%dma_start3A_12 : memref<10000x64xf32, #tpu.memory_space<hbm>>) target(%dma_start3A_6 : memref<128x64xf32, #tpu.memory_space<vmem>>) offsets(%dma_start3A_9 : memref<128xi32, #tpu.memory_space<vmem>>) semaphore(%arg15 : memref<!tpu.dma_semaphore, #tpu.memory_space<semaphore_mem>>)
    %dma_start3A_13 = arith.constant 0 : i32
    %dma_start3A_14 = arith.constant 1 : i32
    %dma_start3A_15 = arith.constant 0 : i32
    %dma_start3A_16 = arith.constant 0 : i32
    %dma_start3A_17 = arith.constant 0 : i32
    %dma_start3A_18 = tpu.memref_slice %arg12[%dma_start3A_15, %dma_start3A_16, %dma_start3A_17] : memref<2x128x64xf32, #tpu.memory_space<vmem>> -> memref<1x128x64xf32, #tpu.memory_space<vmem>>
    %dma_start3A_19 = tpu.memref_squeeze %dma_start3A_18 : memref<1x128x64xf32, #tpu.memory_space<vmem>> -> memref<128x64xf32, #tpu.memory_space<vmem>>
    %dma_start3A_20 = arith.constant 0 : i32
    %dma_start3A_21 = tpu.memref_slice %arg10[%dma_start3A_13, %dma_start3A_14, %dma_start3A_20] : memref<2x3x128xi32, #tpu.memory_space<vmem>> -> memref<1x1x128xi32, #tpu.memory_space<vmem>>
    %dma_start3A_22 = tpu.memref_squeeze %dma_start3A_21 : memref<1x1x128xi32, #tpu.memory_space<vmem>> -> memref<128xi32, #tpu.memory_space<vmem>>
    %dma_start3A_23 = arith.constant 0 : i32
    %dma_start3A_24 = arith.constant 0 : i32
    %dma_start3A_25 = tpu.memref_slice %arg2[%dma_start3A_23, %dma_start3A_24] : memref<10000x64xf32, #tpu.memory_space<hbm>> -> memref<10000x64xf32, #tpu.memory_space<hbm>>
    tpu.enqueue_indirect_dma source(%dma_start3A_25 : memref<10000x64xf32, #tpu.memory_space<hbm>>) target(%dma_start3A_19 : memref<128x64xf32, #tpu.memory_space<vmem>>) offsets(%dma_start3A_22 : memref<128xi32, #tpu.memory_space<vmem>>) semaphore(%arg15 : memref<!tpu.dma_semaphore, #tpu.memory_space<semaphore_mem>>)
    %dma_start3A_26 = arith.constant 0 : i32
    %dma_start3A_27 = arith.constant 2 : i32
    %dma_start3A_28 = arith.constant 0 : i32
    %dma_start3A_29 = arith.constant 0 : i32
    %dma_start3A_30 = arith.constant 0 : i32
    %dma_start3A_31 = tpu.memref_slice %arg13[%dma_start3A_28, %dma_start3A_29, %dma_start3A_30] : memref<2x128x48xf32, #tpu.memory_space<vmem>> -> memref<1x128x48xf32, #tpu.memory_space<vmem>>
    %dma_start3A_32 = tpu.memref_squeeze %dma_start3A_31 : memref<1x128x48xf32, #tpu.memory_space<vmem>> -> memref<128x48xf32, #tpu.memory_space<vmem>>
    %dma_start3A_33 = arith.constant 0 : i32
    %dma_start3A_34 = tpu.memref_slice %arg10[%dma_start3A_26, %dma_start3A_27, %dma_start3A_33] : memref<2x3x128xi32, #tpu.memory_space<vmem>> -> memref<1x1x128xi32, #tpu.memory_space<vmem>>
    %dma_start3A_35 = tpu.memref_squeeze %dma_start3A_34 : memref<1x1x128xi32, #tpu.memory_space<vmem>> -> memref<128xi32, #tpu.memory_space<vmem>>
    %dma_start3A_36 = arith.constant 0 : i32
    %dma_start3A_37 = arith.constant 0 : i32
    %dma_start3A_38 = tpu.memref_slice %arg3[%dma_start3A_36, %dma_start3A_37] : memref<160000x48xf32, #tpu.memory_space<hbm>> -> memref<160000x48xf32, #tpu.memory_space<hbm>>
    tpu.enqueue_indirect_dma source(%dma_start3A_38 : memref<160000x48xf32, #tpu.memory_space<hbm>>) target(%dma_start3A_32 : memref<128x48xf32, #tpu.memory_space<vmem>>) offsets(%dma_start3A_35 : memref<128xi32, #tpu.memory_space<vmem>>) semaphore(%arg15 : memref<!tpu.dma_semaphore, #tpu.memory_space<semaphore_mem>>)
    %dma_start3A_39 = arith.constant 0 : i32
    %dma_start3A_40 = arith.constant 2 : i32
    %dma_start3A_41 = arith.constant 0 : i32
    %dma_start3A_42 = arith.constant 0 : i32
    %dma_start3A_43 = tpu.memref_slice %arg14[%dma_start3A_41, %dma_start3A_42] : memref<2x128xf32, #tpu.memory_space<vmem>> -> memref<1x128xf32, #tpu.memory_space<vmem>>
    %dma_start3A_44 = tpu.memref_squeeze %dma_start3A_43 : memref<1x128xf32, #tpu.memory_space<vmem>> -> memref<128xf32, #tpu.memory_space<vmem>>
    %dma_start3A_45 = arith.constant 0 : i32
    %dma_start3A_46 = tpu.memref_slice %arg10[%dma_start3A_39, %dma_start3A_40, %dma_start3A_45] : memref<2x3x128xi32, #tpu.memory_space<vmem>> -> memref<1x1x128xi32, #tpu.memory_space<vmem>>
    %dma_start3A_47 = tpu.memref_squeeze %dma_start3A_46 : memref<1x1x128xi32, #tpu.memory_space<vmem>> -> memref<128xi32, #tpu.memory_space<vmem>>
    %dma_start3A_48 = arith.constant 0 : i32
    %dma_start3A_49 = tpu.memref_slice %arg4[%dma_start3A_48] : memref<160000xf32, #tpu.memory_space<hbm>> -> memref<160000xf32, #tpu.memory_space<hbm>>
    tpu.enqueue_indirect_dma source(%dma_start3A_49 : memref<160000xf32, #tpu.memory_space<hbm>>) target(%dma_start3A_44 : memref<128xf32, #tpu.memory_space<vmem>>) offsets(%dma_start3A_47 : memref<128xi32, #tpu.memory_space<vmem>>) semaphore(%arg15 : memref<!tpu.dma_semaphore, #tpu.memory_space<semaphore_mem>>)
    %scan3A = arith.constant 0 : i32
    %scan3A_50 = arith.constant 0 : i32
    %scan3A_51 = arith.constant 40 : i32
    %scan3A_52 = arith.addi %scan3A_50, %scan3A_51 : i32
    %scan3A_53 = arith.constant 1 : i32
    %scan3A_54 = scf.for %scan3A_173 = %scan3A_50 to %scan3A_52 step %scan3A_53 iter_args(%scan3A_174 = %scan3A) -> (i32)  : i32 {
      %mul3A_175 = arith.constant 2 : i32
      %mul3A_176 = arith.muli %scan3A_173, %mul3A_175 : i32
      %add3A_177 = arith.constant 0 : i32
      %add3A_178 = arith.addi %mul3A_176, %add3A_177 : i32
      %mul3A_179 = arith.constant 32 : i32
      %mul3A_180 = arith.muli %add3A_178, %mul3A_179 : i32
      %add3A_181 = arith.addi %mul3A_180, %add3A : i32
      %add3A_182 = arith.constant 32 : i32
      %add3A_183 = arith.addi %add3A_181, %add3A_182 : i32
      %lt3A = arith.constant 2500 : i32
      %lt3A_184 = arith.cmpi slt, %add3A_183, %lt3A : i32
      %convert_element_type3A = arith.extui %lt3A_184 : i1 to i32
      %cond3A = arith.constant 0 : i32
      %cond3A_185 = arith.cmpi ne, %convert_element_type3A, %cond3A : i32
      scf.if %cond3A_185 {
        %ge3A = arith.constant 1 : i32
        %ge3A_211 = arith.cmpi sge, %add3A_178, %ge3A : i32
        %convert_element_type3A_212 = arith.extui %ge3A_211 : i1 to i32
        %cond3A_213 = arith.constant 0 : i32
        %cond3A_214 = arith.cmpi ne, %convert_element_type3A_212, %cond3A_213 : i32
        scf.if %cond3A_214 {
          %dma_wait3A_266 = arith.constant 1 : i32
          %dma_wait3A_267 = arith.constant 0 : i32
          %dma_wait3A_268 = arith.constant 0 : i32
          %dma_wait3A_269 = tpu.memref_slice %arg11[%dma_wait3A_266, %dma_wait3A_267, %dma_wait3A_268] : memref<2x128x64xf32, #tpu.memory_space<vmem>> -> memref<1x128x64xf32, #tpu.memory_space<vmem>>
          %dma_wait3A_270 = tpu.memref_squeeze %dma_wait3A_269 : memref<1x128x64xf32, #tpu.memory_space<vmem>> -> memref<128x64xf32, #tpu.memory_space<vmem>>
          %dma_wait3A_271 = arith.constant 0 : i32
          %dma_wait3A_272 = arith.constant 0 : i32
          %dma_wait3A_273 = tpu.memref_slice %arg6[%dma_wait3A_271, %dma_wait3A_272] : memref<320000x64xf32, #tpu.memory_space<hbm>> -> memref<128x64xf32, #tpu.memory_space<hbm>>
          %dma_wait3A_274 = arith.constant 0 : i32
          %dma_wait3A_275 = arith.constant 0 : i32
          %dma_wait3A_276 = tpu.memref_slice %arg6[%dma_wait3A_274, %dma_wait3A_275] : memref<320000x64xf32, #tpu.memory_space<hbm>> -> memref<128x64xf32, #tpu.memory_space<hbm>>
          %dma_wait3A_277 = arith.constant 0 : i32
          %dma_wait3A_278 = arith.constant 0 : i32
          %dma_wait3A_279 = tpu.memref_slice %arg11[%dma_wait3A_266, %dma_wait3A_277, %dma_wait3A_278] : memref<2x128x64xf32, #tpu.memory_space<vmem>> -> memref<1x128x64xf32, #tpu.memory_space<vmem>>
          %dma_wait3A_280 = tpu.memref_squeeze %dma_wait3A_279 : memref<1x128x64xf32, #tpu.memory_space<vmem>> -> memref<128x64xf32, #tpu.memory_space<vmem>>
          tpu.wait_dma2 semaphore(%arg18 : memref<!tpu.dma_semaphore, #tpu.memory_space<semaphore_mem>>) src(%dma_wait3A_280 : memref<128x64xf32, #tpu.memory_space<vmem>>) dst(%dma_wait3A_276 : memref<128x64xf32, #tpu.memory_space<hbm>>)
          %dma_wait3A_281 = arith.constant 1 : i32
          %dma_wait3A_282 = arith.constant 0 : i32
          %dma_wait3A_283 = arith.constant 0 : i32
          %dma_wait3A_284 = tpu.memref_slice %arg12[%dma_wait3A_281, %dma_wait3A_282, %dma_wait3A_283] : memref<2x128x64xf32, #tpu.memory_space<vmem>> -> memref<1x128x64xf32, #tpu.memory_space<vmem>>
          %dma_wait3A_285 = tpu.memref_squeeze %dma_wait3A_284 : memref<1x128x64xf32, #tpu.memory_space<vmem>> -> memref<128x64xf32, #tpu.memory_space<vmem>>
          %dma_wait3A_286 = arith.constant 0 : i32
          %dma_wait3A_287 = arith.constant 0 : i32
          %dma_wait3A_288 = tpu.memref_slice %arg7[%dma_wait3A_286, %dma_wait3A_287] : memref<320000x64xf32, #tpu.memory_space<hbm>> -> memref<128x64xf32, #tpu.memory_space<hbm>>
          %dma_wait3A_289 = arith.constant 0 : i32
          %dma_wait3A_290 = arith.constant 0 : i32
          %dma_wait3A_291 = tpu.memref_slice %arg7[%dma_wait3A_289, %dma_wait3A_290] : memref<320000x64xf32, #tpu.memory_space<hbm>> -> memref<128x64xf32, #tpu.memory_space<hbm>>
          %dma_wait3A_292 = arith.constant 0 : i32
          %dma_wait3A_293 = arith.constant 0 : i32
          %dma_wait3A_294 = tpu.memref_slice %arg12[%dma_wait3A_281, %dma_wait3A_292, %dma_wait3A_293] : memref<2x128x64xf32, #tpu.memory_space<vmem>> -> memref<1x128x64xf32, #tpu.memory_space<vmem>>
          %dma_wait3A_295 = tpu.memref_squeeze %dma_wait3A_294 : memref<1x128x64xf32, #tpu.memory_space<vmem>> -> memref<128x64xf32, #tpu.memory_space<vmem>>
          tpu.wait_dma2 semaphore(%arg18 : memref<!tpu.dma_semaphore, #tpu.memory_space<semaphore_mem>>) src(%dma_wait3A_295 : memref<128x64xf32, #tpu.memory_space<vmem>>) dst(%dma_wait3A_291 : memref<128x64xf32, #tpu.memory_space<hbm>>)
          %dma_wait3A_296 = arith.constant 1 : i32
          %dma_wait3A_297 = arith.constant 0 : i32
          %dma_wait3A_298 = arith.constant 0 : i32
          %dma_wait3A_299 = tpu.memref_slice %arg13[%dma_wait3A_296, %dma_wait3A_297, %dma_wait3A_298] : memref<2x128x48xf32, #tpu.memory_space<vmem>> -> memref<1x128x48xf32, #tpu.memory_space<vmem>>
          %dma_wait3A_300 = tpu.memref_squeeze %dma_wait3A_299 : memref<1x128x48xf32, #tpu.memory_space<vmem>> -> memref<128x48xf32, #tpu.memory_space<vmem>>
          %dma_wait3A_301 = arith.constant 0 : i32
          %dma_wait3A_302 = arith.constant 0 : i32
          %dma_wait3A_303 = tpu.memref_slice %arg8[%dma_wait3A_301, %dma_wait3A_302] : memref<320000x48xf32, #tpu.memory_space<hbm>> -> memref<128x48xf32, #tpu.memory_space<hbm>>
          %dma_wait3A_304 = arith.constant 0 : i32
          %dma_wait3A_305 = arith.constant 0 : i32
          %dma_wait3A_306 = tpu.memref_slice %arg8[%dma_wait3A_304, %dma_wait3A_305] : memref<320000x48xf32, #tpu.memory_space<hbm>> -> memref<128x48xf32, #tpu.memory_space<hbm>>
          %dma_wait3A_307 = arith.constant 0 : i32
          %dma_wait3A_308 = arith.constant 0 : i32
          %dma_wait3A_309 = tpu.memref_slice %arg13[%dma_wait3A_296, %dma_wait3A_307, %dma_wait3A_308] : memref<2x128x48xf32, #tpu.memory_space<vmem>> -> memref<1x128x48xf32, #tpu.memory_space<vmem>>
          %dma_wait3A_310 = tpu.memref_squeeze %dma_wait3A_309 : memref<1x128x48xf32, #tpu.memory_space<vmem>> -> memref<128x48xf32, #tpu.memory_space<vmem>>
          tpu.wait_dma2 semaphore(%arg18 : memref<!tpu.dma_semaphore, #tpu.memory_space<semaphore_mem>>) src(%dma_wait3A_310 : memref<128x48xf32, #tpu.memory_space<vmem>>) dst(%dma_wait3A_306 : memref<128x48xf32, #tpu.memory_space<hbm>>)
          %dma_wait3A_311 = arith.constant 1 : i32
          %dma_wait3A_312 = arith.constant 0 : i32
          %dma_wait3A_313 = arith.constant 0 : i32
          %dma_wait3A_314 = tpu.memref_slice %arg14[%dma_wait3A_311, %dma_wait3A_313] : memref<2x128xf32, #tpu.memory_space<vmem>> -> memref<1x128xf32, #tpu.memory_space<vmem>>
          %dma_wait3A_315 = tpu.memref_squeeze %dma_wait3A_314 : memref<1x128xf32, #tpu.memory_space<vmem>> -> memref<128xf32, #tpu.memory_space<vmem>>
          %dma_wait3A_316 = arith.constant 0 : i32
          %dma_wait3A_317 = tpu.memref_slice %arg9[%dma_wait3A_312, %dma_wait3A_316] : memref<2500x128xf32, #tpu.memory_space<hbm>> -> memref<1x128xf32, #tpu.memory_space<hbm>>
          %dma_wait3A_318 = tpu.memref_squeeze %dma_wait3A_317 : memref<1x128xf32, #tpu.memory_space<hbm>> -> memref<128xf32, #tpu.memory_space<hbm>>
          %dma_wait3A_319 = arith.constant 0 : i32
          %dma_wait3A_320 = tpu.memref_slice %arg9[%dma_wait3A_312, %dma_wait3A_319] : memref<2500x128xf32, #tpu.memory_space<hbm>> -> memref<1x128xf32, #tpu.memory_space<hbm>>
          %dma_wait3A_321 = tpu.memref_squeeze %dma_wait3A_320 : memref<1x128xf32, #tpu.memory_space<hbm>> -> memref<128xf32, #tpu.memory_space<hbm>>
          %dma_wait3A_322 = arith.constant 0 : i32
          %dma_wait3A_323 = tpu.memref_slice %arg14[%dma_wait3A_311, %dma_wait3A_322] : memref<2x128xf32, #tpu.memory_space<vmem>> -> memref<1x128xf32, #tpu.memory_space<vmem>>
          %dma_wait3A_324 = tpu.memref_squeeze %dma_wait3A_323 : memref<1x128xf32, #tpu.memory_space<vmem>> -> memref<128xf32, #tpu.memory_space<vmem>>
          tpu.wait_dma2 semaphore(%arg18 : memref<!tpu.dma_semaphore, #tpu.memory_space<semaphore_mem>>) src(%dma_wait3A_324 : memref<128xf32, #tpu.memory_space<vmem>>) dst(%dma_wait3A_321 : memref<128xf32, #tpu.memory_space<hbm>>)
        } else {
        }
        %run_scoped3A_215 = arith.constant 1 : i32
        "tpu.region"() ({
          %run_scoped3A_266 = tpu.sem_alloc : memref<!tpu.dma_semaphore, #tpu.memory_space<semaphore_mem>>
          %dma_start3A_267 = arith.constant 0 : i32
          %dma_start3A_268 = arith.constant 0 : i32
          %dma_start3A_269 = tpu.memref_slice %arg10[%run_scoped3A_215, %dma_start3A_267, %dma_start3A_268] : memref<2x3x128xi32, #tpu.memory_space<vmem>> -> memref<1x3x128xi32, #tpu.memory_space<vmem>>
          %dma_start3A_270 = tpu.memref_squeeze %dma_start3A_269 : memref<1x3x128xi32, #tpu.memory_space<vmem>> -> memref<3x128xi32, #tpu.memory_space<vmem>>
          %dma_start3A_271 = arith.constant 0 : i32
          %dma_start3A_272 = arith.constant 0 : i32
          %dma_start3A_273 = tpu.memref_slice %arg5[%add3A_183, %dma_start3A_271, %dma_start3A_272] : memref<2500x3x128xi32, #tpu.memory_space<hbm>> -> memref<1x3x128xi32, #tpu.memory_space<hbm>>
          %dma_start3A_274 = tpu.memref_squeeze %dma_start3A_273 : memref<1x3x128xi32, #tpu.memory_space<hbm>> -> memref<3x128xi32, #tpu.memory_space<hbm>>
          %dma_start3A_275 = arith.constant 0 : i32
          %dma_start3A_276 = arith.constant 0 : i32
          %dma_start3A_277 = tpu.memref_slice %arg10[%run_scoped3A_215, %dma_start3A_275, %dma_start3A_276] : memref<2x3x128xi32, #tpu.memory_space<vmem>> -> memref<1x3x128xi32, #tpu.memory_space<vmem>>
          %dma_start3A_278 = tpu.memref_squeeze %dma_start3A_277 : memref<1x3x128xi32, #tpu.memory_space<vmem>> -> memref<3x128xi32, #tpu.memory_space<vmem>>
          %dma_start3A_279 = arith.constant 0 : i32
          %dma_start3A_280 = arith.constant 0 : i32
          %dma_start3A_281 = tpu.memref_slice %arg5[%add3A_183, %dma_start3A_279, %dma_start3A_280] : memref<2500x3x128xi32, #tpu.memory_space<hbm>> -> memref<1x3x128xi32, #tpu.memory_space<hbm>>
          %dma_start3A_282 = tpu.memref_squeeze %dma_start3A_281 : memref<1x3x128xi32, #tpu.memory_space<hbm>> -> memref<3x128xi32, #tpu.memory_space<hbm>>
          tpu.enqueue_dma source(%dma_start3A_282 : memref<3x128xi32, #tpu.memory_space<hbm>>) target(%dma_start3A_278 : memref<3x128xi32, #tpu.memory_space<vmem>>) target_semaphore(%run_scoped3A_266 : memref<!tpu.dma_semaphore, #tpu.memory_space<semaphore_mem>>)
          %dma_wait3A_283 = arith.constant 0 : i32
          %dma_wait3A_284 = arith.constant 0 : i32
          %dma_wait3A_285 = tpu.memref_slice %arg10[%run_scoped3A_215, %dma_wait3A_283, %dma_wait3A_284] : memref<2x3x128xi32, #tpu.memory_space<vmem>> -> memref<1x3x128xi32, #tpu.memory_space<vmem>>
          %dma_wait3A_286 = tpu.memref_squeeze %dma_wait3A_285 : memref<1x3x128xi32, #tpu.memory_space<vmem>> -> memref<3x128xi32, #tpu.memory_space<vmem>>
          %dma_wait3A_287 = arith.constant 0 : i32
          %dma_wait3A_288 = arith.constant 0 : i32
          %dma_wait3A_289 = tpu.memref_slice %arg5[%add3A_183, %dma_wait3A_287, %dma_wait3A_288] : memref<2500x3x128xi32, #tpu.memory_space<hbm>> -> memref<1x3x128xi32, #tpu.memory_space<hbm>>
          %dma_wait3A_290 = tpu.memref_squeeze %dma_wait3A_289 : memref<1x3x128xi32, #tpu.memory_space<hbm>> -> memref<3x128xi32, #tpu.memory_space<hbm>>
          %dma_wait3A_291 = arith.constant 0 : i32
          %dma_wait3A_292 = arith.constant 0 : i32
          %dma_wait3A_293 = tpu.memref_slice %arg10[%run_scoped3A_215, %dma_wait3A_291, %dma_wait3A_292] : memref<2x3x128xi32, #tpu.memory_space<vmem>> -> memref<1x3x128xi32, #tpu.memory_space<vmem>>
          %dma_wait3A_294 = tpu.memref_squeeze %dma_wait3A_293 : memref<1x3x128xi32, #tpu.memory_space<vmem>> -> memref<3x128xi32, #tpu.memory_space<vmem>>
          %dma_wait3A_295 = arith.constant 0 : i32
          %dma_wait3A_296 = arith.constant 0 : i32
          %dma_wait3A_297 = tpu.memref_slice %arg5[%add3A_183, %dma_wait3A_295, %dma_wait3A_296] : memref<2500x3x128xi32, #tpu.memory_space<hbm>> -> memref<1x3x128xi32, #tpu.memory_space<hbm>>
          %dma_wait3A_298 = tpu.memref_squeeze %dma_wait3A_297 : memref<1x3x128xi32, #tpu.memory_space<hbm>> -> memref<3x128xi32, #tpu.memory_space<hbm>>
          tpu.wait_dma2 semaphore(%run_scoped3A_266 : memref<!tpu.dma_semaphore, #tpu.memory_space<semaphore_mem>>) src(%dma_wait3A_298 : memref<3x128xi32, #tpu.memory_space<hbm>>) dst(%dma_wait3A_294 : memref<3x128xi32, #tpu.memory_space<vmem>>)
          tpu.yield
        }) : () -> ()
        %dma_start3A_216 = arith.constant 1 : i32
        %dma_start3A_217 = arith.constant 0 : i32
        %dma_start3A_218 = arith.constant 1 : i32
        %dma_start3A_219 = arith.constant 0 : i32
        %dma_start3A_220 = arith.constant 0 : i32
        %dma_start3A_221 = tpu.memref_slice %arg11[%dma_start3A_218, %dma_start3A_219, %dma_start3A_220] : memref<2x128x64xf32, #tpu.memory_space<vmem>> -> memref<1x128x64xf32, #tpu.memory_space<vmem>>
        %dma_start3A_222 = tpu.memref_squeeze %dma_start3A_221 : memref<1x128x64xf32, #tpu.memory_space<vmem>> -> memref<128x64xf32, #tpu.memory_space<vmem>>
        %dma_start3A_223 = arith.constant 0 : i32
        %dma_start3A_224 = tpu.memref_slice %arg10[%dma_start3A_216, %dma_start3A_217, %dma_start3A_223] : memref<2x3x128xi32, #tpu.memory_space<vmem>> -> memref<1x1x128xi32, #tpu.memory_space<vmem>>
        %dma_start3A_225 = tpu.memref_squeeze %dma_start3A_224 : memref<1x1x128xi32, #tpu.memory_space<vmem>> -> memref<128xi32, #tpu.memory_space<vmem>>
        %dma_start3A_226 = arith.constant 0 : i32
        %dma_start3A_227 = arith.constant 0 : i32
        %dma_start3A_228 = tpu.memref_slice %arg2[%dma_start3A_226, %dma_start3A_227] : memref<10000x64xf32, #tpu.memory_space<hbm>> -> memref<10000x64xf32, #tpu.memory_space<hbm>>
        tpu.enqueue_indirect_dma source(%dma_start3A_228 : memref<10000x64xf32, #tpu.memory_space<hbm>>) target(%dma_start3A_222 : memref<128x64xf32, #tpu.memory_space<vmem>>) offsets(%dma_start3A_225 : memref<128xi32, #tpu.memory_space<vmem>>) semaphore(%arg16 : memref<!tpu.dma_semaphore, #tpu.memory_space<semaphore_mem>>)
        %dma_start3A_229 = arith.constant 1 : i32
        %dma_start3A_230 = arith.constant 1 : i32
        %dma_start3A_231 = arith.constant 1 : i32
        %dma_start3A_232 = arith.constant 0 : i32
        %dma_start3A_233 = arith.constant 0 : i32
        %dma_start3A_234 = tpu.memref_slice %arg12[%dma_start3A_231, %dma_start3A_232, %dma_start3A_233] : memref<2x128x64xf32, #tpu.memory_space<vmem>> -> memref<1x128x64xf32, #tpu.memory_space<vmem>>
        %dma_start3A_235 = tpu.memref_squeeze %dma_start3A_234 : memref<1x128x64xf32, #tpu.memory_space<vmem>> -> memref<128x64xf32, #tpu.memory_space<vmem>>
        %dma_start3A_236 = arith.constant 0 : i32
        %dma_start3A_237 = tpu.memref_slice %arg10[%dma_start3A_229, %dma_start3A_230, %dma_start3A_236] : memref<2x3x128xi32, #tpu.memory_space<vmem>> -> memref<1x1x128xi32, #tpu.memory_space<vmem>>
        %dma_start3A_238 = tpu.memref_squeeze %dma_start3A_237 : memref<1x1x128xi32, #tpu.memory_space<vmem>> -> memref<128xi32, #tpu.memory_space<vmem>>
        %dma_start3A_239 = arith.constant 0 : i32
        %dma_start3A_240 = arith.constant 0 : i32
        %dma_start3A_241 = tpu.memref_slice %arg2[%dma_start3A_239, %dma_start3A_240] : memref<10000x64xf32, #tpu.memory_space<hbm>> -> memref<10000x64xf32, #tpu.memory_space<hbm>>
        tpu.enqueue_indirect_dma source(%dma_start3A_241 : memref<10000x64xf32, #tpu.memory_space<hbm>>) target(%dma_start3A_235 : memref<128x64xf32, #tpu.memory_space<vmem>>) offsets(%dma_start3A_238 : memref<128xi32, #tpu.memory_space<vmem>>) semaphore(%arg16 : memref<!tpu.dma_semaphore, #tpu.memory_space<semaphore_mem>>)
        %dma_start3A_242 = arith.constant 1 : i32
        %dma_start3A_243 = arith.constant 2 : i32
        %dma_start3A_244 = arith.constant 1 : i32
        %dma_start3A_245 = arith.constant 0 : i32
        %dma_start3A_246 = arith.constant 0 : i32
        %dma_start3A_247 = tpu.memref_slice %arg13[%dma_start3A_244, %dma_start3A_245, %dma_start3A_246] : memref<2x128x48xf32, #tpu.memory_space<vmem>> -> memref<1x128x48xf32, #tpu.memory_space<vmem>>
        %dma_start3A_248 = tpu.memref_squeeze %dma_start3A_247 : memref<1x128x48xf32, #tpu.memory_space<vmem>> -> memref<128x48xf32, #tpu.memory_space<vmem>>
        %dma_start3A_249 = arith.constant 0 : i32
        %dma_start3A_250 = tpu.memref_slice %arg10[%dma_start3A_242, %dma_start3A_243, %dma_start3A_249] : memref<2x3x128xi32, #tpu.memory_space<vmem>> -> memref<1x1x128xi32, #tpu.memory_space<vmem>>
        %dma_start3A_251 = tpu.memref_squeeze %dma_start3A_250 : memref<1x1x128xi32, #tpu.memory_space<vmem>> -> memref<128xi32, #tpu.memory_space<vmem>>
        %dma_start3A_252 = arith.constant 0 : i32
        %dma_start3A_253 = arith.constant 0 : i32
        %dma_start3A_254 = tpu.memref_slice %arg3[%dma_start3A_252, %dma_start3A_253] : memref<160000x48xf32, #tpu.memory_space<hbm>> -> memref<160000x48xf32, #tpu.memory_space<hbm>>
        tpu.enqueue_indirect_dma source(%dma_start3A_254 : memref<160000x48xf32, #tpu.memory_space<hbm>>) target(%dma_start3A_248 : memref<128x48xf32, #tpu.memory_space<vmem>>) offsets(%dma_start3A_251 : memref<128xi32, #tpu.memory_space<vmem>>) semaphore(%arg16 : memref<!tpu.dma_semaphore, #tpu.memory_space<semaphore_mem>>)
        %dma_start3A_255 = arith.constant 1 : i32
        %dma_start3A_256 = arith.constant 2 : i32
        %dma_start3A_257 = arith.constant 1 : i32
        %dma_start3A_258 = arith.constant 0 : i32
        %dma_start3A_259 = tpu.memref_slice %arg14[%dma_start3A_257, %dma_start3A_258] : memref<2x128xf32, #tpu.memory_space<vmem>> -> memref<1x128xf32, #tpu.memory_space<vmem>>
        %dma_start3A_260 = tpu.memref_squeeze %dma_start3A_259 : memref<1x128xf32, #tpu.memory_space<vmem>> -> memref<128xf32, #tpu.memory_space<vmem>>
        %dma_start3A_261 = arith.constant 0 : i32
        %dma_start3A_262 = tpu.memref_slice %arg10[%dma_start3A_255, %dma_start3A_256, %dma_start3A_261] : memref<2x3x128xi32, #tpu.memory_space<vmem>> -> memref<1x1x128xi32, #tpu.memory_space<vmem>>
        %dma_start3A_263 = tpu.memref_squeeze %dma_start3A_262 : memref<1x1x128xi32, #tpu.memory_space<vmem>> -> memref<128xi32, #tpu.memory_space<vmem>>
        %dma_start3A_264 = arith.constant 0 : i32
        %dma_start3A_265 = tpu.memref_slice %arg4[%dma_start3A_264] : memref<160000xf32, #tpu.memory_space<hbm>> -> memref<160000xf32, #tpu.memory_space<hbm>>
        tpu.enqueue_indirect_dma source(%dma_start3A_265 : memref<160000xf32, #tpu.memory_space<hbm>>) target(%dma_start3A_260 : memref<128xf32, #tpu.memory_space<vmem>>) offsets(%dma_start3A_263 : memref<128xi32, #tpu.memory_space<vmem>>) semaphore(%arg16 : memref<!tpu.dma_semaphore, #tpu.memory_space<semaphore_mem>>)
      } else {
      }
      %lt3A_186 = arith.constant 2500 : i32
      %lt3A_187 = arith.cmpi slt, %add3A_181, %lt3A_186 : i32
      %convert_element_type3A_188 = arith.extui %lt3A_187 : i1 to i32
      %cond3A_189 = arith.constant 0 : i32
      %cond3A_190 = arith.cmpi ne, %convert_element_type3A_188, %cond3A_189 : i32
      scf.if %cond3A_190 {
        %dma_wait3A_211 = arith.constant 0 : i32
        %dma_wait3A_212 = arith.constant 0 : i32
        %dma_wait3A_213 = arith.constant 0 : i32
        %dma_wait3A_214 = arith.constant 0 : i32
        %dma_wait3A_215 = arith.constant 0 : i32
        %dma_wait3A_216 = tpu.memref_slice %arg11[%dma_wait3A_213, %dma_wait3A_214, %dma_wait3A_215] : memref<2x128x64xf32, #tpu.memory_space<vmem>> -> memref<1x128x64xf32, #tpu.memory_space<vmem>>
        %dma_wait3A_217 = tpu.memref_squeeze %dma_wait3A_216 : memref<1x128x64xf32, #tpu.memory_space<vmem>> -> memref<128x64xf32, #tpu.memory_space<vmem>>
        %dma_wait3A_218 = arith.constant 0 : i32
        %dma_wait3A_219 = tpu.memref_slice %arg10[%dma_wait3A_211, %dma_wait3A_212, %dma_wait3A_218] : memref<2x3x128xi32, #tpu.memory_space<vmem>> -> memref<1x1x128xi32, #tpu.memory_space<vmem>>
        %dma_wait3A_220 = tpu.memref_squeeze %dma_wait3A_219 : memref<1x1x128xi32, #tpu.memory_space<vmem>> -> memref<128xi32, #tpu.memory_space<vmem>>
        %dma_wait3A_221 = arith.constant 0 : i32
        %dma_wait3A_222 = arith.constant 0 : i32
        %dma_wait3A_223 = tpu.memref_slice %arg2[%dma_wait3A_221, %dma_wait3A_222] : memref<10000x64xf32, #tpu.memory_space<hbm>> -> memref<10000x64xf32, #tpu.memory_space<hbm>>
        tpu.wait_indirect_dma semaphore(%arg15 : memref<!tpu.dma_semaphore, #tpu.memory_space<semaphore_mem>>) src(%dma_wait3A_223 : memref<10000x64xf32, #tpu.memory_space<hbm>>) dst(%dma_wait3A_217 : memref<128x64xf32, #tpu.memory_space<vmem>>)
        %dma_wait3A_224 = arith.constant 0 : i32
        %dma_wait3A_225 = arith.constant 1 : i32
        %dma_wait3A_226 = arith.constant 0 : i32
        %dma_wait3A_227 = arith.constant 0 : i32
        %dma_wait3A_228 = arith.constant 0 : i32
        %dma_wait3A_229 = tpu.memref_slice %arg12[%dma_wait3A_226, %dma_wait3A_227, %dma_wait3A_228] : memref<2x128x64xf32, #tpu.memory_space<vmem>> -> memref<1x128x64xf32, #tpu.memory_space<vmem>>
        %dma_wait3A_230 = tpu.memref_squeeze %dma_wait3A_229 : memref<1x128x64xf32, #tpu.memory_space<vmem>> -> memref<128x64xf32, #tpu.memory_space<vmem>>
        %dma_wait3A_231 = arith.constant 0 : i32
        %dma_wait3A_232 = tpu.memref_slice %arg10[%dma_wait3A_224, %dma_wait3A_225, %dma_wait3A_231] : memref<2x3x128xi32, #tpu.memory_space<vmem>> -> memref<1x1x128xi32, #tpu.memory_space<vmem>>
        %dma_wait3A_233 = tpu.memref_squeeze %dma_wait3A_232 : memref<1x1x128xi32, #tpu.memory_space<vmem>> -> memref<128xi32, #tpu.memory_space<vmem>>
        %dma_wait3A_234 = arith.constant 0 : i32
        %dma_wait3A_235 = arith.constant 0 : i32
        %dma_wait3A_236 = tpu.memref_slice %arg2[%dma_wait3A_234, %dma_wait3A_235] : memref<10000x64xf32, #tpu.memory_space<hbm>> -> memref<10000x64xf32, #tpu.memory_space<hbm>>
        tpu.wait_indirect_dma semaphore(%arg15 : memref<!tpu.dma_semaphore, #tpu.memory_space<semaphore_mem>>) src(%dma_wait3A_236 : memref<10000x64xf32, #tpu.memory_space<hbm>>) dst(%dma_wait3A_230 : memref<128x64xf32, #tpu.memory_space<vmem>>)
        %dma_wait3A_237 = arith.constant 0 : i32
        %dma_wait3A_238 = arith.constant 2 : i32
        %dma_wait3A_239 = arith.constant 0 : i32
        %dma_wait3A_240 = arith.constant 0 : i32
        %dma_wait3A_241 = arith.constant 0 : i32
        %dma_wait3A_242 = tpu.memref_slice %arg13[%dma_wait3A_239, %dma_wait3A_240, %dma_wait3A_241] : memref<2x128x48xf32, #tpu.memory_space<vmem>> -> memref<1x128x48xf32, #tpu.memory_space<vmem>>
        %dma_wait3A_243 = tpu.memref_squeeze %dma_wait3A_242 : memref<1x128x48xf32, #tpu.memory_space<vmem>> -> memref<128x48xf32, #tpu.memory_space<vmem>>
        %dma_wait3A_244 = arith.constant 0 : i32
        %dma_wait3A_245 = tpu.memref_slice %arg10[%dma_wait3A_237, %dma_wait3A_238, %dma_wait3A_244] : memref<2x3x128xi32, #tpu.memory_space<vmem>> -> memref<1x1x128xi32, #tpu.memory_space<vmem>>
        %dma_wait3A_246 = tpu.memref_squeeze %dma_wait3A_245 : memref<1x1x128xi32, #tpu.memory_space<vmem>> -> memref<128xi32, #tpu.memory_space<vmem>>
        %dma_wait3A_247 = arith.constant 0 : i32
        %dma_wait3A_248 = arith.constant 0 : i32
        %dma_wait3A_249 = tpu.memref_slice %arg3[%dma_wait3A_247, %dma_wait3A_248] : memref<160000x48xf32, #tpu.memory_space<hbm>> -> memref<160000x48xf32, #tpu.memory_space<hbm>>
        tpu.wait_indirect_dma semaphore(%arg15 : memref<!tpu.dma_semaphore, #tpu.memory_space<semaphore_mem>>) src(%dma_wait3A_249 : memref<160000x48xf32, #tpu.memory_space<hbm>>) dst(%dma_wait3A_243 : memref<128x48xf32, #tpu.memory_space<vmem>>)
        %dma_wait3A_250 = arith.constant 0 : i32
        %dma_wait3A_251 = arith.constant 2 : i32
        %dma_wait3A_252 = arith.constant 0 : i32
        %dma_wait3A_253 = arith.constant 0 : i32
        %dma_wait3A_254 = tpu.memref_slice %arg14[%dma_wait3A_252, %dma_wait3A_253] : memref<2x128xf32, #tpu.memory_space<vmem>> -> memref<1x128xf32, #tpu.memory_space<vmem>>
        %dma_wait3A_255 = tpu.memref_squeeze %dma_wait3A_254 : memref<1x128xf32, #tpu.memory_space<vmem>> -> memref<128xf32, #tpu.memory_space<vmem>>
        %dma_wait3A_256 = arith.constant 0 : i32
        %dma_wait3A_257 = tpu.memref_slice %arg10[%dma_wait3A_250, %dma_wait3A_251, %dma_wait3A_256] : memref<2x3x128xi32, #tpu.memory_space<vmem>> -> memref<1x1x128xi32, #tpu.memory_space<vmem>>
        %dma_wait3A_258 = tpu.memref_squeeze %dma_wait3A_257 : memref<1x1x128xi32, #tpu.memory_space<vmem>> -> memref<128xi32, #tpu.memory_space<vmem>>
        %dma_wait3A_259 = arith.constant 0 : i32
        %dma_wait3A_260 = tpu.memref_slice %arg4[%dma_wait3A_259] : memref<160000xf32, #tpu.memory_space<hbm>> -> memref<160000xf32, #tpu.memory_space<hbm>>
        tpu.wait_indirect_dma semaphore(%arg15 : memref<!tpu.dma_semaphore, #tpu.memory_space<semaphore_mem>>) src(%dma_wait3A_260 : memref<160000xf32, #tpu.memory_space<hbm>>) dst(%dma_wait3A_255 : memref<128xf32, #tpu.memory_space<vmem>>)
        %mul3A_261 = arith.constant 128 : i32
        %mul3A_262 = arith.muli %add3A_181, %mul3A_261 : i32
        %dma_start3A_263 = arith.constant 0 : i32
        %dma_start3A_264 = arith.constant 0 : i32
        %dma_start3A_265 = arith.constant 0 : i32
        %dma_start3A_266 = tpu.memref_slice %arg11[%dma_start3A_263, %dma_start3A_264, %dma_start3A_265] : memref<2x128x64xf32, #tpu.memory_space<vmem>> -> memref<1x128x64xf32, #tpu.memory_space<vmem>>
        %dma_start3A_267 = tpu.memref_squeeze %dma_start3A_266 : memref<1x128x64xf32, #tpu.memory_space<vmem>> -> memref<128x64xf32, #tpu.memory_space<vmem>>
        %dma_start3A_268 = arith.constant 0 : i32
        %dma_start3A_269 = tpu.memref_slice %arg6[%mul3A_262, %dma_start3A_268] : memref<320000x64xf32, #tpu.memory_space<hbm>> -> memref<128x64xf32, #tpu.memory_space<hbm>>
        %dma_start3A_270 = arith.constant 0 : i32
        %dma_start3A_271 = tpu.memref_slice %arg6[%mul3A_262, %dma_start3A_270] : memref<320000x64xf32, #tpu.memory_space<hbm>> -> memref<128x64xf32, #tpu.memory_space<hbm>>
        %dma_start3A_272 = arith.constant 0 : i32
        %dma_start3A_273 = arith.constant 0 : i32
        %dma_start3A_274 = tpu.memref_slice %arg11[%dma_start3A_263, %dma_start3A_272, %dma_start3A_273] : memref<2x128x64xf32, #tpu.memory_space<vmem>> -> memref<1x128x64xf32, #tpu.memory_space<vmem>>
        %dma_start3A_275 = tpu.memref_squeeze %dma_start3A_274 : memref<1x128x64xf32, #tpu.memory_space<vmem>> -> memref<128x64xf32, #tpu.memory_space<vmem>>
        tpu.enqueue_dma source(%dma_start3A_275 : memref<128x64xf32, #tpu.memory_space<vmem>>) target(%dma_start3A_271 : memref<128x64xf32, #tpu.memory_space<hbm>>) target_semaphore(%arg17 : memref<!tpu.dma_semaphore, #tpu.memory_space<semaphore_mem>>)
        %dma_start3A_276 = arith.constant 0 : i32
        %dma_start3A_277 = arith.constant 0 : i32
        %dma_start3A_278 = arith.constant 0 : i32
        %dma_start3A_279 = tpu.memref_slice %arg12[%dma_start3A_276, %dma_start3A_277, %dma_start3A_278] : memref<2x128x64xf32, #tpu.memory_space<vmem>> -> memref<1x128x64xf32, #tpu.memory_space<vmem>>
        %dma_start3A_280 = tpu.memref_squeeze %dma_start3A_279 : memref<1x128x64xf32, #tpu.memory_space<vmem>> -> memref<128x64xf32, #tpu.memory_space<vmem>>
        %dma_start3A_281 = arith.constant 0 : i32
        %dma_start3A_282 = tpu.memref_slice %arg7[%mul3A_262, %dma_start3A_281] : memref<320000x64xf32, #tpu.memory_space<hbm>> -> memref<128x64xf32, #tpu.memory_space<hbm>>
        %dma_start3A_283 = arith.constant 0 : i32
        %dma_start3A_284 = tpu.memref_slice %arg7[%mul3A_262, %dma_start3A_283] : memref<320000x64xf32, #tpu.memory_space<hbm>> -> memref<128x64xf32, #tpu.memory_space<hbm>>
        %dma_start3A_285 = arith.constant 0 : i32
        %dma_start3A_286 = arith.constant 0 : i32
        %dma_start3A_287 = tpu.memref_slice %arg12[%dma_start3A_276, %dma_start3A_285, %dma_start3A_286] : memref<2x128x64xf32, #tpu.memory_space<vmem>> -> memref<1x128x64xf32, #tpu.memory_space<vmem>>
        %dma_start3A_288 = tpu.memref_squeeze %dma_start3A_287 : memref<1x128x64xf32, #tpu.memory_space<vmem>> -> memref<128x64xf32, #tpu.memory_space<vmem>>
        tpu.enqueue_dma source(%dma_start3A_288 : memref<128x64xf32, #tpu.memory_space<vmem>>) target(%dma_start3A_284 : memref<128x64xf32, #tpu.memory_space<hbm>>) target_semaphore(%arg17 : memref<!tpu.dma_semaphore, #tpu.memory_space<semaphore_mem>>)
        %dma_start3A_289 = arith.constant 0 : i32
        %dma_start3A_290 = arith.constant 0 : i32
        %dma_start3A_291 = arith.constant 0 : i32
        %dma_start3A_292 = tpu.memref_slice %arg13[%dma_start3A_289, %dma_start3A_290, %dma_start3A_291] : memref<2x128x48xf32, #tpu.memory_space<vmem>> -> memref<1x128x48xf32, #tpu.memory_space<vmem>>
        %dma_start3A_293 = tpu.memref_squeeze %dma_start3A_292 : memref<1x128x48xf32, #tpu.memory_space<vmem>> -> memref<128x48xf32, #tpu.memory_space<vmem>>
        %dma_start3A_294 = arith.constant 0 : i32
        %dma_start3A_295 = tpu.memref_slice %arg8[%mul3A_262, %dma_start3A_294] : memref<320000x48xf32, #tpu.memory_space<hbm>> -> memref<128x48xf32, #tpu.memory_space<hbm>>
        %dma_start3A_296 = arith.constant 0 : i32
        %dma_start3A_297 = tpu.memref_slice %arg8[%mul3A_262, %dma_start3A_296] : memref<320000x48xf32, #tpu.memory_space<hbm>> -> memref<128x48xf32, #tpu.memory_space<hbm>>
        %dma_start3A_298 = arith.constant 0 : i32
        %dma_start3A_299 = arith.constant 0 : i32
        %dma_start3A_300 = tpu.memref_slice %arg13[%dma_start3A_289, %dma_start3A_298, %dma_start3A_299] : memref<2x128x48xf32, #tpu.memory_space<vmem>> -> memref<1x128x48xf32, #tpu.memory_space<vmem>>
        %dma_start3A_301 = tpu.memref_squeeze %dma_start3A_300 : memref<1x128x48xf32, #tpu.memory_space<vmem>> -> memref<128x48xf32, #tpu.memory_space<vmem>>
        tpu.enqueue_dma source(%dma_start3A_301 : memref<128x48xf32, #tpu.memory_space<vmem>>) target(%dma_start3A_297 : memref<128x48xf32, #tpu.memory_space<hbm>>) target_semaphore(%arg17 : memref<!tpu.dma_semaphore, #tpu.memory_space<semaphore_mem>>)
        %dma_start3A_302 = arith.constant 0 : i32
        %dma_start3A_303 = arith.constant 0 : i32
        %dma_start3A_304 = tpu.memref_slice %arg14[%dma_start3A_302, %dma_start3A_303] : memref<2x128xf32, #tpu.memory_space<vmem>> -> memref<1x128xf32, #tpu.memory_space<vmem>>
        %dma_start3A_305 = tpu.memref_squeeze %dma_start3A_304 : memref<1x128xf32, #tpu.memory_space<vmem>> -> memref<128xf32, #tpu.memory_space<vmem>>
        %dma_start3A_306 = arith.constant 0 : i32
        %dma_start3A_307 = tpu.memref_slice %arg9[%add3A_181, %dma_start3A_306] : memref<2500x128xf32, #tpu.memory_space<hbm>> -> memref<1x128xf32, #tpu.memory_space<hbm>>
        %dma_start3A_308 = tpu.memref_squeeze %dma_start3A_307 : memref<1x128xf32, #tpu.memory_space<hbm>> -> memref<128xf32, #tpu.memory_space<hbm>>
        %dma_start3A_309 = arith.constant 0 : i32
        %dma_start3A_310 = tpu.memref_slice %arg9[%add3A_181, %dma_start3A_309] : memref<2500x128xf32, #tpu.memory_space<hbm>> -> memref<1x128xf32, #tpu.memory_space<hbm>>
        %dma_start3A_311 = tpu.memref_squeeze %dma_start3A_310 : memref<1x128xf32, #tpu.memory_space<hbm>> -> memref<128xf32, #tpu.memory_space<hbm>>
        %dma_start3A_312 = arith.constant 0 : i32
        %dma_start3A_313 = tpu.memref_slice %arg14[%dma_start3A_302, %dma_start3A_312] : memref<2x128xf32, #tpu.memory_space<vmem>> -> memref<1x128xf32, #tpu.memory_space<vmem>>
        %dma_start3A_314 = tpu.memref_squeeze %dma_start3A_313 : memref<1x128xf32, #tpu.memory_space<vmem>> -> memref<128xf32, #tpu.memory_space<vmem>>
        tpu.enqueue_dma source(%dma_start3A_314 : memref<128xf32, #tpu.memory_space<vmem>>) target(%dma_start3A_311 : memref<128xf32, #tpu.memory_space<hbm>>) target_semaphore(%arg17 : memref<!tpu.dma_semaphore, #tpu.memory_space<semaphore_mem>>)
      } else {
      }
      %mul3A_191 = arith.constant 2 : i32
      %mul3A_192 = arith.muli %scan3A_173, %mul3A_191 : i32
      %add3A_193 = arith.constant 1 : i32
      %add3A_194 = arith.addi %mul3A_192, %add3A_193 : i32
      %mul3A_195 = arith.constant 32 : i32
      %mul3A_196 = arith.muli %add3A_194, %mul3A_195 : i32
      %add3A_197 = arith.addi %mul3A_196, %add3A : i32
      %add3A_198 = arith.constant 32 : i32
      %add3A_199 = arith.addi %add3A_197, %add3A_198 : i32
      %lt3A_200 = arith.constant 2500 : i32
      %lt3A_201 = arith.cmpi slt, %add3A_199, %lt3A_200 : i32
      %convert_element_type3A_202 = arith.extui %lt3A_201 : i1 to i32
      %cond3A_203 = arith.constant 0 : i32
      %cond3A_204 = arith.cmpi ne, %convert_element_type3A_202, %cond3A_203 : i32
      scf.if %cond3A_204 {
        %ge3A = arith.constant 1 : i32
        %ge3A_211 = arith.cmpi sge, %add3A_194, %ge3A : i32
        %convert_element_type3A_212 = arith.extui %ge3A_211 : i1 to i32
        %cond3A_213 = arith.constant 0 : i32
        %cond3A_214 = arith.cmpi ne, %convert_element_type3A_212, %cond3A_213 : i32
        scf.if %cond3A_214 {
          %dma_wait3A_266 = arith.constant 0 : i32
          %dma_wait3A_267 = arith.constant 0 : i32
          %dma_wait3A_268 = arith.constant 0 : i32
          %dma_wait3A_269 = tpu.memref_slice %arg11[%dma_wait3A_266, %dma_wait3A_267, %dma_wait3A_268] : memref<2x128x64xf32, #tpu.memory_space<vmem>> -> memref<1x128x64xf32, #tpu.memory_space<vmem>>
          %dma_wait3A_270 = tpu.memref_squeeze %dma_wait3A_269 : memref<1x128x64xf32, #tpu.memory_space<vmem>> -> memref<128x64xf32, #tpu.memory_space<vmem>>
          %dma_wait3A_271 = arith.constant 0 : i32
          %dma_wait3A_272 = arith.constant 0 : i32
          %dma_wait3A_273 = tpu.memref_slice %arg6[%dma_wait3A_271, %dma_wait3A_272] : memref<320000x64xf32, #tpu.memory_space<hbm>> -> memref<128x64xf32, #tpu.memory_space<hbm>>
          %dma_wait3A_274 = arith.constant 0 : i32
          %dma_wait3A_275 = arith.constant 0 : i32
          %dma_wait3A_276 = tpu.memref_slice %arg6[%dma_wait3A_274, %dma_wait3A_275] : memref<320000x64xf32, #tpu.memory_space<hbm>> -> memref<128x64xf32, #tpu.memory_space<hbm>>
          %dma_wait3A_277 = arith.constant 0 : i32
          %dma_wait3A_278 = arith.constant 0 : i32
          %dma_wait3A_279 = tpu.memref_slice %arg11[%dma_wait3A_266, %dma_wait3A_277, %dma_wait3A_278] : memref<2x128x64xf32, #tpu.memory_space<vmem>> -> memref<1x128x64xf32, #tpu.memory_space<vmem>>
          %dma_wait3A_280 = tpu.memref_squeeze %dma_wait3A_279 : memref<1x128x64xf32, #tpu.memory_space<vmem>> -> memref<128x64xf32, #tpu.memory_space<vmem>>
          tpu.wait_dma2 semaphore(%arg17 : memref<!tpu.dma_semaphore, #tpu.memory_space<semaphore_mem>>) src(%dma_wait3A_280 : memref<128x64xf32, #tpu.memory_space<vmem>>) dst(%dma_wait3A_276 : memref<128x64xf32, #tpu.memory_space<hbm>>)
          %dma_wait3A_281 = arith.constant 0 : i32
          %dma_wait3A_282 = arith.constant 0 : i32
          %dma_wait3A_283 = arith.constant 0 : i32
          %dma_wait3A_284 = tpu.memref_slice %arg12[%dma_wait3A_281, %dma_wait3A_282, %dma_wait3A_283] : memref<2x128x64xf32, #tpu.memory_space<vmem>> -> memref<1x128x64xf32, #tpu.memory_space<vmem>>
          %dma_wait3A_285 = tpu.memref_squeeze %dma_wait3A_284 : memref<1x128x64xf32, #tpu.memory_space<vmem>> -> memref<128x64xf32, #tpu.memory_space<vmem>>
          %dma_wait3A_286 = arith.constant 0 : i32
          %dma_wait3A_287 = arith.constant 0 : i32
          %dma_wait3A_288 = tpu.memref_slice %arg7[%dma_wait3A_286, %dma_wait3A_287] : memref<320000x64xf32, #tpu.memory_space<hbm>> -> memref<128x64xf32, #tpu.memory_space<hbm>>
          %dma_wait3A_289 = arith.constant 0 : i32
          %dma_wait3A_290 = arith.constant 0 : i32
          %dma_wait3A_291 = tpu.memref_slice %arg7[%dma_wait3A_289, %dma_wait3A_290] : memref<320000x64xf32, #tpu.memory_space<hbm>> -> memref<128x64xf32, #tpu.memory_space<hbm>>
          %dma_wait3A_292 = arith.constant 0 : i32
          %dma_wait3A_293 = arith.constant 0 : i32
          %dma_wait3A_294 = tpu.memref_slice %arg12[%dma_wait3A_281, %dma_wait3A_292, %dma_wait3A_293] : memref<2x128x64xf32, #tpu.memory_space<vmem>> -> memref<1x128x64xf32, #tpu.memory_space<vmem>>
          %dma_wait3A_295 = tpu.memref_squeeze %dma_wait3A_294 : memref<1x128x64xf32, #tpu.memory_space<vmem>> -> memref<128x64xf32, #tpu.memory_space<vmem>>
          tpu.wait_dma2 semaphore(%arg17 : memref<!tpu.dma_semaphore, #tpu.memory_space<semaphore_mem>>) src(%dma_wait3A_295 : memref<128x64xf32, #tpu.memory_space<vmem>>) dst(%dma_wait3A_291 : memref<128x64xf32, #tpu.memory_space<hbm>>)
          %dma_wait3A_296 = arith.constant 0 : i32
          %dma_wait3A_297 = arith.constant 0 : i32
          %dma_wait3A_298 = arith.constant 0 : i32
          %dma_wait3A_299 = tpu.memref_slice %arg13[%dma_wait3A_296, %dma_wait3A_297, %dma_wait3A_298] : memref<2x128x48xf32, #tpu.memory_space<vmem>> -> memref<1x128x48xf32, #tpu.memory_space<vmem>>
          %dma_wait3A_300 = tpu.memref_squeeze %dma_wait3A_299 : memref<1x128x48xf32, #tpu.memory_space<vmem>> -> memref<128x48xf32, #tpu.memory_space<vmem>>
          %dma_wait3A_301 = arith.constant 0 : i32
          %dma_wait3A_302 = arith.constant 0 : i32
          %dma_wait3A_303 = tpu.memref_slice %arg8[%dma_wait3A_301, %dma_wait3A_302] : memref<320000x48xf32, #tpu.memory_space<hbm>> -> memref<128x48xf32, #tpu.memory_space<hbm>>
          %dma_wait3A_304 = arith.constant 0 : i32
          %dma_wait3A_305 = arith.constant 0 : i32
          %dma_wait3A_306 = tpu.memref_slice %arg8[%dma_wait3A_304, %dma_wait3A_305] : memref<320000x48xf32, #tpu.memory_space<hbm>> -> memref<128x48xf32, #tpu.memory_space<hbm>>
          %dma_wait3A_307 = arith.constant 0 : i32
          %dma_wait3A_308 = arith.constant 0 : i32
          %dma_wait3A_309 = tpu.memref_slice %arg13[%dma_wait3A_296, %dma_wait3A_307, %dma_wait3A_308] : memref<2x128x48xf32, #tpu.memory_space<vmem>> -> memref<1x128x48xf32, #tpu.memory_space<vmem>>
          %dma_wait3A_310 = tpu.memref_squeeze %dma_wait3A_309 : memref<1x128x48xf32, #tpu.memory_space<vmem>> -> memref<128x48xf32, #tpu.memory_space<vmem>>
          tpu.wait_dma2 semaphore(%arg17 : memref<!tpu.dma_semaphore, #tpu.memory_space<semaphore_mem>>) src(%dma_wait3A_310 : memref<128x48xf32, #tpu.memory_space<vmem>>) dst(%dma_wait3A_306 : memref<128x48xf32, #tpu.memory_space<hbm>>)
          %dma_wait3A_311 = arith.constant 0 : i32
          %dma_wait3A_312 = arith.constant 0 : i32
          %dma_wait3A_313 = arith.constant 0 : i32
          %dma_wait3A_314 = tpu.memref_slice %arg14[%dma_wait3A_311, %dma_wait3A_313] : memref<2x128xf32, #tpu.memory_space<vmem>> -> memref<1x128xf32, #tpu.memory_space<vmem>>
          %dma_wait3A_315 = tpu.memref_squeeze %dma_wait3A_314 : memref<1x128xf32, #tpu.memory_space<vmem>> -> memref<128xf32, #tpu.memory_space<vmem>>
          %dma_wait3A_316 = arith.constant 0 : i32
          %dma_wait3A_317 = tpu.memref_slice %arg9[%dma_wait3A_312, %dma_wait3A_316] : memref<2500x128xf32, #tpu.memory_space<hbm>> -> memref<1x128xf32, #tpu.memory_space<hbm>>
          %dma_wait3A_318 = tpu.memref_squeeze %dma_wait3A_317 : memref<1x128xf32, #tpu.memory_space<hbm>> -> memref<128xf32, #tpu.memory_space<hbm>>
          %dma_wait3A_319 = arith.constant 0 : i32
          %dma_wait3A_320 = tpu.memref_slice %arg9[%dma_wait3A_312, %dma_wait3A_319] : memref<2500x128xf32, #tpu.memory_space<hbm>> -> memref<1x128xf32, #tpu.memory_space<hbm>>
          %dma_wait3A_321 = tpu.memref_squeeze %dma_wait3A_320 : memref<1x128xf32, #tpu.memory_space<hbm>> -> memref<128xf32, #tpu.memory_space<hbm>>
          %dma_wait3A_322 = arith.constant 0 : i32
          %dma_wait3A_323 = tpu.memref_slice %arg14[%dma_wait3A_311, %dma_wait3A_322] : memref<2x128xf32, #tpu.memory_space<vmem>> -> memref<1x128xf32, #tpu.memory_space<vmem>>
          %dma_wait3A_324 = tpu.memref_squeeze %dma_wait3A_323 : memref<1x128xf32, #tpu.memory_space<vmem>> -> memref<128xf32, #tpu.memory_space<vmem>>
          tpu.wait_dma2 semaphore(%arg17 : memref<!tpu.dma_semaphore, #tpu.memory_space<semaphore_mem>>) src(%dma_wait3A_324 : memref<128xf32, #tpu.memory_space<vmem>>) dst(%dma_wait3A_321 : memref<128xf32, #tpu.memory_space<hbm>>)
        } else {
        }
        %run_scoped3A_215 = arith.constant 0 : i32
        "tpu.region"() ({
          %run_scoped3A_266 = tpu.sem_alloc : memref<!tpu.dma_semaphore, #tpu.memory_space<semaphore_mem>>
          %dma_start3A_267 = arith.constant 0 : i32
          %dma_start3A_268 = arith.constant 0 : i32
          %dma_start3A_269 = tpu.memref_slice %arg10[%run_scoped3A_215, %dma_start3A_267, %dma_start3A_268] : memref<2x3x128xi32, #tpu.memory_space<vmem>> -> memref<1x3x128xi32, #tpu.memory_space<vmem>>
          %dma_start3A_270 = tpu.memref_squeeze %dma_start3A_269 : memref<1x3x128xi32, #tpu.memory_space<vmem>> -> memref<3x128xi32, #tpu.memory_space<vmem>>
          %dma_start3A_271 = arith.constant 0 : i32
          %dma_start3A_272 = arith.constant 0 : i32
          %dma_start3A_273 = tpu.memref_slice %arg5[%add3A_199, %dma_start3A_271, %dma_start3A_272] : memref<2500x3x128xi32, #tpu.memory_space<hbm>> -> memref<1x3x128xi32, #tpu.memory_space<hbm>>
          %dma_start3A_274 = tpu.memref_squeeze %dma_start3A_273 : memref<1x3x128xi32, #tpu.memory_space<hbm>> -> memref<3x128xi32, #tpu.memory_space<hbm>>
          %dma_start3A_275 = arith.constant 0 : i32
          %dma_start3A_276 = arith.constant 0 : i32
          %dma_start3A_277 = tpu.memref_slice %arg10[%run_scoped3A_215, %dma_start3A_275, %dma_start3A_276] : memref<2x3x128xi32, #tpu.memory_space<vmem>> -> memref<1x3x128xi32, #tpu.memory_space<vmem>>
          %dma_start3A_278 = tpu.memref_squeeze %dma_start3A_277 : memref<1x3x128xi32, #tpu.memory_space<vmem>> -> memref<3x128xi32, #tpu.memory_space<vmem>>
          %dma_start3A_279 = arith.constant 0 : i32
          %dma_start3A_280 = arith.constant 0 : i32
          %dma_start3A_281 = tpu.memref_slice %arg5[%add3A_199, %dma_start3A_279, %dma_start3A_280] : memref<2500x3x128xi32, #tpu.memory_space<hbm>> -> memref<1x3x128xi32, #tpu.memory_space<hbm>>
          %dma_start3A_282 = tpu.memref_squeeze %dma_start3A_281 : memref<1x3x128xi32, #tpu.memory_space<hbm>> -> memref<3x128xi32, #tpu.memory_space<hbm>>
          tpu.enqueue_dma source(%dma_start3A_282 : memref<3x128xi32, #tpu.memory_space<hbm>>) target(%dma_start3A_278 : memref<3x128xi32, #tpu.memory_space<vmem>>) target_semaphore(%run_scoped3A_266 : memref<!tpu.dma_semaphore, #tpu.memory_space<semaphore_mem>>)
          %dma_wait3A_283 = arith.constant 0 : i32
          %dma_wait3A_284 = arith.constant 0 : i32
          %dma_wait3A_285 = tpu.memref_slice %arg10[%run_scoped3A_215, %dma_wait3A_283, %dma_wait3A_284] : memref<2x3x128xi32, #tpu.memory_space<vmem>> -> memref<1x3x128xi32, #tpu.memory_space<vmem>>
          %dma_wait3A_286 = tpu.memref_squeeze %dma_wait3A_285 : memref<1x3x128xi32, #tpu.memory_space<vmem>> -> memref<3x128xi32, #tpu.memory_space<vmem>>
          %dma_wait3A_287 = arith.constant 0 : i32
          %dma_wait3A_288 = arith.constant 0 : i32
          %dma_wait3A_289 = tpu.memref_slice %arg5[%add3A_199, %dma_wait3A_287, %dma_wait3A_288] : memref<2500x3x128xi32, #tpu.memory_space<hbm>> -> memref<1x3x128xi32, #tpu.memory_space<hbm>>
          %dma_wait3A_290 = tpu.memref_squeeze %dma_wait3A_289 : memref<1x3x128xi32, #tpu.memory_space<hbm>> -> memref<3x128xi32, #tpu.memory_space<hbm>>
          %dma_wait3A_291 = arith.constant 0 : i32
          %dma_wait3A_292 = arith.constant 0 : i32
          %dma_wait3A_293 = tpu.memref_slice %arg10[%run_scoped3A_215, %dma_wait3A_291, %dma_wait3A_292] : memref<2x3x128xi32, #tpu.memory_space<vmem>> -> memref<1x3x128xi32, #tpu.memory_space<vmem>>
          %dma_wait3A_294 = tpu.memref_squeeze %dma_wait3A_293 : memref<1x3x128xi32, #tpu.memory_space<vmem>> -> memref<3x128xi32, #tpu.memory_space<vmem>>
          %dma_wait3A_295 = arith.constant 0 : i32
          %dma_wait3A_296 = arith.constant 0 : i32
          %dma_wait3A_297 = tpu.memref_slice %arg5[%add3A_199, %dma_wait3A_295, %dma_wait3A_296] : memref<2500x3x128xi32, #tpu.memory_space<hbm>> -> memref<1x3x128xi32, #tpu.memory_space<hbm>>
          %dma_wait3A_298 = tpu.memref_squeeze %dma_wait3A_297 : memref<1x3x128xi32, #tpu.memory_space<hbm>> -> memref<3x128xi32, #tpu.memory_space<hbm>>
          tpu.wait_dma2 semaphore(%run_scoped3A_266 : memref<!tpu.dma_semaphore, #tpu.memory_space<semaphore_mem>>) src(%dma_wait3A_298 : memref<3x128xi32, #tpu.memory_space<hbm>>) dst(%dma_wait3A_294 : memref<3x128xi32, #tpu.memory_space<vmem>>)
          tpu.yield
        }) : () -> ()
        %dma_start3A_216 = arith.constant 0 : i32
        %dma_start3A_217 = arith.constant 0 : i32
        %dma_start3A_218 = arith.constant 0 : i32
        %dma_start3A_219 = arith.constant 0 : i32
        %dma_start3A_220 = arith.constant 0 : i32
        %dma_start3A_221 = tpu.memref_slice %arg11[%dma_start3A_218, %dma_start3A_219, %dma_start3A_220] : memref<2x128x64xf32, #tpu.memory_space<vmem>> -> memref<1x128x64xf32, #tpu.memory_space<vmem>>
        %dma_start3A_222 = tpu.memref_squeeze %dma_start3A_221 : memref<1x128x64xf32, #tpu.memory_space<vmem>> -> memref<128x64xf32, #tpu.memory_space<vmem>>
        %dma_start3A_223 = arith.constant 0 : i32
        %dma_start3A_224 = tpu.memref_slice %arg10[%dma_start3A_216, %dma_start3A_217, %dma_start3A_223] : memref<2x3x128xi32, #tpu.memory_space<vmem>> -> memref<1x1x128xi32, #tpu.memory_space<vmem>>
        %dma_start3A_225 = tpu.memref_squeeze %dma_start3A_224 : memref<1x1x128xi32, #tpu.memory_space<vmem>> -> memref<128xi32, #tpu.memory_space<vmem>>
        %dma_start3A_226 = arith.constant 0 : i32
        %dma_start3A_227 = arith.constant 0 : i32
        %dma_start3A_228 = tpu.memref_slice %arg2[%dma_start3A_226, %dma_start3A_227] : memref<10000x64xf32, #tpu.memory_space<hbm>> -> memref<10000x64xf32, #tpu.memory_space<hbm>>
        tpu.enqueue_indirect_dma source(%dma_start3A_228 : memref<10000x64xf32, #tpu.memory_space<hbm>>) target(%dma_start3A_222 : memref<128x64xf32, #tpu.memory_space<vmem>>) offsets(%dma_start3A_225 : memref<128xi32, #tpu.memory_space<vmem>>) semaphore(%arg15 : memref<!tpu.dma_semaphore, #tpu.memory_space<semaphore_mem>>)
        %dma_start3A_229 = arith.constant 0 : i32
        %dma_start3A_230 = arith.constant 1 : i32
        %dma_start3A_231 = arith.constant 0 : i32
        %dma_start3A_232 = arith.constant 0 : i32
        %dma_start3A_233 = arith.constant 0 : i32
        %dma_start3A_234 = tpu.memref_slice %arg12[%dma_start3A_231, %dma_start3A_232, %dma_start3A_233] : memref<2x128x64xf32, #tpu.memory_space<vmem>> -> memref<1x128x64xf32, #tpu.memory_space<vmem>>
        %dma_start3A_235 = tpu.memref_squeeze %dma_start3A_234 : memref<1x128x64xf32, #tpu.memory_space<vmem>> -> memref<128x64xf32, #tpu.memory_space<vmem>>
        %dma_start3A_236 = arith.constant 0 : i32
        %dma_start3A_237 = tpu.memref_slice %arg10[%dma_start3A_229, %dma_start3A_230, %dma_start3A_236] : memref<2x3x128xi32, #tpu.memory_space<vmem>> -> memref<1x1x128xi32, #tpu.memory_space<vmem>>
        %dma_start3A_238 = tpu.memref_squeeze %dma_start3A_237 : memref<1x1x128xi32, #tpu.memory_space<vmem>> -> memref<128xi32, #tpu.memory_space<vmem>>
        %dma_start3A_239 = arith.constant 0 : i32
        %dma_start3A_240 = arith.constant 0 : i32
        %dma_start3A_241 = tpu.memref_slice %arg2[%dma_start3A_239, %dma_start3A_240] : memref<10000x64xf32, #tpu.memory_space<hbm>> -> memref<10000x64xf32, #tpu.memory_space<hbm>>
        tpu.enqueue_indirect_dma source(%dma_start3A_241 : memref<10000x64xf32, #tpu.memory_space<hbm>>) target(%dma_start3A_235 : memref<128x64xf32, #tpu.memory_space<vmem>>) offsets(%dma_start3A_238 : memref<128xi32, #tpu.memory_space<vmem>>) semaphore(%arg15 : memref<!tpu.dma_semaphore, #tpu.memory_space<semaphore_mem>>)
        %dma_start3A_242 = arith.constant 0 : i32
        %dma_start3A_243 = arith.constant 2 : i32
        %dma_start3A_244 = arith.constant 0 : i32
        %dma_start3A_245 = arith.constant 0 : i32
        %dma_start3A_246 = arith.constant 0 : i32
        %dma_start3A_247 = tpu.memref_slice %arg13[%dma_start3A_244, %dma_start3A_245, %dma_start3A_246] : memref<2x128x48xf32, #tpu.memory_space<vmem>> -> memref<1x128x48xf32, #tpu.memory_space<vmem>>
        %dma_start3A_248 = tpu.memref_squeeze %dma_start3A_247 : memref<1x128x48xf32, #tpu.memory_space<vmem>> -> memref<128x48xf32, #tpu.memory_space<vmem>>
        %dma_start3A_249 = arith.constant 0 : i32
        %dma_start3A_250 = tpu.memref_slice %arg10[%dma_start3A_242, %dma_start3A_243, %dma_start3A_249] : memref<2x3x128xi32, #tpu.memory_space<vmem>> -> memref<1x1x128xi32, #tpu.memory_space<vmem>>
        %dma_start3A_251 = tpu.memref_squeeze %dma_start3A_250 : memref<1x1x128xi32, #tpu.memory_space<vmem>> -> memref<128xi32, #tpu.memory_space<vmem>>
        %dma_start3A_252 = arith.constant 0 : i32
        %dma_start3A_253 = arith.constant 0 : i32
        %dma_start3A_254 = tpu.memref_slice %arg3[%dma_start3A_252, %dma_start3A_253] : memref<160000x48xf32, #tpu.memory_space<hbm>> -> memref<160000x48xf32, #tpu.memory_space<hbm>>
        tpu.enqueue_indirect_dma source(%dma_start3A_254 : memref<160000x48xf32, #tpu.memory_space<hbm>>) target(%dma_start3A_248 : memref<128x48xf32, #tpu.memory_space<vmem>>) offsets(%dma_start3A_251 : memref<128xi32, #tpu.memory_space<vmem>>) semaphore(%arg15 : memref<!tpu.dma_semaphore, #tpu.memory_space<semaphore_mem>>)
        %dma_start3A_255 = arith.constant 0 : i32
        %dma_start3A_256 = arith.constant 2 : i32
        %dma_start3A_257 = arith.constant 0 : i32
        %dma_start3A_258 = arith.constant 0 : i32
        %dma_start3A_259 = tpu.memref_slice %arg14[%dma_start3A_257, %dma_start3A_258] : memref<2x128xf32, #tpu.memory_space<vmem>> -> memref<1x128xf32, #tpu.memory_space<vmem>>
        %dma_start3A_260 = tpu.memref_squeeze %dma_start3A_259 : memref<1x128xf32, #tpu.memory_space<vmem>> -> memref<128xf32, #tpu.memory_space<vmem>>
        %dma_start3A_261 = arith.constant 0 : i32
        %dma_start3A_262 = tpu.memref_slice %arg10[%dma_start3A_255, %dma_start3A_256, %dma_start3A_261] : memref<2x3x128xi32, #tpu.memory_space<vmem>> -> memref<1x1x128xi32, #tpu.memory_space<vmem>>
        %dma_start3A_263 = tpu.memref_squeeze %dma_start3A_262 : memref<1x1x128xi32, #tpu.memory_space<vmem>> -> memref<128xi32, #tpu.memory_space<vmem>>
        %dma_start3A_264 = arith.constant 0 : i32
        %dma_start3A_265 = tpu.memref_slice %arg4[%dma_start3A_264] : memref<160000xf32, #tpu.memory_space<hbm>> -> memref<160000xf32, #tpu.memory_space<hbm>>
        tpu.enqueue_indirect_dma source(%dma_start3A_265 : memref<160000xf32, #tpu.memory_space<hbm>>) target(%dma_start3A_260 : memref<128xf32, #tpu.memory_space<vmem>>) offsets(%dma_start3A_263 : memref<128xi32, #tpu.memory_space<vmem>>) semaphore(%arg15 : memref<!tpu.dma_semaphore, #tpu.memory_space<semaphore_mem>>)
      } else {
      }
      %lt3A_205 = arith.constant 2500 : i32
      %lt3A_206 = arith.cmpi slt, %add3A_197, %lt3A_205 : i32
      %convert_element_type3A_207 = arith.extui %lt3A_206 : i1 to i32
      %cond3A_208 = arith.constant 0 : i32
      %cond3A_209 = arith.cmpi ne, %convert_element_type3A_207, %cond3A_208 : i32
      scf.if %cond3A_209 {
        %dma_wait3A_211 = arith.constant 1 : i32
        %dma_wait3A_212 = arith.constant 0 : i32
        %dma_wait3A_213 = arith.constant 1 : i32
        %dma_wait3A_214 = arith.constant 0 : i32
        %dma_wait3A_215 = arith.constant 0 : i32
        %dma_wait3A_216 = tpu.memref_slice %arg11[%dma_wait3A_213, %dma_wait3A_214, %dma_wait3A_215] : memref<2x128x64xf32, #tpu.memory_space<vmem>> -> memref<1x128x64xf32, #tpu.memory_space<vmem>>
        %dma_wait3A_217 = tpu.memref_squeeze %dma_wait3A_216 : memref<1x128x64xf32, #tpu.memory_space<vmem>> -> memref<128x64xf32, #tpu.memory_space<vmem>>
        %dma_wait3A_218 = arith.constant 0 : i32
        %dma_wait3A_219 = tpu.memref_slice %arg10[%dma_wait3A_211, %dma_wait3A_212, %dma_wait3A_218] : memref<2x3x128xi32, #tpu.memory_space<vmem>> -> memref<1x1x128xi32, #tpu.memory_space<vmem>>
        %dma_wait3A_220 = tpu.memref_squeeze %dma_wait3A_219 : memref<1x1x128xi32, #tpu.memory_space<vmem>> -> memref<128xi32, #tpu.memory_space<vmem>>
        %dma_wait3A_221 = arith.constant 0 : i32
        %dma_wait3A_222 = arith.constant 0 : i32
        %dma_wait3A_223 = tpu.memref_slice %arg2[%dma_wait3A_221, %dma_wait3A_222] : memref<10000x64xf32, #tpu.memory_space<hbm>> -> memref<10000x64xf32, #tpu.memory_space<hbm>>
        tpu.wait_indirect_dma semaphore(%arg16 : memref<!tpu.dma_semaphore, #tpu.memory_space<semaphore_mem>>) src(%dma_wait3A_223 : memref<10000x64xf32, #tpu.memory_space<hbm>>) dst(%dma_wait3A_217 : memref<128x64xf32, #tpu.memory_space<vmem>>)
        %dma_wait3A_224 = arith.constant 1 : i32
        %dma_wait3A_225 = arith.constant 1 : i32
        %dma_wait3A_226 = arith.constant 1 : i32
        %dma_wait3A_227 = arith.constant 0 : i32
        %dma_wait3A_228 = arith.constant 0 : i32
        %dma_wait3A_229 = tpu.memref_slice %arg12[%dma_wait3A_226, %dma_wait3A_227, %dma_wait3A_228] : memref<2x128x64xf32, #tpu.memory_space<vmem>> -> memref<1x128x64xf32, #tpu.memory_space<vmem>>
        %dma_wait3A_230 = tpu.memref_squeeze %dma_wait3A_229 : memref<1x128x64xf32, #tpu.memory_space<vmem>> -> memref<128x64xf32, #tpu.memory_space<vmem>>
        %dma_wait3A_231 = arith.constant 0 : i32
        %dma_wait3A_232 = tpu.memref_slice %arg10[%dma_wait3A_224, %dma_wait3A_225, %dma_wait3A_231] : memref<2x3x128xi32, #tpu.memory_space<vmem>> -> memref<1x1x128xi32, #tpu.memory_space<vmem>>
        %dma_wait3A_233 = tpu.memref_squeeze %dma_wait3A_232 : memref<1x1x128xi32, #tpu.memory_space<vmem>> -> memref<128xi32, #tpu.memory_space<vmem>>
        %dma_wait3A_234 = arith.constant 0 : i32
        %dma_wait3A_235 = arith.constant 0 : i32
        %dma_wait3A_236 = tpu.memref_slice %arg2[%dma_wait3A_234, %dma_wait3A_235] : memref<10000x64xf32, #tpu.memory_space<hbm>> -> memref<10000x64xf32, #tpu.memory_space<hbm>>
        tpu.wait_indirect_dma semaphore(%arg16 : memref<!tpu.dma_semaphore, #tpu.memory_space<semaphore_mem>>) src(%dma_wait3A_236 : memref<10000x64xf32, #tpu.memory_space<hbm>>) dst(%dma_wait3A_230 : memref<128x64xf32, #tpu.memory_space<vmem>>)
        %dma_wait3A_237 = arith.constant 1 : i32
        %dma_wait3A_238 = arith.constant 2 : i32
        %dma_wait3A_239 = arith.constant 1 : i32
        %dma_wait3A_240 = arith.constant 0 : i32
        %dma_wait3A_241 = arith.constant 0 : i32
        %dma_wait3A_242 = tpu.memref_slice %arg13[%dma_wait3A_239, %dma_wait3A_240, %dma_wait3A_241] : memref<2x128x48xf32, #tpu.memory_space<vmem>> -> memref<1x128x48xf32, #tpu.memory_space<vmem>>
        %dma_wait3A_243 = tpu.memref_squeeze %dma_wait3A_242 : memref<1x128x48xf32, #tpu.memory_space<vmem>> -> memref<128x48xf32, #tpu.memory_space<vmem>>
        %dma_wait3A_244 = arith.constant 0 : i32
        %dma_wait3A_245 = tpu.memref_slice %arg10[%dma_wait3A_237, %dma_wait3A_238, %dma_wait3A_244] : memref<2x3x128xi32, #tpu.memory_space<vmem>> -> memref<1x1x128xi32, #tpu.memory_space<vmem>>
        %dma_wait3A_246 = tpu.memref_squeeze %dma_wait3A_245 : memref<1x1x128xi32, #tpu.memory_space<vmem>> -> memref<128xi32, #tpu.memory_space<vmem>>
        %dma_wait3A_247 = arith.constant 0 : i32
        %dma_wait3A_248 = arith.constant 0 : i32
        %dma_wait3A_249 = tpu.memref_slice %arg3[%dma_wait3A_247, %dma_wait3A_248] : memref<160000x48xf32, #tpu.memory_space<hbm>> -> memref<160000x48xf32, #tpu.memory_space<hbm>>
        tpu.wait_indirect_dma semaphore(%arg16 : memref<!tpu.dma_semaphore, #tpu.memory_space<semaphore_mem>>) src(%dma_wait3A_249 : memref<160000x48xf32, #tpu.memory_space<hbm>>) dst(%dma_wait3A_243 : memref<128x48xf32, #tpu.memory_space<vmem>>)
        %dma_wait3A_250 = arith.constant 1 : i32
        %dma_wait3A_251 = arith.constant 2 : i32
        %dma_wait3A_252 = arith.constant 1 : i32
        %dma_wait3A_253 = arith.constant 0 : i32
        %dma_wait3A_254 = tpu.memref_slice %arg14[%dma_wait3A_252, %dma_wait3A_253] : memref<2x128xf32, #tpu.memory_space<vmem>> -> memref<1x128xf32, #tpu.memory_space<vmem>>
        %dma_wait3A_255 = tpu.memref_squeeze %dma_wait3A_254 : memref<1x128xf32, #tpu.memory_space<vmem>> -> memref<128xf32, #tpu.memory_space<vmem>>
        %dma_wait3A_256 = arith.constant 0 : i32
        %dma_wait3A_257 = tpu.memref_slice %arg10[%dma_wait3A_250, %dma_wait3A_251, %dma_wait3A_256] : memref<2x3x128xi32, #tpu.memory_space<vmem>> -> memref<1x1x128xi32, #tpu.memory_space<vmem>>
        %dma_wait3A_258 = tpu.memref_squeeze %dma_wait3A_257 : memref<1x1x128xi32, #tpu.memory_space<vmem>> -> memref<128xi32, #tpu.memory_space<vmem>>
        %dma_wait3A_259 = arith.constant 0 : i32
        %dma_wait3A_260 = tpu.memref_slice %arg4[%dma_wait3A_259] : memref<160000xf32, #tpu.memory_space<hbm>> -> memref<160000xf32, #tpu.memory_space<hbm>>
        tpu.wait_indirect_dma semaphore(%arg16 : memref<!tpu.dma_semaphore, #tpu.memory_space<semaphore_mem>>) src(%dma_wait3A_260 : memref<160000xf32, #tpu.memory_space<hbm>>) dst(%dma_wait3A_255 : memref<128xf32, #tpu.memory_space<vmem>>)
        %mul3A_261 = arith.constant 128 : i32
        %mul3A_262 = arith.muli %add3A_197, %mul3A_261 : i32
        %dma_start3A_263 = arith.constant 1 : i32
        %dma_start3A_264 = arith.constant 0 : i32
        %dma_start3A_265 = arith.constant 0 : i32
        %dma_start3A_266 = tpu.memref_slice %arg11[%dma_start3A_263, %dma_start3A_264, %dma_start3A_265] : memref<2x128x64xf32, #tpu.memory_space<vmem>> -> memref<1x128x64xf32, #tpu.memory_space<vmem>>
        %dma_start3A_267 = tpu.memref_squeeze %dma_start3A_266 : memref<1x128x64xf32, #tpu.memory_space<vmem>> -> memref<128x64xf32, #tpu.memory_space<vmem>>
        %dma_start3A_268 = arith.constant 0 : i32
        %dma_start3A_269 = tpu.memref_slice %arg6[%mul3A_262, %dma_start3A_268] : memref<320000x64xf32, #tpu.memory_space<hbm>> -> memref<128x64xf32, #tpu.memory_space<hbm>>
        %dma_start3A_270 = arith.constant 0 : i32
        %dma_start3A_271 = tpu.memref_slice %arg6[%mul3A_262, %dma_start3A_270] : memref<320000x64xf32, #tpu.memory_space<hbm>> -> memref<128x64xf32, #tpu.memory_space<hbm>>
        %dma_start3A_272 = arith.constant 0 : i32
        %dma_start3A_273 = arith.constant 0 : i32
        %dma_start3A_274 = tpu.memref_slice %arg11[%dma_start3A_263, %dma_start3A_272, %dma_start3A_273] : memref<2x128x64xf32, #tpu.memory_space<vmem>> -> memref<1x128x64xf32, #tpu.memory_space<vmem>>
        %dma_start3A_275 = tpu.memref_squeeze %dma_start3A_274 : memref<1x128x64xf32, #tpu.memory_space<vmem>> -> memref<128x64xf32, #tpu.memory_space<vmem>>
        tpu.enqueue_dma source(%dma_start3A_275 : memref<128x64xf32, #tpu.memory_space<vmem>>) target(%dma_start3A_271 : memref<128x64xf32, #tpu.memory_space<hbm>>) target_semaphore(%arg18 : memref<!tpu.dma_semaphore, #tpu.memory_space<semaphore_mem>>)
        %dma_start3A_276 = arith.constant 1 : i32
        %dma_start3A_277 = arith.constant 0 : i32
        %dma_start3A_278 = arith.constant 0 : i32
        %dma_start3A_279 = tpu.memref_slice %arg12[%dma_start3A_276, %dma_start3A_277, %dma_start3A_278] : memref<2x128x64xf32, #tpu.memory_space<vmem>> -> memref<1x128x64xf32, #tpu.memory_space<vmem>>
        %dma_start3A_280 = tpu.memref_squeeze %dma_start3A_279 : memref<1x128x64xf32, #tpu.memory_space<vmem>> -> memref<128x64xf32, #tpu.memory_space<vmem>>
        %dma_start3A_281 = arith.constant 0 : i32
        %dma_start3A_282 = tpu.memref_slice %arg7[%mul3A_262, %dma_start3A_281] : memref<320000x64xf32, #tpu.memory_space<hbm>> -> memref<128x64xf32, #tpu.memory_space<hbm>>
        %dma_start3A_283 = arith.constant 0 : i32
        %dma_start3A_284 = tpu.memref_slice %arg7[%mul3A_262, %dma_start3A_283] : memref<320000x64xf32, #tpu.memory_space<hbm>> -> memref<128x64xf32, #tpu.memory_space<hbm>>
        %dma_start3A_285 = arith.constant 0 : i32
        %dma_start3A_286 = arith.constant 0 : i32
        %dma_start3A_287 = tpu.memref_slice %arg12[%dma_start3A_276, %dma_start3A_285, %dma_start3A_286] : memref<2x128x64xf32, #tpu.memory_space<vmem>> -> memref<1x128x64xf32, #tpu.memory_space<vmem>>
        %dma_start3A_288 = tpu.memref_squeeze %dma_start3A_287 : memref<1x128x64xf32, #tpu.memory_space<vmem>> -> memref<128x64xf32, #tpu.memory_space<vmem>>
        tpu.enqueue_dma source(%dma_start3A_288 : memref<128x64xf32, #tpu.memory_space<vmem>>) target(%dma_start3A_284 : memref<128x64xf32, #tpu.memory_space<hbm>>) target_semaphore(%arg18 : memref<!tpu.dma_semaphore, #tpu.memory_space<semaphore_mem>>)
        %dma_start3A_289 = arith.constant 1 : i32
        %dma_start3A_290 = arith.constant 0 : i32
        %dma_start3A_291 = arith.constant 0 : i32
        %dma_start3A_292 = tpu.memref_slice %arg13[%dma_start3A_289, %dma_start3A_290, %dma_start3A_291] : memref<2x128x48xf32, #tpu.memory_space<vmem>> -> memref<1x128x48xf32, #tpu.memory_space<vmem>>
        %dma_start3A_293 = tpu.memref_squeeze %dma_start3A_292 : memref<1x128x48xf32, #tpu.memory_space<vmem>> -> memref<128x48xf32, #tpu.memory_space<vmem>>
        %dma_start3A_294 = arith.constant 0 : i32
        %dma_start3A_295 = tpu.memref_slice %arg8[%mul3A_262, %dma_start3A_294] : memref<320000x48xf32, #tpu.memory_space<hbm>> -> memref<128x48xf32, #tpu.memory_space<hbm>>
        %dma_start3A_296 = arith.constant 0 : i32
        %dma_start3A_297 = tpu.memref_slice %arg8[%mul3A_262, %dma_start3A_296] : memref<320000x48xf32, #tpu.memory_space<hbm>> -> memref<128x48xf32, #tpu.memory_space<hbm>>
        %dma_start3A_298 = arith.constant 0 : i32
        %dma_start3A_299 = arith.constant 0 : i32
        %dma_start3A_300 = tpu.memref_slice %arg13[%dma_start3A_289, %dma_start3A_298, %dma_start3A_299] : memref<2x128x48xf32, #tpu.memory_space<vmem>> -> memref<1x128x48xf32, #tpu.memory_space<vmem>>
        %dma_start3A_301 = tpu.memref_squeeze %dma_start3A_300 : memref<1x128x48xf32, #tpu.memory_space<vmem>> -> memref<128x48xf32, #tpu.memory_space<vmem>>
        tpu.enqueue_dma source(%dma_start3A_301 : memref<128x48xf32, #tpu.memory_space<vmem>>) target(%dma_start3A_297 : memref<128x48xf32, #tpu.memory_space<hbm>>) target_semaphore(%arg18 : memref<!tpu.dma_semaphore, #tpu.memory_space<semaphore_mem>>)
        %dma_start3A_302 = arith.constant 1 : i32
        %dma_start3A_303 = arith.constant 0 : i32
        %dma_start3A_304 = tpu.memref_slice %arg14[%dma_start3A_302, %dma_start3A_303] : memref<2x128xf32, #tpu.memory_space<vmem>> -> memref<1x128xf32, #tpu.memory_space<vmem>>
        %dma_start3A_305 = tpu.memref_squeeze %dma_start3A_304 : memref<1x128xf32, #tpu.memory_space<vmem>> -> memref<128xf32, #tpu.memory_space<vmem>>
        %dma_start3A_306 = arith.constant 0 : i32
        %dma_start3A_307 = tpu.memref_slice %arg9[%add3A_197, %dma_start3A_306] : memref<2500x128xf32, #tpu.memory_space<hbm>> -> memref<1x128xf32, #tpu.memory_space<hbm>>
        %dma_start3A_308 = tpu.memref_squeeze %dma_start3A_307 : memref<1x128xf32, #tpu.memory_space<hbm>> -> memref<128xf32, #tpu.memory_space<hbm>>
        %dma_start3A_309 = arith.constant 0 : i32
        %dma_start3A_310 = tpu.memref_slice %arg9[%add3A_197, %dma_start3A_309] : memref<2500x128xf32, #tpu.memory_space<hbm>> -> memref<1x128xf32, #tpu.memory_space<hbm>>
        %dma_start3A_311 = tpu.memref_squeeze %dma_start3A_310 : memref<1x128xf32, #tpu.memory_space<hbm>> -> memref<128xf32, #tpu.memory_space<hbm>>
        %dma_start3A_312 = arith.constant 0 : i32
        %dma_start3A_313 = tpu.memref_slice %arg14[%dma_start3A_302, %dma_start3A_312] : memref<2x128xf32, #tpu.memory_space<vmem>> -> memref<1x128xf32, #tpu.memory_space<vmem>>
        %dma_start3A_314 = tpu.memref_squeeze %dma_start3A_313 : memref<1x128xf32, #tpu.memory_space<vmem>> -> memref<128xf32, #tpu.memory_space<vmem>>
        tpu.enqueue_dma source(%dma_start3A_314 : memref<128xf32, #tpu.memory_space<vmem>>) target(%dma_start3A_311 : memref<128xf32, #tpu.memory_space<hbm>>) target_semaphore(%arg18 : memref<!tpu.dma_semaphore, #tpu.memory_space<semaphore_mem>>)
      } else {
      }
      %scan3A_210 = arith.constant 0 : i32
      scf.yield %scan3A_210 : i32
    }
    %scan3A_55 = arith.constant 40 : i32
    %dma_wait3A = arith.constant 0 : i32
    %dma_wait3A_56 = arith.constant 0 : i32
    %dma_wait3A_57 = arith.constant 0 : i32
    %dma_wait3A_58 = tpu.memref_slice %arg11[%dma_wait3A, %dma_wait3A_56, %dma_wait3A_57] : memref<2x128x64xf32, #tpu.memory_space<vmem>> -> memref<1x128x64xf32, #tpu.memory_space<vmem>>
    %dma_wait3A_59 = tpu.memref_squeeze %dma_wait3A_58 : memref<1x128x64xf32, #tpu.memory_space<vmem>> -> memref<128x64xf32, #tpu.memory_space<vmem>>
    %dma_wait3A_60 = arith.constant 0 : i32
    %dma_wait3A_61 = arith.constant 0 : i32
    %dma_wait3A_62 = tpu.memref_slice %arg6[%dma_wait3A_60, %dma_wait3A_61] : memref<320000x64xf32, #tpu.memory_space<hbm>> -> memref<128x64xf32, #tpu.memory_space<hbm>>
    %dma_wait3A_63 = arith.constant 0 : i32
    %dma_wait3A_64 = arith.constant 0 : i32
    %dma_wait3A_65 = tpu.memref_slice %arg6[%dma_wait3A_63, %dma_wait3A_64] : memref<320000x64xf32, #tpu.memory_space<hbm>> -> memref<128x64xf32, #tpu.memory_space<hbm>>
    %dma_wait3A_66 = arith.constant 0 : i32
    %dma_wait3A_67 = arith.constant 0 : i32
    %dma_wait3A_68 = tpu.memref_slice %arg11[%dma_wait3A, %dma_wait3A_66, %dma_wait3A_67] : memref<2x128x64xf32, #tpu.memory_space<vmem>> -> memref<1x128x64xf32, #tpu.memory_space<vmem>>
    %dma_wait3A_69 = tpu.memref_squeeze %dma_wait3A_68 : memref<1x128x64xf32, #tpu.memory_space<vmem>> -> memref<128x64xf32, #tpu.memory_space<vmem>>
    tpu.wait_dma2 semaphore(%arg17 : memref<!tpu.dma_semaphore, #tpu.memory_space<semaphore_mem>>) src(%dma_wait3A_69 : memref<128x64xf32, #tpu.memory_space<vmem>>) dst(%dma_wait3A_65 : memref<128x64xf32, #tpu.memory_space<hbm>>)
    %dma_wait3A_70 = arith.constant 0 : i32
    %dma_wait3A_71 = arith.constant 0 : i32
    %dma_wait3A_72 = arith.constant 0 : i32
    %dma_wait3A_73 = tpu.memref_slice %arg12[%dma_wait3A_70, %dma_wait3A_71, %dma_wait3A_72] : memref<2x128x64xf32, #tpu.memory_space<vmem>> -> memref<1x128x64xf32, #tpu.memory_space<vmem>>
    %dma_wait3A_74 = tpu.memref_squeeze %dma_wait3A_73 : memref<1x128x64xf32, #tpu.memory_space<vmem>> -> memref<128x64xf32, #tpu.memory_space<vmem>>
    %dma_wait3A_75 = arith.constant 0 : i32
    %dma_wait3A_76 = arith.constant 0 : i32
    %dma_wait3A_77 = tpu.memref_slice %arg7[%dma_wait3A_75, %dma_wait3A_76] : memref<320000x64xf32, #tpu.memory_space<hbm>> -> memref<128x64xf32, #tpu.memory_space<hbm>>
    %dma_wait3A_78 = arith.constant 0 : i32
    %dma_wait3A_79 = arith.constant 0 : i32
    %dma_wait3A_80 = tpu.memref_slice %arg7[%dma_wait3A_78, %dma_wait3A_79] : memref<320000x64xf32, #tpu.memory_space<hbm>> -> memref<128x64xf32, #tpu.memory_space<hbm>>
    %dma_wait3A_81 = arith.constant 0 : i32
    %dma_wait3A_82 = arith.constant 0 : i32
    %dma_wait3A_83 = tpu.memref_slice %arg12[%dma_wait3A_70, %dma_wait3A_81, %dma_wait3A_82] : memref<2x128x64xf32, #tpu.memory_space<vmem>> -> memref<1x128x64xf32, #tpu.memory_space<vmem>>
    %dma_wait3A_84 = tpu.memref_squeeze %dma_wait3A_83 : memref<1x128x64xf32, #tpu.memory_space<vmem>> -> memref<128x64xf32, #tpu.memory_space<vmem>>
    tpu.wait_dma2 semaphore(%arg17 : memref<!tpu.dma_semaphore, #tpu.memory_space<semaphore_mem>>) src(%dma_wait3A_84 : memref<128x64xf32, #tpu.memory_space<vmem>>) dst(%dma_wait3A_80 : memref<128x64xf32, #tpu.memory_space<hbm>>)
    %dma_wait3A_85 = arith.constant 0 : i32
    %dma_wait3A_86 = arith.constant 0 : i32
    %dma_wait3A_87 = arith.constant 0 : i32
    %dma_wait3A_88 = tpu.memref_slice %arg13[%dma_wait3A_85, %dma_wait3A_86, %dma_wait3A_87] : memref<2x128x48xf32, #tpu.memory_space<vmem>> -> memref<1x128x48xf32, #tpu.memory_space<vmem>>
    %dma_wait3A_89 = tpu.memref_squeeze %dma_wait3A_88 : memref<1x128x48xf32, #tpu.memory_space<vmem>> -> memref<128x48xf32, #tpu.memory_space<vmem>>
    %dma_wait3A_90 = arith.constant 0 : i32
    %dma_wait3A_91 = arith.constant 0 : i32
    %dma_wait3A_92 = tpu.memref_slice %arg8[%dma_wait3A_90, %dma_wait3A_91] : memref<320000x48xf32, #tpu.memory_space<hbm>> -> memref<128x48xf32, #tpu.memory_space<hbm>>
    %dma_wait3A_93 = arith.constant 0 : i32
    %dma_wait3A_94 = arith.constant 0 : i32
    %dma_wait3A_95 = tpu.memref_slice %arg8[%dma_wait3A_93, %dma_wait3A_94] : memref<320000x48xf32, #tpu.memory_space<hbm>> -> memref<128x48xf32, #tpu.memory_space<hbm>>
    %dma_wait3A_96 = arith.constant 0 : i32
    %dma_wait3A_97 = arith.constant 0 : i32
    %dma_wait3A_98 = tpu.memref_slice %arg13[%dma_wait3A_85, %dma_wait3A_96, %dma_wait3A_97] : memref<2x128x48xf32, #tpu.memory_space<vmem>> -> memref<1x128x48xf32, #tpu.memory_space<vmem>>
    %dma_wait3A_99 = tpu.memref_squeeze %dma_wait3A_98 : memref<1x128x48xf32, #tpu.memory_space<vmem>> -> memref<128x48xf32, #tpu.memory_space<vmem>>
    tpu.wait_dma2 semaphore(%arg17 : memref<!tpu.dma_semaphore, #tpu.memory_space<semaphore_mem>>) src(%dma_wait3A_99 : memref<128x48xf32, #tpu.memory_space<vmem>>) dst(%dma_wait3A_95 : memref<128x48xf32, #tpu.memory_space<hbm>>)
    %dma_wait3A_100 = arith.constant 0 : i32
    %dma_wait3A_101 = arith.constant 0 : i32
    %dma_wait3A_102 = arith.constant 0 : i32
    %dma_wait3A_103 = tpu.memref_slice %arg14[%dma_wait3A_100, %dma_wait3A_102] : memref<2x128xf32, #tpu.memory_space<vmem>> -> memref<1x128xf32, #tpu.memory_space<vmem>>
    %dma_wait3A_104 = tpu.memref_squeeze %dma_wait3A_103 : memref<1x128xf32, #tpu.memory_space<vmem>> -> memref<128xf32, #tpu.memory_space<vmem>>
    %dma_wait3A_105 = arith.constant 0 : i32
    %dma_wait3A_106 = tpu.memref_slice %arg9[%dma_wait3A_101, %dma_wait3A_105] : memref<2500x128xf32, #tpu.memory_space<hbm>> -> memref<1x128xf32, #tpu.memory_space<hbm>>
    %dma_wait3A_107 = tpu.memref_squeeze %dma_wait3A_106 : memref<1x128xf32, #tpu.memory_space<hbm>> -> memref<128xf32, #tpu.memory_space<hbm>>
    %dma_wait3A_108 = arith.constant 0 : i32
    %dma_wait3A_109 = tpu.memref_slice %arg9[%dma_wait3A_101, %dma_wait3A_108] : memref<2500x128xf32, #tpu.memory_space<hbm>> -> memref<1x128xf32, #tpu.memory_space<hbm>>
    %dma_wait3A_110 = tpu.memref_squeeze %dma_wait3A_109 : memref<1x128xf32, #tpu.memory_space<hbm>> -> memref<128xf32, #tpu.memory_space<hbm>>
    %dma_wait3A_111 = arith.constant 0 : i32
    %dma_wait3A_112 = tpu.memref_slice %arg14[%dma_wait3A_100, %dma_wait3A_111] : memref<2x128xf32, #tpu.memory_space<vmem>> -> memref<1x128xf32, #tpu.memory_space<vmem>>
    %dma_wait3A_113 = tpu.memref_squeeze %dma_wait3A_112 : memref<1x128xf32, #tpu.memory_space<vmem>> -> memref<128xf32, #tpu.memory_space<vmem>>
    tpu.wait_dma2 semaphore(%arg17 : memref<!tpu.dma_semaphore, #tpu.memory_space<semaphore_mem>>) src(%dma_wait3A_113 : memref<128xf32, #tpu.memory_space<vmem>>) dst(%dma_wait3A_110 : memref<128xf32, #tpu.memory_space<hbm>>)
    %dma_wait3A_114 = arith.constant 1 : i32
    %dma_wait3A_115 = arith.constant 0 : i32
    %dma_wait3A_116 = arith.constant 0 : i32
    %dma_wait3A_117 = tpu.memref_slice %arg11[%dma_wait3A_114, %dma_wait3A_115, %dma_wait3A_116] : memref<2x128x64xf32, #tpu.memory_space<vmem>> -> memref<1x128x64xf32, #tpu.memory_space<vmem>>
    %dma_wait3A_118 = tpu.memref_squeeze %dma_wait3A_117 : memref<1x128x64xf32, #tpu.memory_space<vmem>> -> memref<128x64xf32, #tpu.memory_space<vmem>>
    %dma_wait3A_119 = arith.constant 0 : i32
    %dma_wait3A_120 = arith.constant 0 : i32
    %dma_wait3A_121 = tpu.memref_slice %arg6[%dma_wait3A_119, %dma_wait3A_120] : memref<320000x64xf32, #tpu.memory_space<hbm>> -> memref<128x64xf32, #tpu.memory_space<hbm>>
    %dma_wait3A_122 = arith.constant 0 : i32
    %dma_wait3A_123 = arith.constant 0 : i32
    %dma_wait3A_124 = tpu.memref_slice %arg6[%dma_wait3A_122, %dma_wait3A_123] : memref<320000x64xf32, #tpu.memory_space<hbm>> -> memref<128x64xf32, #tpu.memory_space<hbm>>
    %dma_wait3A_125 = arith.constant 0 : i32
    %dma_wait3A_126 = arith.constant 0 : i32
    %dma_wait3A_127 = tpu.memref_slice %arg11[%dma_wait3A_114, %dma_wait3A_125, %dma_wait3A_126] : memref<2x128x64xf32, #tpu.memory_space<vmem>> -> memref<1x128x64xf32, #tpu.memory_space<vmem>>
    %dma_wait3A_128 = tpu.memref_squeeze %dma_wait3A_127 : memref<1x128x64xf32, #tpu.memory_space<vmem>> -> memref<128x64xf32, #tpu.memory_space<vmem>>
    tpu.wait_dma2 semaphore(%arg18 : memref<!tpu.dma_semaphore, #tpu.memory_space<semaphore_mem>>) src(%dma_wait3A_128 : memref<128x64xf32, #tpu.memory_space<vmem>>) dst(%dma_wait3A_124 : memref<128x64xf32, #tpu.memory_space<hbm>>)
    %dma_wait3A_129 = arith.constant 1 : i32
    %dma_wait3A_130 = arith.constant 0 : i32
    %dma_wait3A_131 = arith.constant 0 : i32
    %dma_wait3A_132 = tpu.memref_slice %arg12[%dma_wait3A_129, %dma_wait3A_130, %dma_wait3A_131] : memref<2x128x64xf32, #tpu.memory_space<vmem>> -> memref<1x128x64xf32, #tpu.memory_space<vmem>>
    %dma_wait3A_133 = tpu.memref_squeeze %dma_wait3A_132 : memref<1x128x64xf32, #tpu.memory_space<vmem>> -> memref<128x64xf32, #tpu.memory_space<vmem>>
    %dma_wait3A_134 = arith.constant 0 : i32
    %dma_wait3A_135 = arith.constant 0 : i32
    %dma_wait3A_136 = tpu.memref_slice %arg7[%dma_wait3A_134, %dma_wait3A_135] : memref<320000x64xf32, #tpu.memory_space<hbm>> -> memref<128x64xf32, #tpu.memory_space<hbm>>
    %dma_wait3A_137 = arith.constant 0 : i32
    %dma_wait3A_138 = arith.constant 0 : i32
    %dma_wait3A_139 = tpu.memref_slice %arg7[%dma_wait3A_137, %dma_wait3A_138] : memref<320000x64xf32, #tpu.memory_space<hbm>> -> memref<128x64xf32, #tpu.memory_space<hbm>>
    %dma_wait3A_140 = arith.constant 0 : i32
    %dma_wait3A_141 = arith.constant 0 : i32
    %dma_wait3A_142 = tpu.memref_slice %arg12[%dma_wait3A_129, %dma_wait3A_140, %dma_wait3A_141] : memref<2x128x64xf32, #tpu.memory_space<vmem>> -> memref<1x128x64xf32, #tpu.memory_space<vmem>>
    %dma_wait3A_143 = tpu.memref_squeeze %dma_wait3A_142 : memref<1x128x64xf32, #tpu.memory_space<vmem>> -> memref<128x64xf32, #tpu.memory_space<vmem>>
    tpu.wait_dma2 semaphore(%arg18 : memref<!tpu.dma_semaphore, #tpu.memory_space<semaphore_mem>>) src(%dma_wait3A_143 : memref<128x64xf32, #tpu.memory_space<vmem>>) dst(%dma_wait3A_139 : memref<128x64xf32, #tpu.memory_space<hbm>>)
    %dma_wait3A_144 = arith.constant 1 : i32
    %dma_wait3A_145 = arith.constant 0 : i32
    %dma_wait3A_146 = arith.constant 0 : i32
    %dma_wait3A_147 = tpu.memref_slice %arg13[%dma_wait3A_144, %dma_wait3A_145, %dma_wait3A_146] : memref<2x128x48xf32, #tpu.memory_space<vmem>> -> memref<1x128x48xf32, #tpu.memory_space<vmem>>
    %dma_wait3A_148 = tpu.memref_squeeze %dma_wait3A_147 : memref<1x128x48xf32, #tpu.memory_space<vmem>> -> memref<128x48xf32, #tpu.memory_space<vmem>>
    %dma_wait3A_149 = arith.constant 0 : i32
    %dma_wait3A_150 = arith.constant 0 : i32
    %dma_wait3A_151 = tpu.memref_slice %arg8[%dma_wait3A_149, %dma_wait3A_150] : memref<320000x48xf32, #tpu.memory_space<hbm>> -> memref<128x48xf32, #tpu.memory_space<hbm>>
    %dma_wait3A_152 = arith.constant 0 : i32
    %dma_wait3A_153 = arith.constant 0 : i32
    %dma_wait3A_154 = tpu.memref_slice %arg8[%dma_wait3A_152, %dma_wait3A_153] : memref<320000x48xf32, #tpu.memory_space<hbm>> -> memref<128x48xf32, #tpu.memory_space<hbm>>
    %dma_wait3A_155 = arith.constant 0 : i32
    %dma_wait3A_156 = arith.constant 0 : i32
    %dma_wait3A_157 = tpu.memref_slice %arg13[%dma_wait3A_144, %dma_wait3A_155, %dma_wait3A_156] : memref<2x128x48xf32, #tpu.memory_space<vmem>> -> memref<1x128x48xf32, #tpu.memory_space<vmem>>
    %dma_wait3A_158 = tpu.memref_squeeze %dma_wait3A_157 : memref<1x128x48xf32, #tpu.memory_space<vmem>> -> memref<128x48xf32, #tpu.memory_space<vmem>>
    tpu.wait_dma2 semaphore(%arg18 : memref<!tpu.dma_semaphore, #tpu.memory_space<semaphore_mem>>) src(%dma_wait3A_158 : memref<128x48xf32, #tpu.memory_space<vmem>>) dst(%dma_wait3A_154 : memref<128x48xf32, #tpu.memory_space<hbm>>)
    %dma_wait3A_159 = arith.constant 1 : i32
    %dma_wait3A_160 = arith.constant 0 : i32
    %dma_wait3A_161 = arith.constant 0 : i32
    %dma_wait3A_162 = tpu.memref_slice %arg14[%dma_wait3A_159, %dma_wait3A_161] : memref<2x128xf32, #tpu.memory_space<vmem>> -> memref<1x128xf32, #tpu.memory_space<vmem>>
    %dma_wait3A_163 = tpu.memref_squeeze %dma_wait3A_162 : memref<1x128xf32, #tpu.memory_space<vmem>> -> memref<128xf32, #tpu.memory_space<vmem>>
    %dma_wait3A_164 = arith.constant 0 : i32
    %dma_wait3A_165 = tpu.memref_slice %arg9[%dma_wait3A_160, %dma_wait3A_164] : memref<2500x128xf32, #tpu.memory_space<hbm>> -> memref<1x128xf32, #tpu.memory_space<hbm>>
    %dma_wait3A_166 = tpu.memref_squeeze %dma_wait3A_165 : memref<1x128xf32, #tpu.memory_space<hbm>> -> memref<128xf32, #tpu.memory_space<hbm>>
    %dma_wait3A_167 = arith.constant 0 : i32
    %dma_wait3A_168 = tpu.memref_slice %arg9[%dma_wait3A_160, %dma_wait3A_167] : memref<2500x128xf32, #tpu.memory_space<hbm>> -> memref<1x128xf32, #tpu.memory_space<hbm>>
    %dma_wait3A_169 = tpu.memref_squeeze %dma_wait3A_168 : memref<1x128xf32, #tpu.memory_space<hbm>> -> memref<128xf32, #tpu.memory_space<hbm>>
    %dma_wait3A_170 = arith.constant 0 : i32
    %dma_wait3A_171 = tpu.memref_slice %arg14[%dma_wait3A_159, %dma_wait3A_170] : memref<2x128xf32, #tpu.memory_space<vmem>> -> memref<1x128xf32, #tpu.memory_space<vmem>>
    %dma_wait3A_172 = tpu.memref_squeeze %dma_wait3A_171 : memref<1x128xf32, #tpu.memory_space<vmem>> -> memref<128xf32, #tpu.memory_space<vmem>>
    tpu.wait_dma2 semaphore(%arg18 : memref<!tpu.dma_semaphore, #tpu.memory_space<semaphore_mem>>) src(%dma_wait3A_172 : memref<128xf32, #tpu.memory_space<vmem>>) dst(%dma_wait3A_169 : memref<128xf32, #tpu.memory_space<hbm>>)
    return
  }
}

module attributes {stable_mosaic.version = 14 : i64} {
  func.func @_gated_body(%arg0: i32, %arg1: memref<4000x64xf32, #tpu.memory_space<vmem>>, %arg2: memref<4000x64xf32, #tpu.memory_space<vmem>>, %arg3: memref<4000x48xf32, #tpu.memory_space<vmem>>, %arg4: memref<4000x16xf32, #tpu.memory_space<vmem>>, %arg5: memref<4000x1xf32, #tpu.memory_space<vmem>>, %arg6: memref<64x128xf32, #tpu.memory_space<vmem>>, %arg7: memref<64x128xf32, #tpu.memory_space<vmem>>, %arg8: memref<48x128xf32, #tpu.memory_space<vmem>>, %arg9: memref<16x128xf32, #tpu.memory_space<vmem>>, %arg10: memref<128xf32, #tpu.memory_space<vmem>>, %arg11: memref<4000x64xf32, #tpu.memory_space<vmem>>) attributes {dimension_semantics = [#tpu.dimension_semantics<arbitrary>], iteration_bounds = array<i64: 80>, scalar_prefetch = 0 : i64, scratch_operands = 0 : i64, tpu.core_type = #tpu.core_type<tc>, window_params = [{transform_indices = @transform_0, window_bounds = array<i64: 4000, 64>}, {transform_indices = @transform_1, window_bounds = array<i64: 4000, 64>}, {transform_indices = @transform_2, window_bounds = array<i64: 4000, 48>}, {transform_indices = @transform_3, window_bounds = array<i64: 4000, 16>}, {transform_indices = @transform_4, window_bounds = array<i64: 4000, 1>}, {pipeline_mode = #tpu.pipeline_mode<synchronous>, transform_indices = @transform_5, window_bounds = array<i64: 64, 128>}, {pipeline_mode = #tpu.pipeline_mode<synchronous>, transform_indices = @transform_6, window_bounds = array<i64: 64, 128>}, {pipeline_mode = #tpu.pipeline_mode<synchronous>, transform_indices = @transform_7, window_bounds = array<i64: 48, 128>}, {pipeline_mode = #tpu.pipeline_mode<synchronous>, transform_indices = @transform_8, window_bounds = array<i64: 16, 128>}, {pipeline_mode = #tpu.pipeline_mode<synchronous>, transform_indices = @transform_9, window_bounds = array<i64: 128>}, {transform_indices = @transform_10, window_bounds = array<i64: 4000, 64>}]} {
    %get3A = arith.constant 0 : index
    %get3A_0 = arith.constant 0 : index
    %get3A_1 = vector.load %arg1[%get3A, %get3A_0] : memref<4000x64xf32, #tpu.memory_space<vmem>>, vector<4000x64xf32>
    %get3A_2 = arith.constant 0 : index
    %get3A_3 = arith.constant 0 : index
    %get3A_4 = vector.load %arg6[%get3A_2, %get3A_3] : memref<64x128xf32, #tpu.memory_space<vmem>>, vector<64x128xf32>
    %dot_general3A = arith.constant dense<0.000000e+00> : vector<4000x128xf32>
    %dot_general3A_5 = tpu.matmul %get3A_1, %get3A_4, %dot_general3A {dimension_numbers = #tpu.dot_dimension_numbers<[1], [0], [0], [1], [0, 0, 1, 1], [], []>, transpose_lhs_hint = false} : vector<4000x64xf32>, vector<64x128xf32>, vector<4000x128xf32> -> vector<4000x128xf32>
    %get3A_6 = arith.constant 0 : index
    %get3A_7 = arith.constant 0 : index
    %get3A_8 = vector.load %arg2[%get3A_6, %get3A_7] : memref<4000x64xf32, #tpu.memory_space<vmem>>, vector<4000x64xf32>
    %get3A_9 = arith.constant 0 : index
    %get3A_10 = arith.constant 0 : index
    %get3A_11 = vector.load %arg7[%get3A_9, %get3A_10] : memref<64x128xf32, #tpu.memory_space<vmem>>, vector<64x128xf32>
    %dot_general3A_12 = arith.constant dense<0.000000e+00> : vector<4000x128xf32>
    %dot_general3A_13 = tpu.matmul %get3A_8, %get3A_11, %dot_general3A_12 {dimension_numbers = #tpu.dot_dimension_numbers<[1], [0], [0], [1], [0, 0, 1, 1], [], []>, transpose_lhs_hint = false} : vector<4000x64xf32>, vector<64x128xf32>, vector<4000x128xf32> -> vector<4000x128xf32>
    %add3A = arith.addf %dot_general3A_5, %dot_general3A_13 : vector<4000x128xf32>
    %get3A_14 = arith.constant 0 : index
    %get3A_15 = arith.constant 0 : index
    %get3A_16 = vector.load %arg3[%get3A_14, %get3A_15] : memref<4000x48xf32, #tpu.memory_space<vmem>>, vector<4000x48xf32>
    %get3A_17 = arith.constant 0 : index
    %get3A_18 = arith.constant 0 : index
    %get3A_19 = vector.load %arg8[%get3A_17, %get3A_18] : memref<48x128xf32, #tpu.memory_space<vmem>>, vector<48x128xf32>
    %dot_general3A_20 = arith.constant dense<0.000000e+00> : vector<4000x128xf32>
    %dot_general3A_21 = tpu.matmul %get3A_16, %get3A_19, %dot_general3A_20 {dimension_numbers = #tpu.dot_dimension_numbers<[1], [0], [0], [1], [0, 0, 1, 1], [], []>, transpose_lhs_hint = false} : vector<4000x48xf32>, vector<48x128xf32>, vector<4000x128xf32> -> vector<4000x128xf32>
    %add3A_22 = arith.addf %add3A, %dot_general3A_21 : vector<4000x128xf32>
    %get3A_23 = arith.constant 0 : index
    %get3A_24 = arith.constant 0 : index
    %get3A_25 = vector.load %arg4[%get3A_23, %get3A_24] : memref<4000x16xf32, #tpu.memory_space<vmem>>, vector<4000x16xf32>
    %get3A_26 = arith.constant 0 : index
    %get3A_27 = arith.constant 0 : index
    %get3A_28 = vector.load %arg9[%get3A_26, %get3A_27] : memref<16x128xf32, #tpu.memory_space<vmem>>, vector<16x128xf32>
    %dot_general3A_29 = arith.constant dense<0.000000e+00> : vector<4000x128xf32>
    %dot_general3A_30 = tpu.matmul %get3A_25, %get3A_28, %dot_general3A_29 {dimension_numbers = #tpu.dot_dimension_numbers<[1], [0], [0], [1], [0, 0, 1, 1], [], []>, transpose_lhs_hint = false} : vector<4000x16xf32>, vector<16x128xf32>, vector<4000x128xf32> -> vector<4000x128xf32>
    %add3A_31 = arith.addf %add3A_22, %dot_general3A_30 : vector<4000x128xf32>
    %get3A_32 = arith.constant 0 : index
    %get3A_33 = vector.load %arg10[%get3A_32] : memref<128xf32, #tpu.memory_space<vmem>>, vector<128xf32>
    %broadcast_in_dim3A = vector.shape_cast %get3A_33 : vector<128xf32> to vector<1x128xf32>
    %add3A_34 = vector.broadcast %broadcast_in_dim3A : vector<1x128xf32> to vector<4000x128xf32>
    %add3A_35 = arith.addf %add3A_31, %add3A_34 : vector<4000x128xf32>
    %slice3A = vector.extract_strided_slice %add3A_35 {offsets = [0, 0], sizes = [4000, 64], strides = [1, 1]} : vector<4000x128xf32> to vector<4000x64xf32>
    %slice3A_36 = vector.extract_strided_slice %add3A_35 {offsets = [0, 64], sizes = [4000, 64], strides = [1, 1]} : vector<4000x128xf32> to vector<4000x64xf32>
    %max3A = arith.constant 0.000000e+00 : f32
    %max3A_37 = vector.broadcast %max3A : f32 to vector<4000x64xf32>
    %max3A_38 = arith.maximumf %slice3A_36, %max3A_37 : vector<4000x64xf32>
    %abs3A = math.absf %slice3A_36 : vector<4000x64xf32>
    %neg3A = arith.constant 0.000000e+00 : f32
    %neg3A_39 = vector.broadcast %neg3A : f32 to vector<4000x64xf32>
    %neg3A_40 = arith.subf %neg3A_39, %abs3A : vector<4000x64xf32>
    %exp3A = math.exp %neg3A_40 : vector<4000x64xf32>
    %log1p3A = math.log1p %exp3A : vector<4000x64xf32>
    %add3A_41 = arith.addf %max3A_38, %log1p3A : vector<4000x64xf32>
    %logistic3A = arith.negf %slice3A : vector<4000x64xf32>
    %logistic3A_42 = math.exp %logistic3A : vector<4000x64xf32>
    %logistic3A_43 = arith.constant 1.000000e+00 : f32
    %logistic3A_44 = vector.broadcast %logistic3A_43 : f32 to vector<4000x64xf32>
    %logistic3A_45 = arith.addf %logistic3A_44, %logistic3A_42 : vector<4000x64xf32>
    %logistic3A_46 = arith.divf %logistic3A_44, %logistic3A_45 : vector<4000x64xf32>
    %mul3A = arith.mulf %logistic3A_46, %add3A_41 : vector<4000x64xf32>
    %get3A_47 = arith.constant 0 : index
    %get3A_48 = arith.constant 0 : index
    %get3A_49 = vector.load %arg5[%get3A_47, %get3A_48] : memref<4000x1xf32, #tpu.memory_space<vmem>>, vector<4000x1xf32>
    %mul3A_50 = arith.mulf %get3A_49, %get3A_49 : vector<4000x1xf32>
    %mul3A_51 = arith.constant -0.055555556 : f32
    %mul3A_52 = vector.broadcast %mul3A_51 : f32 to vector<4000x1xf32>
    %mul3A_53 = arith.mulf %mul3A_50, %mul3A_52 : vector<4000x1xf32>
    %exp3A_54 = math.exp %mul3A_53 : vector<4000x1xf32>
    %mul3A_55 = vector.broadcast %exp3A_54 : vector<4000x1xf32> to vector<4000x64xf32>
    %mul3A_56 = arith.mulf %mul3A, %mul3A_55 : vector<4000x64xf32>
    %swap3A = arith.constant 0 : index
    %swap3A_57 = arith.constant 0 : index
    %swap3A_58 = vector.load %arg11[%swap3A, %swap3A_57] : memref<4000x64xf32, #tpu.memory_space<vmem>>, vector<4000x64xf32>
    tpu.vector_store %arg11[%swap3A, %swap3A_57], %mul3A_56 {strides = array<i32>} : memref<4000x64xf32, #tpu.memory_space<vmem>>, vector<4000x64xf32>,
    return
  }
  func.func @transform_0(%arg0: i32) -> (i32, i32) {
    %c0_i32 = arith.constant 0 : i32
    %c0_i32_0 = arith.constant 0 : i32
    return %arg0, %c0_i32 : i32, i32
  }
  func.func @transform_1(%arg0: i32) -> (i32, i32) {
    %c0_i32 = arith.constant 0 : i32
    %c0_i32_0 = arith.constant 0 : i32
    return %arg0, %c0_i32 : i32, i32
  }
  func.func @transform_2(%arg0: i32) -> (i32, i32) {
    %c0_i32 = arith.constant 0 : i32
    %c0_i32_0 = arith.constant 0 : i32
    return %arg0, %c0_i32 : i32, i32
  }
  func.func @transform_3(%arg0: i32) -> (i32, i32) {
    %c0_i32 = arith.constant 0 : i32
    %c0_i32_0 = arith.constant 0 : i32
    return %arg0, %c0_i32 : i32, i32
  }
  func.func @transform_4(%arg0: i32) -> (i32, i32) {
    %c0_i32 = arith.constant 0 : i32
    %c0_i32_0 = arith.constant 0 : i32
    return %arg0, %c0_i32 : i32, i32
  }
  func.func @transform_5(%arg0: i32) -> (i32, i32) {
    %c0_i32 = arith.constant 0 : i32
    %c0_i32_0 = arith.constant 0 : i32
    %c0_i32_1 = arith.constant 0 : i32
    return %c0_i32, %c0_i32_0 : i32, i32
  }
  func.func @transform_6(%arg0: i32) -> (i32, i32) {
    %c0_i32 = arith.constant 0 : i32
    %c0_i32_0 = arith.constant 0 : i32
    %c0_i32_1 = arith.constant 0 : i32
    return %c0_i32, %c0_i32_0 : i32, i32
  }
  func.func @transform_7(%arg0: i32) -> (i32, i32) {
    %c0_i32 = arith.constant 0 : i32
    %c0_i32_0 = arith.constant 0 : i32
    %c0_i32_1 = arith.constant 0 : i32
    return %c0_i32, %c0_i32_0 : i32, i32
  }
  func.func @transform_8(%arg0: i32) -> (i32, i32) {
    %c0_i32 = arith.constant 0 : i32
    %c0_i32_0 = arith.constant 0 : i32
    %c0_i32_1 = arith.constant 0 : i32
    return %c0_i32, %c0_i32_0 : i32, i32
  }
  func.func @transform_9(%arg0: i32) -> i32 {
    %c0_i32 = arith.constant 0 : i32
    %c0_i32_0 = arith.constant 0 : i32
    return %c0_i32 : i32
  }
  func.func @transform_10(%arg0: i32) -> (i32, i32) {
    %c0_i32 = arith.constant 0 : i32
    %c0_i32_0 = arith.constant 0 : i32
    return %arg0, %c0_i32 : i32, i32
  }
}

module attributes {stable_mosaic.version = 14 : i64} {
  func.func @_final_body(%arg0: i32, %arg1: memref<4000x2x64xf32, #tpu.memory_space<vmem>>, %arg2: memref<4000x48xf32, #tpu.memory_space<vmem>>, %arg3: memref<64x128xf32, #tpu.memory_space<vmem>>, %arg4: memref<64x128xf32, #tpu.memory_space<vmem>>, %arg5: memref<48x128xf32, #tpu.memory_space<vmem>>, %arg6: memref<128xf32, #tpu.memory_space<vmem>>, %arg7: memref<128x48xf32, #tpu.memory_space<vmem>>, %arg8: memref<48xf32, #tpu.memory_space<vmem>>, %arg9: memref<4000x48xf32, #tpu.memory_space<vmem>>) attributes {dimension_semantics = [#tpu.dimension_semantics<arbitrary>], iteration_bounds = array<i64: 40>, scalar_prefetch = 0 : i64, scratch_operands = 0 : i64, tpu.core_type = #tpu.core_type<tc>, window_params = [{transform_indices = @transform_0, window_bounds = array<i64: 4000, 2, 64>}, {transform_indices = @transform_1, window_bounds = array<i64: 4000, 48>}, {pipeline_mode = #tpu.pipeline_mode<synchronous>, transform_indices = @transform_2, window_bounds = array<i64: 64, 128>}, {pipeline_mode = #tpu.pipeline_mode<synchronous>, transform_indices = @transform_3, window_bounds = array<i64: 64, 128>}, {pipeline_mode = #tpu.pipeline_mode<synchronous>, transform_indices = @transform_4, window_bounds = array<i64: 48, 128>}, {pipeline_mode = #tpu.pipeline_mode<synchronous>, transform_indices = @transform_5, window_bounds = array<i64: 128>}, {pipeline_mode = #tpu.pipeline_mode<synchronous>, transform_indices = @transform_6, window_bounds = array<i64: 128, 48>}, {pipeline_mode = #tpu.pipeline_mode<synchronous>, transform_indices = @transform_7, window_bounds = array<i64: 48>}, {transform_indices = @transform_8, window_bounds = array<i64: 4000, 48>}]} {
    %get3A = arith.constant 0 : index
    %get3A_0 = arith.constant 0 : index
    %get3A_1 = arith.constant 0 : index
    %get3A_2 = vector.load %arg1[%get3A, %get3A_0, %get3A_1] : memref<4000x2x64xf32, #tpu.memory_space<vmem>>, vector<4000x2x64xf32>
    %slice3A = vector.extract_strided_slice %get3A_2 {offsets = [0, 0, 0], sizes = [4000, 1, 64], strides = [1, 1, 1]} : vector<4000x2x64xf32> to vector<4000x1x64xf32>
    %squeeze3A = vector.shape_cast %slice3A : vector<4000x1x64xf32> to vector<4000x64xf32>
    %get3A_3 = arith.constant 0 : index
    %get3A_4 = arith.constant 0 : index
    %get3A_5 = vector.load %arg3[%get3A_3, %get3A_4] : memref<64x128xf32, #tpu.memory_space<vmem>>, vector<64x128xf32>
    %dot_general3A = arith.constant dense<0.000000e+00> : vector<4000x128xf32>
    %dot_general3A_6 = tpu.matmul %squeeze3A, %get3A_5, %dot_general3A {dimension_numbers = #tpu.dot_dimension_numbers<[1], [0], [0], [1], [0, 0, 1, 1], [], []>, transpose_lhs_hint = false} : vector<4000x64xf32>, vector<64x128xf32>, vector<4000x128xf32> -> vector<4000x128xf32>
    %slice3A_7 = vector.extract_strided_slice %get3A_2 {offsets = [0, 1, 0], sizes = [4000, 1, 64], strides = [1, 1, 1]} : vector<4000x2x64xf32> to vector<4000x1x64xf32>
    %squeeze3A_8 = vector.shape_cast %slice3A_7 : vector<4000x1x64xf32> to vector<4000x64xf32>
    %get3A_9 = arith.constant 0 : index
    %get3A_10 = arith.constant 0 : index
    %get3A_11 = vector.load %arg4[%get3A_9, %get3A_10] : memref<64x128xf32, #tpu.memory_space<vmem>>, vector<64x128xf32>
    %dot_general3A_12 = arith.constant dense<0.000000e+00> : vector<4000x128xf32>
    %dot_general3A_13 = tpu.matmul %squeeze3A_8, %get3A_11, %dot_general3A_12 {dimension_numbers = #tpu.dot_dimension_numbers<[1], [0], [0], [1], [0, 0, 1, 1], [], []>, transpose_lhs_hint = false} : vector<4000x64xf32>, vector<64x128xf32>, vector<4000x128xf32> -> vector<4000x128xf32>
    %add3A = arith.addf %dot_general3A_6, %dot_general3A_13 : vector<4000x128xf32>
    %get3A_14 = arith.constant 0 : index
    %get3A_15 = arith.constant 0 : index
    %get3A_16 = vector.load %arg2[%get3A_14, %get3A_15] : memref<4000x48xf32, #tpu.memory_space<vmem>>, vector<4000x48xf32>
    %get3A_17 = arith.constant 0 : index
    %get3A_18 = arith.constant 0 : index
    %get3A_19 = vector.load %arg5[%get3A_17, %get3A_18] : memref<48x128xf32, #tpu.memory_space<vmem>>, vector<48x128xf32>
    %dot_general3A_20 = arith.constant dense<0.000000e+00> : vector<4000x128xf32>
    %dot_general3A_21 = tpu.matmul %get3A_16, %get3A_19, %dot_general3A_20 {dimension_numbers = #tpu.dot_dimension_numbers<[1], [0], [0], [1], [0, 0, 1, 1], [], []>, transpose_lhs_hint = false} : vector<4000x48xf32>, vector<48x128xf32>, vector<4000x128xf32> -> vector<4000x128xf32>
    %add3A_22 = arith.addf %add3A, %dot_general3A_21 : vector<4000x128xf32>
    %get3A_23 = arith.constant 0 : index
    %get3A_24 = vector.load %arg6[%get3A_23] : memref<128xf32, #tpu.memory_space<vmem>>, vector<128xf32>
    %broadcast_in_dim3A = vector.shape_cast %get3A_24 : vector<128xf32> to vector<1x128xf32>
    %add3A_25 = vector.broadcast %broadcast_in_dim3A : vector<1x128xf32> to vector<4000x128xf32>
    %add3A_26 = arith.addf %add3A_22, %add3A_25 : vector<4000x128xf32>
    %logistic3A = arith.negf %add3A_26 : vector<4000x128xf32>
    %logistic3A_27 = math.exp %logistic3A : vector<4000x128xf32>
    %logistic3A_28 = arith.constant 1.000000e+00 : f32
    %logistic3A_29 = vector.broadcast %logistic3A_28 : f32 to vector<4000x128xf32>
    %logistic3A_30 = arith.addf %logistic3A_29, %logistic3A_27 : vector<4000x128xf32>
    %logistic3A_31 = arith.divf %logistic3A_29, %logistic3A_30 : vector<4000x128xf32>
    %mul3A = arith.mulf %add3A_26, %logistic3A_31 : vector<4000x128xf32>
    %get3A_32 = arith.constant 0 : index
    %get3A_33 = arith.constant 0 : index
    %get3A_34 = vector.load %arg7[%get3A_32, %get3A_33] : memref<128x48xf32, #tpu.memory_space<vmem>>, vector<128x48xf32>
    %dot_general3A_35 = arith.constant dense<0.000000e+00> : vector<4000x48xf32>
    %dot_general3A_36 = tpu.matmul %mul3A, %get3A_34, %dot_general3A_35 {dimension_numbers = #tpu.dot_dimension_numbers<[1], [0], [0], [1], [0, 0, 1, 1], [], []>, transpose_lhs_hint = false} : vector<4000x128xf32>, vector<128x48xf32>, vector<4000x48xf32> -> vector<4000x48xf32>
    %get3A_37 = arith.constant 0 : index
    %get3A_38 = vector.load %arg8[%get3A_37] : memref<48xf32, #tpu.memory_space<vmem>>, vector<48xf32>
    %broadcast_in_dim3A_39 = vector.shape_cast %get3A_38 : vector<48xf32> to vector<1x48xf32>
    %add3A_40 = vector.broadcast %broadcast_in_dim3A_39 : vector<1x48xf32> to vector<4000x48xf32>
    %add3A_41 = arith.addf %dot_general3A_36, %add3A_40 : vector<4000x48xf32>
    %swap3A = arith.constant 0 : index
    %swap3A_42 = arith.constant 0 : index
    %swap3A_43 = vector.load %arg9[%swap3A, %swap3A_42] : memref<4000x48xf32, #tpu.memory_space<vmem>>, vector<4000x48xf32>
    tpu.vector_store %arg9[%swap3A, %swap3A_42], %add3A_41 {strides = array<i32>} : memref<4000x48xf32, #tpu.memory_space<vmem>>, vector<4000x48xf32>,
    return
  }
  func.func @transform_0(%arg0: i32) -> (i32, i32, i32) {
    %c0_i32 = arith.constant 0 : i32
    %c0_i32_0 = arith.constant 0 : i32
    %c0_i32_1 = arith.constant 0 : i32
    return %arg0, %c0_i32, %c0_i32_0 : i32, i32, i32
  }
  func.func @transform_1(%arg0: i32) -> (i32, i32) {
    %c0_i32 = arith.constant 0 : i32
    %c0_i32_0 = arith.constant 0 : i32
    return %arg0, %c0_i32 : i32, i32
  }
  func.func @transform_2(%arg0: i32) -> (i32, i32) {
    %c0_i32 = arith.constant 0 : i32
    %c0_i32_0 = arith.constant 0 : i32
    %c0_i32_1 = arith.constant 0 : i32
    return %c0_i32, %c0_i32_0 : i32, i32
  }
  func.func @transform_3(%arg0: i32) -> (i32, i32) {
    %c0_i32 = arith.constant 0 : i32
    %c0_i32_0 = arith.constant 0 : i32
    %c0_i32_1 = arith.constant 0 : i32
    return %c0_i32, %c0_i32_0 : i32, i32
  }
  func.func @transform_4(%arg0: i32) -> (i32, i32) {
    %c0_i32 = arith.constant 0 : i32
    %c0_i32_0 = arith.constant 0 : i32
    %c0_i32_1 = arith.constant 0 : i32
    return %c0_i32, %c0_i32_0 : i32, i32
  }
  func.func @transform_5(%arg0: i32) -> i32 {
    %c0_i32 = arith.constant 0 : i32
    %c0_i32_0 = arith.constant 0 : i32
    return %c0_i32 : i32
  }
  func.func @transform_6(%arg0: i32) -> (i32, i32) {
    %c0_i32 = arith.constant 0 : i32
    %c0_i32_0 = arith.constant 0 : i32
    %c0_i32_1 = arith.constant 0 : i32
    return %c0_i32, %c0_i32_0 : i32, i32
  }
  func.func @transform_7(%arg0: i32) -> i32 {
    %c0_i32 = arith.constant 0 : i32
    %c0_i32_0 = arith.constant 0 : i32
    return %c0_i32 : i32
  }
  func.func @transform_8(%arg0: i32) -> (i32, i32) {
    %c0_i32 = arith.constant 0 : i32
    %c0_i32_0 = arith.constant 0 : i32
    return %arg0, %c0_i32 : i32, i32
  }
}

</mosaic_0001>

<sc_bundles>
// kernel: kernel.6.cloned.1.call-start
scs
__scs_entry_jumppad:
0x0: {  	(pc) =	sbr.rel $0x88, $3  }
0x1: {  	(tag) =	ssettag $0x0;
	lr =	simm.s32 $0x1  }
0x2: {  	[smem:$0x3F92] =	sst lr;
	_ =	strace $0xD0000000  }
0x3: {  	_ = 	snop  }
0x4: {  	_ = 	snop  }
0x5: {  	_ = 	snop  }
0x6: {  	_ = 	snop  }
0x7: {  	_ = 	snop  }
__scs_overlays_trampoline_lowered:
0x8: {  	[smem:$0x3FA1] =	sst s0  }
0x9: {  	[smem:$0x3FA2] =	sst s1  }
0xa: {  	[smem:$0x3FA3] =	sst s2  }
0xb: {  	[smem:$0x3FA4] =	sst s3  }
0xc: {  	[smem:$0x3FA5] =	sst s4  }
0xd: {  	[smem:$0x3FA6] =	sst s5  }
0xe: {  	[smem:$0x3FA7] =	sst s6  }
0xf: {  	[smem:$0x3FA8] =	sst s7  }
0x10: {  	[smem:$0x3FA9] =	sst s8  }
0x11: {  	[smem:$0x3FAA] =	sst s9;
	s0 =	simm.s32 @!p0 $0x0  }
0x12: {  	s1 =	sld [smem:$0x3F90];
	s0 =	simm.s32 @p0 $0x1  }
0x13: {  	[smem:$0x3FAB] =	sst s0;
	s0 =	simm.s32 @!p1 $0x0  }
0x14: {  	s2 =	sld [smem:$0x3F8F];
	s0 =	simm.s32 @p1 $0x1  }
0x15: {  	[smem:$0x3FAC] =	sst s0;
	s0 =	simm.s32 @!p2 $0x0  }
0x16: {  	s3 =	sld [smem:$0x3FDB];
	s0 =	simm.s32 @p2 $0x1  }
0x17: {  	s4 =	simm.s32 $0x1BF5;
	[smem:$0x3FAE] =	sst s0  }
0x18: {  	s0 =	sld [smem:$0x3F91];
	_ =	swait.ge [sflag:s4], $0x0  }
0x19: {  	s7 =	sld [smem:$0x3F92]  }
0x1a: {  	s8 =	sadd.s32 $0xFFFFE003, lr  }
0x1b: {  	s9 =	sadd.s32 $0xFFFFFEF7, lr;
	s5 =	simm.s32 $0xFFFFFFFF;
	p2 =	slt.u32 s8, $0xFFFFF086  }
0x1c: {  	p1 =	slt.u32 s9, $0xF7A;
	s5 =	simm.s32 @!p2 $0x0  }
0x1d: {  	s5 =	simm.s32 @p1 $0x1;
	p0 =	seq.s32 s7, s2  }
0x1e: {  	s7 =	smul.u32 @!p0 $0xF7A, s2;
	p2 =	seq.s32 @!p0 s5, $0x0  }
0x1f: {  	s9 =	smul.u32 $0xF7A, s1;
	s8 =	simm.s32 @!p0 $0x1BF5;
	p2 =	por !p2, p0  }
0x20: {  	[sflag:s8] =	ssyncset.s32 @!p0 $0xFFFFF086;
	s6 =	sadd.s32 @!p0 s3, s7;
	s7 =	simm.s32 @!p0 $0x108  }
0x21: {  	s3 =	sadd.s32 s3, s9;
	s6 =	sadd.s32 @!p0 $0x88, s6;
	s7 =	simm.s32 @p2 $0x1082  }
0x22: {  	[simem:s7], [sflag:s8] =	dma.local @!p0 [hbm:s6], $0xF7A  }
0x23: {  	s9 =	sor.u32 $0xD0000000, s2;
	s6 =	simm.s32 $0x108;
	_ =	swait.ge @!p0 [sflag:s8], $0x0  }
0x24: {  	s3 =	sadd.s32 $0x88, s3;
	s6 =	simm.s32 @!p1 $0x1082;
	[sflag:s4] =	ssyncset.s32 $0xFFFFF086  }
0x25: {  	[simem:s6], [sflag:s4] =	dma.local [hbm:s3], $0xF7A  }
0x26: {  	[smem:$0x3F92] =	sst s1;
	(tag) =	ssettag s2;
	_ =	strace s9  }
0x27: {  	s1 =	sld [smem:$0x3FA2]  }
0x28: {  	s2 =	sld [smem:$0x3FA3]  }
0x29: {  	s4 =	sld [smem:$0x3FA5]  }
0x2a: {  	p0 =	seq.s32 s5, $0x0;
	s5 =	sld [smem:$0x3FA6]  }
0x2b: {  	s6 =	sld [smem:$0x3FA7]  }
0x2c: {  	s7 =	sld [smem:$0x3FA8]  }
0x2d: {  	s3 =	simm.s32 $0x108;
	s8 =	sld [smem:$0x3FA9]  }
0x2e: {  	s3 =	simm.s32 @!p0 $0x1082;
	s9 =	sld [smem:$0x3FAA]  }
0x2f: {  	lr =	sadd.s32 s0, s3;
	s0 =	sld [smem:$0x3FA1]  }
0x30: {  	s3 =	sld [smem:$0x3FA4]  }
0x31: {  	[smem:$0x3FAD] =	sst s10  }
0x32: {  	s10 =	sld [smem:$0x3FAB];
	_ =	sdelay $0x3  }
0x33: {  	p0 =	seq.s32 s10, $0x1;
	s10 =	sld [smem:$0x3FAD];
	_ =	sdelay $0x3  }
0x34: {  	[smem:$0x3FAD] =	sst s10  }
0x35: {  	s10 =	sld [smem:$0x3FAC];
	_ =	sdelay $0x3  }
0x36: {  	p1 =	seq.s32 s10, $0x1;
	s10 =	sld [smem:$0x3FAD];
	_ =	sdelay $0x3  }
0x37: {  	[smem:$0x3FAD] =	sst s10  }
0x38: {  	s10 =	sld [smem:$0x3FAE]  }
0x39: {  	_ = 	snop;
	(pc) =	sbr.ind lr, $3  }
0x3a: {  	_ = 	snop  }
0x3b: {  	_ = 	snop  }
0x3c: {  	p2 =	seq.s32 s10, $0x1;
	s10 =	sld [smem:$0x3FAD]  }
0x3d: {  	_ =	shalt  }
0x3e: {  	_ =	shalt  }
0x3f: {  	_ =	shalt  }
0x40: {  	_ =	shalt  }
0x41: {  	_ =	shalt  }
0x42: {  	_ =	shalt  }
0x43: {  	_ =	shalt  }
0x44: {  	_ =	shalt  }
0x45: {  	_ =	shalt  }
0x46: {  	_ =	shalt  }
0x47: {  	_ =	shalt  }
0x48: {  	_ =	shalt  }
0x49: {  	_ =	shalt  }
0x4a: {  	_ =	shalt  }
0x4b: {  	_ =	shalt  }
0x4c: {  	_ =	shalt  }
0x4d: {  	_ =	shalt  }
0x4e: {  	_ =	shalt  }
0x4f: {  	_ =	shalt  }
0x50: {  	_ =	shalt  }
0x51: {  	_ =	shalt  }
0x52: {  	_ =	shalt  }
0x53: {  	_ =	shalt  }
0x54: {  	_ =	shalt  }
0x55: {  	_ =	shalt  }
0x56: {  	_ =	shalt  }
0x57: {  	_ =	shalt  }
0x58: {  	_ =	shalt  }
0x59: {  	_ =	shalt  }
0x5a: {  	_ =	shalt  }
0x5b: {  	_ =	shalt  }
0x5c: {  	_ =	shalt  }
0x5d: {  	_ =	shalt  }
0x5e: {  	_ =	shalt  }
0x5f: {  	_ =	shalt  }
0x60: {  	_ =	shalt  }
0x61: {  	_ =	shalt  }
0x62: {  	_ =	shalt  }
0x63: {  	_ =	shalt  }
0x64: {  	_ =	shalt  }
0x65: {  	_ =	shalt  }
0x66: {  	_ =	shalt  }
0x67: {  	_ =	shalt  }
0x68: {  	_ =	shalt  }
0x69: {  	_ =	shalt  }
0x6a: {  	_ =	shalt  }
0x6b: {  	_ =	shalt  }
0x6c: {  	_ =	shalt  }
0x6d: {  	_ =	shalt  }
0x6e: {  	_ =	shalt  }
0x6f: {  	_ =	shalt  }
0x70: {  	_ =	shalt  }
0x71: {  	_ =	shalt  }
0x72: {  	_ =	shalt  }
0x73: {  	_ =	shalt  }
0x74: {  	_ =	shalt  }
0x75: {  	_ =	shalt  }
0x76: {  	_ =	shalt  }
0x77: {  	_ =	shalt  }
0x78: {  	_ =	shalt  }
0x79: {  	_ =	shalt  }
0x7a: {  	_ =	shalt  }
0x7b: {  	_ =	shalt  }
0x7c: {  	_ =	shalt  }
0x7d: {  	_ =	shalt  }
0x7e: {  	_ =	shalt  }
0x7f: {  	_ =	shalt  }
0x80: {  	_ =	shalt  }
0x81: {  	_ =	shalt  }
0x82: {  	_ =	shalt  }
0x83: {  	_ =	shalt  }
0x84: {  	_ =	shalt  }
0x85: {  	_ =	shalt  }
0x86: {  	_ =	shalt  }
0x87: {  	_ =	shalt  }
.Lfunc_end0:
.L_simem_size_0:
called_computation_lowered:
.L_overlay_start_0:
0x88: {  	s2 =	sld [smem:$0x3FD9]  }
0x89: {  	s3 =	sld [smem:$0x3FFE];
	_ =	sdelay $0x1  }
0x8a: {  	s1 =	srdreg.scid  }
0x8b: {  	s0 =	sand.u32 $0x1, s1  }
0x8c: {  	s17 =	sshll.u32 s0, $0xA;
	s2 =	sadd.s32 s3, s2  }
0x8d: {  	s2 =	sadd.s32 s2, s17  }
0x8e: {  	[smem:$0x3FB9] =	sst s2  }
0x8f: {  	_ = 	snop  }
0x90: {  	s2 =	sld [smem:$0x3FC3]  }
0x91: {  	s18 =	sld [smem:$0x3FD0];
	(tm) =	ssettm $0x1  }
0x92: {  	s4 =	sld [smem:$0x3FFB];
	_ =	sdelay $0x3  }
0x93: {  	_ =	strace s4  }
0x94: {  	s4 =	sld [smem:$0x3FFC];
	_ =	sdelay $0x3  }
0x95: {  	_ =	strace s4  }
0x96: {  	s4 =	sld [smem:$0x3FFD];
	_ =	sdelay $0x3  }
0x97: {  	_ =	strace s4  }
0x98: {  	_ =	strace $0x8FFFFFFF  }
0x99: {  	s19 =	sld [smem:$0x3FDB];
	_ =	sdelay $0x1  }
0x9a: {  	s5 =	simm.s32 $_scs_section_size  }
0x9b: {  	s6 =	simm.s32 $_size__tile_overlayer_lowered;
	s7 =	simm.s32 $_tile_overlayer_lowered  }
0x9c: {  	s22 =	simm.s32 $0x1BFF;
	s21 =	sshll.u32 s7, $0x1;
	s4 =	sadd.s32 s5, s19  }
0x9d: {  	s8 =	simm.s32 $0x0;
	s20 =	sshll.u32 s6, $0x1;
	s6 =	sadd.s32 s21, s4  }
0x9e: {  	[timem:s8], [sflag:s22] =	dma.local [hbm:s6], s20  }
0x9f: {  	_ =	swait.ge [sflag:s22], s20  }
0xa0: {  	s5 =	ssub.s32 $0x0, s20;
	[sflag:s22] =	ssyncset.done $0x0  }
0xa1: {  	[sflag:s22] =	ssyncadd.s32 s5;
	_ =	sdelay $0x1  }
0xa2: {  	s23 =	simm.s32 $0x1B8B  }
0xa3: {  	_ =	swait.ge [sflag:s23], $0x1  }
0xa4: {  	[sflag:s23] =	ssyncset.done $0x0  }
0xa5: {  	s25 =	simm.s32 $0x1B8E;
	s24 =	sld [smem:$0x3FFE];
	[sflag:s23] =	ssyncadd.s32 $0xFFFFFFFF  }
0xa6: {  	s26 =	simm.s32 $execute0_lowered;
	[smem:$0x3FD2] =	sst s25  }
0xa7: {  	s6 =	sshll.u32 s26, $0x1;
	_ =	strace $0x80000046;
	[dreg:$0x1] =	wrdreg $0xFFFFFFFF  }
0xa8: {  	s28 =	simm.s32 $_size_execute0_lowered;
	s4 =	sadd.s32 s4, s6;
	[dreg:$0x0] =	wrdreg $0x0  }
0xa9: {  	s6 =	sshll.u32 s28, $0x1;
	[dreg:$0x2] =	wrdreg s4  }
0xaa: {  	[dreg:$0x3] =	wrdreg s6  }
0xab: {  	[dreg:$0x4] =	wrdreg $0xC0  }
0xac: {  	_ =	task [dreg:s8], $0x5FFFF  }
0xad: {  	[dreg:$0x1] =	wrdreg $0xFFFFFFFF  }
0xae: {  	[dreg:$0x0] =	wrdreg $0x60  }
0xaf: {  	[dreg:$0x2] =	wrdreg s24  }
0xb0: {  	[dreg:$0x3] =	wrdreg s18  }
0xb1: {  	[dreg:$0x4] =	wrdreg s2  }
0xb2: {  	[dreg:$0x5] =	wrdreg $0x9  }
0xb3: {  	_ =	task.clear_ibuf [dreg:s8], $0x6FFFF;
	_ =	strace $0x90000046  }
0xb4: {  	s29 =	simm.s32 $0x9;
	_ =	strace $0x80000048  }
0xb5: {  	_ =	swait.ge [sflag:s29], $0x1  }
0xb6: {  	[sflag:s29] =	ssyncadd.s32 $0xFFFFFFFF  }
0xb7: {  	_ =	strace $0x90000048  }
0xb8: {  	_ =	sfence  }
0xb9: {  	s30 =	sld [smem:$0x0];
	_ =	sdelay $0x2  }
0xba: {  	s31 =	sshll.u32 s1, $0xD;
	s1 =	sshrl.u32 s1, $0x2  }
0xbb: {  	s3 =	sand.u32 $0x4000, s31;
	s1 =	sadd.s32 s1, s30  }
0xbc: {  	s0 =	sor.u32 s3, s0;
	s1 =	sshll.u32 s1, $0x11  }
0xbd: {  	s0 =	sor.u32 s1, s0  }
0xbe: {  	s0 =	sadd.s32 $0x8F2B, s0  }
0xbf: {  	[sflag:s0] =	ssyncadd.remote.s32 $0x1  }
0xc0: {  	_ =	sfence.sel $0xFFFF  }
0xc1: {  	[dreg:$0x0] =	wrdreg $0xFFFFFFFF;
	(pc) =	sbr.abs _section_cstart, $3  }
0xc2: {  	[dreg:$0x1] =	wrdreg $0xFFFFFFFF  }
0xc3: {  	_ =	task.clear_ibuf [dreg:s8], $0x2FFFF;
	_ =	strace $0x9FFFFFFF  }
0xc4: {  	(tm) =	ssettm $0x7FFFFFFF  }
0xc5: {  	_ =	shalt  }
tec
execute0_lowered:
.L_overlay_start_1:
0x0: {  	(tag) =	ssettag $0x1  }
0x1: {  	s0 =	rddreg [dreg:$0x0]  }
0x2: {  	s1 =	rddreg [dreg:$0x1]  }
0x3: {  	s2 =	rddreg [dreg:$0x2];
	s4 =	simm.s32 $0x0  }
0x4: {  	s14 =	stileid.u32;
	s3 =	srdreg.scid;
	s16 =	simm.s32 $0x5  }
0x5: {  	s28 =	simm.s32 $0x6300;
	s29 =	simm.s32 $0x9B00;
	s30 =	simm.s32 $0xB380  }
0x6: {  	s31 =	simm.s32 $0x4;
	[smem:$0x7FF] =	sst s4;
	s5 =	sadd.s32 $0x293600, s0  }
0x7: {  	s6 =	sadd.s32 $0x5000, s0;
	s3 =	sand.u32 $0x1, s3;
	s9 =	smul.u32 $0x600, s14  }
0x8: {  	s7 =	sshll.u32 s14, $0x1;
	s8 =	sshll.u32 s14, $0xB;
	s12 =	smul.u32 $0x300, s14  }
0x9: {  	s13 =	sshll.u32 s14, $0x5;
	s23 =	smul.u32 $0x60, s14;
	_ =	strace $0x80000047  }
0xa: {  	s10 =	sor.u32 s3, s7;
	s17 =	sadd.s32 s8, s0;
	s19 =	smul.u32 $0x180, s3  }
0xb: {  	s18 =	ssub.s32 $0x2, s3;
	s21 =	sshll.u32 s3, $0xA;
	s22 =	smul.u32 $0x300, s3  }
0xc: {  	s24 =	smul.u32 $0x30, s3;
	s3 =	sshll.u32 s3, $0x4;
	[dreg:$0x4] =	wrdreg s10  }
0xd: {  	s10 =	smul.u32 $0x30, s10;
	s9 =	sadd.s32 s9, s0;
	s11 =	sshrl.u32 s18, $0x1  }
0xe: {  	s0 =	sadd.s32 s13, s0;
	s7 =	sadd.s32 s21, s17;
	s17 =	simm.s32 $0x80  }
0xf: {  	s21 =	simm.s32 $0x8300;
	s8 =	ssub.s32 s18, s11;
	s20 =	sadd.s32 s19, s12  }
0x10: {  	s11 =	sadd.s32 $0x485A00, s7;
	s12 =	sadd.s32 $0x6F6A00, s7;
	s9 =	sadd.s32 s22, s9  }
0x11: {  	s0 =	sadd.s32 s3, s0;
	s18 =	simm.s32 $0x300;
	s10 =	sadd.s32 s6, s10  }
0x12: {  	s19 =	simm.s32 $0x4300;
	s8 =	smax.u32 s8, $0x1;
	[dreg:$0x5] =	wrdreg s10  }
0x13: {  	s22 =	simm.s32 $0xB300;
	s9 =	sadd.s32 $0x2B0E00, s9;
	[dreg:$0x6] =	wrdreg s8  }
.Ltmp0:
0x14: {  	s8 =	sadd.s32 $0x6000, s20;
	[dreg:$0x8] =	wrdreg s9;
	(pc) =	sbr.rel .LBB2_1-.Ltmp0, $4  }
0x15: {  	s0 =	sadd.s32 $0x2A7000, s0;
	[dreg:$0x7] =	wrdreg s8;
	s8 =	sadd.s32 s23, s6  }
0x16: {  	[dreg:$0x9] =	wrdreg s0;
	s20 =	simm.s32 $0x100;
	s25 =	sadd.s32 s24, s8  }
0x17: {  	s0 =	simm.s32 $0x0;
	s23 =	simm.s32 $0x1;
	s26 =	sadd.s32 $0x600, s25  }
0x18: {  	s24 =	simm.s32 $0x3;
	s25 =	simm.s32 $0x2;
	[dreg:$0xa] =	wrdreg s26  }
.LBB2_8:
0x19: {  	_ =	swait.ge [sflag:s24], $0x2000  }
0x1a: {  	[sflag:s24] =	ssyncset.done $0x0  }
0x1b: {  	[sflag:s24] =	ssyncadd.s32 $0xFFFFE000  }
0x1c: {  	_ =	swait.ge [sflag:s24], $0x2000  }
0x1d: {  	[sflag:s24] =	ssyncset.done $0x0  }
0x1e: {  	[sflag:s24] =	ssyncadd.s32 $0xFFFFE000  }
0x1f: {  	_ =	swait.ge [sflag:s24], $0x1800  }
0x20: {  	[sflag:s24] =	ssyncset.done $0x0  }
0x21: {  	[sflag:s24] =	ssyncadd.s32 $0xFFFFE800  }
0x22: {  	_ =	swait.ge [sflag:s24], $0x80  }
0x23: {  	[sflag:s24] =	ssyncset.done $0x0  }
0x24: {  	[sflag:s24] =	ssyncadd.s32 $0xFFFFFF80  }
0x25: {  	_ =	swait.ge [sflag:s31], $0x2000  }
0x26: {  	[sflag:s31] =	ssyncset.done $0x0  }
0x27: {  	[sflag:s31] =	ssyncadd.s32 $0xFFFFE000  }
0x28: {  	_ =	swait.ge [sflag:s31], $0x2000  }
0x29: {  	[sflag:s31] =	ssyncset.done $0x0  }
0x2a: {  	[sflag:s31] =	ssyncadd.s32 $0xFFFFE000  }
0x2b: {  	_ =	swait.ge [sflag:s31], $0x1800  }
0x2c: {  	[sflag:s31] =	ssyncset.done $0x0  }
0x2d: {  	[sflag:s31] =	ssyncadd.s32 $0xFFFFE800  }
0x2e: {  	_ =	swait.ge [sflag:s31], $0x80  }
0x2f: {  	s0 =	sadd.s32 $0x1, s0;
	s3 =	rddreg [dreg:$0x6]  }
0x30: {  	p0 =	sne.s32 s0, s3  }
.Ltmp1:
0x31: {  	_ = 	snop;
	(pc) =	sbr.rel @!p0 .LBB2_9-.Ltmp1, $3  }
0x32: {  	_ =	sdelay $0x1  }
0x33: {  	[sflag:s31] =	ssyncset.done $0x0  }
0x34: {  	[sflag:s31] =	ssyncadd.s32 $0xFFFFFF80  }
.LBB2_1:
0x35: {  	s3 =	rddreg [dreg:$0x5]  }
0x36: {  	[tilespmem:s4], [sflag:$0x5] =	stream.linear.gather [hbm4b:s3+s4], $0x180, $0x38;
	[tilespmem:$0xB400] =	vst v63  }
0x37: {  	_ =	swait.ge [sflag:s16], $0x180  }
0x38: {  	[sflag:s16] =	ssyncset.done $0x0  }
0x39: {  	s15 =	rddreg [dreg:$0xa];
	[sflag:s16] =	ssyncadd.s32 $0xFFFFFE80  }
0x3a: {  	[tilespmem:s18], [sflag:$0x1] =	stream.indirect.gather [hbm4b:s5+s17], $0x40, s4, s17, $0xb8;
	[tilespmem:$0xB400] =	vst v63  }
0x3b: {  	s7 =	rddreg [dreg:$0x4]  }
0x3c: {  	[tilespmem:s19], [sflag:$0x1] =	stream.indirect.gather [hbm4b:s5+s17], $0x40, s17, s17, $0xb8;
	[tilespmem:$0xB400] =	vst v63  }
.Ltmp2:
0x3d: {  	s14 =	rddreg [dreg:$0x9];
	(pc) =	sbr.rel .LBB2_2-.Ltmp2, $4  }
0x3e: {  	s13 =	rddreg [dreg:$0x8]  }
0x3f: {  	[tilespmem:s21], [sflag:$0x1] =	stream.indirect.gather [hbm4b:s1+s17], $0x30, s20, s17, $0xb8;
	[tilespmem:$0xB400] =	vst v63  }
0x40: {  	s9 =	simm.s32 $0x0;
	s10 =	rddreg [dreg:$0x7]  }
0x41: {  	[tilespmem:s22], [sflag:$0x1] =	stream.indirect.gather [hbm4b:s2+s17], $0x1, s20, s17, $0xb8;
	[tilespmem:$0xB400] =	vst v63  }
.LBB2_4:
0x42: {  	_ =	swait.ge [sflag:s24], $0x2000  }
0x43: {  	[sflag:s24] =	ssyncset.done $0x0  }
0x44: {  	[sflag:s24] =	ssyncadd.s32 $0xFFFFE000  }
0x45: {  	_ =	swait.ge [sflag:s24], $0x2000  }
0x46: {  	[sflag:s24] =	ssyncset.done $0x0  }
0x47: {  	[sflag:s24] =	ssyncadd.s32 $0xFFFFE000  }
0x48: {  	_ =	swait.ge [sflag:s24], $0x1800  }
0x49: {  	[sflag:s24] =	ssyncset.done $0x0  }
0x4a: {  	[sflag:s24] =	ssyncadd.s32 $0xFFFFE800  }
0x4b: {  	_ =	swait.ge [sflag:s24], $0x80  }
0x4c: {  	s26 =	sshrl.u32 s10, $0x3;
	[sflag:s24] =	ssyncset.done $0x0  }
0x4d: {  	s26 =	sadd.s32 s6, s26;
	[sflag:s24] =	ssyncadd.s32 $0xFFFFFF80  }
0x4e: {  	[tilespmem:s4], [sflag:$0x5] =	stream.linear.gather [hbm4b:s26+s4], $0x180, $0x38;
	[tilespmem:$0xB400] =	vst v63  }
0x4f: {  	_ =	swait.ge [sflag:s16], $0x180  }
0x50: {  	[sflag:s16] =	ssyncset.done $0x0  }
0x51: {  	[sflag:s16] =	ssyncadd.s32 $0xFFFFFE80  }
0x52: {  	[tilespmem:s18], [sflag:$0x1] =	stream.indirect.gather [hbm4b:s5+s17], $0x40, s4, s17, $0xb8;
	[tilespmem:$0xB400] =	vst v63  }
0x53: {  	_ = 	snop  }
0x54: {  	[tilespmem:s19], [sflag:$0x1] =	stream.indirect.gather [hbm4b:s5+s17], $0x40, s17, s17, $0xb8;
	[tilespmem:$0xB400] =	vst v63  }
0x55: {  	_ = 	snop  }
0x56: {  	[tilespmem:s21], [sflag:$0x1] =	stream.indirect.gather [hbm4b:s1+s17], $0x30, s20, s17, $0xb8;
	[tilespmem:$0xB400] =	vst v63  }
0x57: {  	_ = 	snop  }
0x58: {  	[tilespmem:s22], [sflag:$0x1] =	stream.indirect.gather [hbm4b:s2+s17], $0x1, s20, s17, $0xb8;
	[tilespmem:$0xB400] =	vst v63  }
.LBB2_6:
0x59: {  	_ =	swait.ge [sflag:s25], $0x2000  }
0x5a: {  	[sflag:s25] =	ssyncset.done $0x0  }
0x5b: {  	[sflag:s25] =	ssyncadd.s32 $0xFFFFE000  }
0x5c: {  	_ =	swait.ge [sflag:s25], $0x2000  }
0x5d: {  	[sflag:s25] =	ssyncset.done $0x0  }
0x5e: {  	[sflag:s25] =	ssyncadd.s32 $0xFFFFE000  }
0x5f: {  	_ =	swait.ge [sflag:s25], $0x1800  }
0x60: {  	[sflag:s25] =	ssyncset.done $0x0  }
0x61: {  	[sflag:s25] =	ssyncadd.s32 $0xFFFFE800  }
0x62: {  	_ =	swait.ge [sflag:s25], $0x80  }
0x63: {  	[sflag:s25] =	ssyncset.done $0x0  }
0x64: {  	s8 =	sadd.s32 $0x8000, s8;
	s26 =	simm.s32 $0x2300;
	[sflag:s25] =	ssyncadd.s32 $0xFFFFFF80  }
0x65: {  	[hbm4b:s8+s4] =	stream.linear.scatter [tilespmem:s26], [sflag:$0x4], $0x2000, $0x38;
	[tilespmem:$0xB400] =	vst v63  }
0x66: {  	s3 =	sadd.s32 $0x8000, s3  }
0x67: {  	[hbm4b:s3+s4] =	stream.linear.scatter [tilespmem:s28], [sflag:$0x4], $0x2000, $0x38;
	[tilespmem:$0xB400] =	vst v63  }
0x68: {  	s8 =	sadd.s32 $0x6000, s13  }
0x69: {  	[hbm4b:s8+s4] =	stream.linear.scatter [tilespmem:s29], [sflag:$0x4], $0x1800, $0x38;
	[tilespmem:$0xB400] =	vst v63  }
0x6a: {  	s26 =	sadd.s32 $0x200, s14  }
0x6b: {  	[hbm4b:s26+s4] =	stream.linear.scatter [tilespmem:s30], [sflag:$0x4], $0x80, $0x38;
	[tilespmem:$0xB400] =	vst v63  }
.LBB2_7:
0x6c: {  	s9 =	sadd.s32 $0x10000, s9  }
0x6d: {  	p0 =	sne.s32 s9, $0x280000  }
.Ltmp3:
0x6e: {  	_ = 	snop;
	(pc) =	sbr.rel @!p0 .LBB2_8-.Ltmp3, $3  }
0x6f: {  	_ =	sdelay $0x1  }
0x70: {  	s10 =	sadd.s32 $0x6000, s10;
	s13 =	sadd.s32 $0xC000, s13  }
0x71: {  	s14 =	sadd.s32 $0x400, s14;
	s7 =	sadd.s32 $0x40, s7;
	s15 =	sadd.s32 $0xC00, s15  }
.LBB2_2:
0x72: {  	s3 =	sadd.s32 $0x20, s7  }
0x73: {  	p0 =	sgt.u32 s3, $0x9C3  }
0x74: {  	p1 =	seq.s32 @!p0 s9, $0x0  }
0x75: {  	p1 =	por p1, p0  }
0x76: {  	s3 =	simm.s32 @!p1 $0x4  }
0x77: {  	_ =	swait.ge @!p1 [sflag:s3], $0x2000  }
0x78: {  	[sflag:s3] =	ssyncset.done @!p1 $0x0  }
0x79: {  	[sflag:s3] =	ssyncadd.s32 @!p1 $0xFFFFE000  }
0x7a: {  	_ =	swait.ge @!p1 [sflag:s3], $0x2000  }
0x7b: {  	[sflag:s3] =	ssyncset.done @!p1 $0x0  }
0x7c: {  	[sflag:s3] =	ssyncadd.s32 @!p1 $0xFFFFE000  }
0x7d: {  	_ =	swait.ge @!p1 [sflag:s3], $0x1800  }
0x7e: {  	[sflag:s3] =	ssyncset.done @!p1 $0x0  }
0x7f: {  	[sflag:s3] =	ssyncadd.s32 @!p1 $0xFFFFE800  }
0x80: {  	_ =	swait.ge @!p1 [sflag:s3], $0x80  }
0x81: {  	[sflag:s3] =	ssyncset.done @!p1 $0x0  }
0x82: {  	s8 =	simm.s32 @!p0 $0x180;
	[sflag:s3] =	ssyncadd.s32 @!p1 $0xFFFFFF80;
	s3 =	simm.s32 @!p0 $0x0  }
0x83: {  	[tilespmem:s8], [sflag:$0x5] =	stream.linear.gather @!p0 [hbm4b:s15+s3], $0x180, $0x38;
	[tilespmem:$0xB400] =	vst v63  }
0x84: {  	s3 =	simm.s32 @!p0 $0x5  }
0x85: {  	_ =	swait.ge @!p0 [sflag:s3], $0x180  }
0x86: {  	[sflag:s3] =	ssyncset.done @!p0 $0x0  }
0x87: {  	s26 =	simm.s32 @!p0 $0x2300;
	[sflag:s3] =	ssyncadd.s32 @!p0 $0xFFFFFE80;
	s3 =	simm.s32 @!p0 $0x80  }
0x88: {  	[tilespmem:s26], [sflag:$0x2] =	stream.indirect.gather @!p0 [hbm4b:s5+s3], $0x40, s8, s3, $0xb8;
	[tilespmem:$0xB400] =	vst v63  }
0x89: {  	p1 =	sgt.u32 s7, $0x9C3;
	s8 =	simm.s32 @!p0 $0x200;
	s26 =	simm.s32 @!p0 $0x6300  }
0x8a: {  	[tilespmem:s26], [sflag:$0x2] =	stream.indirect.gather @!p0 [hbm4b:s5+s3], $0x40, s8, s3, $0xb8;
	[tilespmem:$0xB400] =	vst v63  }
.Ltmp4:
0x8b: {  	_ = 	snop;
	(pc) =	sbr.rel @p1 .LBB2_7-.Ltmp4, $4  }
0x8c: {  	s8 =	simm.s32 @!p0 $0x280;
	s26 =	simm.s32 @!p0 $0x9B00  }
0x8d: {  	[tilespmem:s26], [sflag:$0x2] =	stream.indirect.gather @!p0 [hbm4b:s1+s3], $0x30, s8, s3, $0xb8;
	[tilespmem:$0xB400] =	vst v63  }
0x8e: {  	s26 =	simm.s32 @!p0 $0xB380  }
0x8f: {  	[tilespmem:s26], [sflag:$0x2] =	stream.indirect.gather @!p0 [hbm4b:s2+s3], $0x1, s8, s3, $0xb8;
	[tilespmem:$0xB400] =	vst v63  }
0x90: {  	_ =	swait.ge [sflag:s23], $0x2000  }
0x91: {  	[sflag:s23] =	ssyncset.done $0x0  }
0x92: {  	[sflag:s23] =	ssyncadd.s32 $0xFFFFE000  }
0x93: {  	_ =	swait.ge [sflag:s23], $0x2000  }
0x94: {  	[sflag:s23] =	ssyncset.done $0x0  }
0x95: {  	[sflag:s23] =	ssyncadd.s32 $0xFFFFE000  }
0x96: {  	_ =	swait.ge [sflag:s23], $0x1800  }
0x97: {  	[sflag:s23] =	ssyncset.done $0x0  }
0x98: {  	[sflag:s23] =	ssyncadd.s32 $0xFFFFE800  }
0x99: {  	_ =	swait.ge [sflag:s23], $0x80  }
0x9a: {  	[sflag:s23] =	ssyncset.done $0x0  }
0x9b: {  	s8 =	sadd.s32 s9, s12;
	[sflag:s23] =	ssyncadd.s32 $0xFFFFFF80  }
0x9c: {  	[hbm4b:s8+s4] =	stream.linear.scatter [tilespmem:s18], [sflag:$0x3], $0x2000, $0x38;
	[tilespmem:$0xB400] =	vst v63  }
0x9d: {  	s3 =	sadd.s32 s9, s11;
	p1 =	sgt.u32 s7, $0x983  }
0x9e: {  	[hbm4b:s3+s4] =	stream.linear.scatter [tilespmem:s19], [sflag:$0x3], $0x2000, $0x38;
	[tilespmem:$0xB400] =	vst v63  }
.Ltmp5:
0x9f: {  	_ = 	snop;
	(pc) =	sbr.rel @!p1 .LBB2_4-.Ltmp5, $4  }
0xa0: {  	_ = 	snop  }
0xa1: {  	[hbm4b:s13+s4] =	stream.linear.scatter [tilespmem:s21], [sflag:$0x3], $0x1800, $0x38;
	[tilespmem:$0xB400] =	vst v63  }
0xa2: {  	_ = 	snop  }
0xa3: {  	[hbm4b:s14+s4] =	stream.linear.scatter [tilespmem:s22], [sflag:$0x3], $0x80, $0x38;
	[tilespmem:$0xB400] =	vst v63  }
.Ltmp6:
0xa4: {  	(pc) =	sbr.rel @p0 .LBB2_7-.Ltmp6, $4  }
.Ltmp7:
0xa5: {  	(pc) =	sbr.rel @!p0 .LBB2_6-.Ltmp7, $4  }
0xa6: {  	_ = 	snop  }
0xa7: {  	_ = 	snop  }
0xa8: {  	_ = 	snop  }
0xa9: {  	_ = 	snop  }
.LBB2_9:
0xaa: {  	_ =	sfence.sel $0x180000  }
0xab: {  	[bflag:$0x0] =	sbarrier.arrive $0xFFFF  }
0xac: {  	_ =	strace $0x90000047  }
0xad: {  	s0 =	stileid.u32;
	[bflag:$0x2] =	sbarrier.arrive $0xFFFF  }
0xae: {  	p0 =	sne.s32 s0, $0x0;
	s0 =	rddreg [dreg:$0x3]  }
0xaf: {  	s0 =	sadd.s32 @!p0 $0x100000, s0  }
0xb0: {  	[sflag:s0] =	ssyncadd.tile.s32 @!p0 $0x1;
	_ =	shalt  }
.Lfunc_end2:
_tile_overlayer_lowered:
.L_overlay_start_2:
0xb1: {  	(tag) =	ssettag $0x2  }
0xb2: {  	s0 =	rddreg [dreg:$0x0];
	s2 =	stileid.u32  }
0xb3: {  	s1 =	rddreg [dreg:$0x1];
	p0 =	sne.s32 s2, $0x0  }
0xb4: {  	s3 =	rddreg [dreg:$0x2];
	[bflag:$0x3] =	sbarrier.arrive $0xFFFF;
	s2 =	simm.s32 @!p0 $0x1C05  }
0xb5: {  	[timem:s3], [sflag:s2] =	dma.local @!p0 [hbm:s0], s1  }
0xb6: {  	s0 =	simm.s32 @!p0 $0x5  }
0xb7: {  	_ =	swait.ge @!p0 [sflag:s0], s1  }
0xb8: {  	s1 =	ssub.s32 @!p0 $0x0, s1;
	[sflag:s0] =	ssyncset.done @!p0 $0x0  }
0xb9: {  	[sflag:s0] =	ssyncadd.s32 @!p0 s1  }
0xba: {  	[bflag:$0x3] =	sbarrier.arrive $0xFFFF  }
0xbb: {  	_ =	shalt  }

// kernel: kernel.9.cloned.1.call-start
scs
__scs_entry_jumppad:
0x0: {  	(pc) =	sbr.rel $0x88, $3  }
0x1: {  	(tag) =	ssettag $0x0;
	lr =	simm.s32 $0x1  }
0x2: {  	[smem:$0x3F92] =	sst lr;
	_ =	strace $0xD0000000  }
0x3: {  	_ = 	snop  }
0x4: {  	_ = 	snop  }
0x5: {  	_ = 	snop  }
0x6: {  	_ = 	snop  }
0x7: {  	_ = 	snop  }
__scs_overlays_trampoline_lowered:
0x8: {  	[smem:$0x3FA1] =	sst s0  }
0x9: {  	[smem:$0x3FA2] =	sst s1  }
0xa: {  	[smem:$0x3FA3] =	sst s2  }
0xb: {  	[smem:$0x3FA4] =	sst s3  }
0xc: {  	[smem:$0x3FA5] =	sst s4  }
0xd: {  	[smem:$0x3FA6] =	sst s5  }
0xe: {  	[smem:$0x3FA7] =	sst s6  }
0xf: {  	[smem:$0x3FA8] =	sst s7  }
0x10: {  	[smem:$0x3FA9] =	sst s8  }
0x11: {  	[smem:$0x3FAA] =	sst s9;
	s0 =	simm.s32 @!p0 $0x0  }
0x12: {  	s1 =	sld [smem:$0x3F90];
	s0 =	simm.s32 @p0 $0x1  }
0x13: {  	[smem:$0x3FAB] =	sst s0;
	s0 =	simm.s32 @!p1 $0x0  }
0x14: {  	s2 =	sld [smem:$0x3F8F];
	s0 =	simm.s32 @p1 $0x1  }
0x15: {  	[smem:$0x3FAC] =	sst s0;
	s0 =	simm.s32 @!p2 $0x0  }
0x16: {  	s3 =	sld [smem:$0x3FDB];
	s0 =	simm.s32 @p2 $0x1  }
0x17: {  	s4 =	simm.s32 $0x1BF5;
	[smem:$0x3FAE] =	sst s0  }
0x18: {  	s0 =	sld [smem:$0x3F91];
	_ =	swait.ge [sflag:s4], $0x0  }
0x19: {  	s7 =	sld [smem:$0x3F92]  }
0x1a: {  	s8 =	sadd.s32 $0xFFFFE003, lr  }
0x1b: {  	s9 =	sadd.s32 $0xFFFFFEF7, lr;
	s5 =	simm.s32 $0xFFFFFFFF;
	p2 =	slt.u32 s8, $0xFFFFF086  }
0x1c: {  	p1 =	slt.u32 s9, $0xF7A;
	s5 =	simm.s32 @!p2 $0x0  }
0x1d: {  	s5 =	simm.s32 @p1 $0x1;
	p0 =	seq.s32 s7, s2  }
0x1e: {  	s7 =	smul.u32 @!p0 $0xF7A, s2;
	p2 =	seq.s32 @!p0 s5, $0x0  }
0x1f: {  	s9 =	smul.u32 $0xF7A, s1;
	s8 =	simm.s32 @!p0 $0x1BF5;
	p2 =	por !p2, p0  }
0x20: {  	[sflag:s8] =	ssyncset.s32 @!p0 $0xFFFFF086;
	s6 =	sadd.s32 @!p0 s3, s7;
	s7 =	simm.s32 @!p0 $0x108  }
0x21: {  	s3 =	sadd.s32 s3, s9;
	s6 =	sadd.s32 @!p0 $0x88, s6;
	s7 =	simm.s32 @p2 $0x1082  }
0x22: {  	[simem:s7], [sflag:s8] =	dma.local @!p0 [hbm:s6], $0xF7A  }
0x23: {  	s9 =	sor.u32 $0xD0000000, s2;
	s6 =	simm.s32 $0x108;
	_ =	swait.ge @!p0 [sflag:s8], $0x0  }
0x24: {  	s3 =	sadd.s32 $0x88, s3;
	s6 =	simm.s32 @!p1 $0x1082;
	[sflag:s4] =	ssyncset.s32 $0xFFFFF086  }
0x25: {  	[simem:s6], [sflag:s4] =	dma.local [hbm:s3], $0xF7A  }
0x26: {  	[smem:$0x3F92] =	sst s1;
	(tag) =	ssettag s2;
	_ =	strace s9  }
0x27: {  	s1 =	sld [smem:$0x3FA2]  }
0x28: {  	s2 =	sld [smem:$0x3FA3]  }
0x29: {  	s4 =	sld [smem:$0x3FA5]  }
0x2a: {  	p0 =	seq.s32 s5, $0x0;
	s5 =	sld [smem:$0x3FA6]  }
0x2b: {  	s6 =	sld [smem:$0x3FA7]  }
0x2c: {  	s7 =	sld [smem:$0x3FA8]  }
0x2d: {  	s3 =	simm.s32 $0x108;
	s8 =	sld [smem:$0x3FA9]  }
0x2e: {  	s3 =	simm.s32 @!p0 $0x1082;
	s9 =	sld [smem:$0x3FAA]  }
0x2f: {  	lr =	sadd.s32 s0, s3;
	s0 =	sld [smem:$0x3FA1]  }
0x30: {  	s3 =	sld [smem:$0x3FA4]  }
0x31: {  	[smem:$0x3FAD] =	sst s10  }
0x32: {  	s10 =	sld [smem:$0x3FAB];
	_ =	sdelay $0x3  }
0x33: {  	p0 =	seq.s32 s10, $0x1;
	s10 =	sld [smem:$0x3FAD];
	_ =	sdelay $0x3  }
0x34: {  	[smem:$0x3FAD] =	sst s10  }
0x35: {  	s10 =	sld [smem:$0x3FAC];
	_ =	sdelay $0x3  }
0x36: {  	p1 =	seq.s32 s10, $0x1;
	s10 =	sld [smem:$0x3FAD];
	_ =	sdelay $0x3  }
0x37: {  	[smem:$0x3FAD] =	sst s10  }
0x38: {  	s10 =	sld [smem:$0x3FAE]  }
0x39: {  	_ = 	snop;
	(pc) =	sbr.ind lr, $3  }
0x3a: {  	_ = 	snop  }
0x3b: {  	_ = 	snop  }
0x3c: {  	p2 =	seq.s32 s10, $0x1;
	s10 =	sld [smem:$0x3FAD]  }
0x3d: {  	_ =	shalt  }
0x3e: {  	_ =	shalt  }
0x3f: {  	_ =	shalt  }
0x40: {  	_ =	shalt  }
0x41: {  	_ =	shalt  }
0x42: {  	_ =	shalt  }
0x43: {  	_ =	shalt  }
0x44: {  	_ =	shalt  }
0x45: {  	_ =	shalt  }
0x46: {  	_ =	shalt  }
0x47: {  	_ =	shalt  }
0x48: {  	_ =	shalt  }
0x49: {  	_ =	shalt  }
0x4a: {  	_ =	shalt  }
0x4b: {  	_ =	shalt  }
0x4c: {  	_ =	shalt  }
0x4d: {  	_ =	shalt  }
0x4e: {  	_ =	shalt  }
0x4f: {  	_ =	shalt  }
0x50: {  	_ =	shalt  }
0x51: {  	_ =	shalt  }
0x52: {  	_ =	shalt  }
0x53: {  	_ =	shalt  }
0x54: {  	_ =	shalt  }
0x55: {  	_ =	shalt  }
0x56: {  	_ =	shalt  }
0x57: {  	_ =	shalt  }
0x58: {  	_ =	shalt  }
0x59: {  	_ =	shalt  }
0x5a: {  	_ =	shalt  }
0x5b: {  	_ =	shalt  }
0x5c: {  	_ =	shalt  }
0x5d: {  	_ =	shalt  }
0x5e: {  	_ =	shalt  }
0x5f: {  	_ =	shalt  }
0x60: {  	_ =	shalt  }
0x61: {  	_ =	shalt  }
0x62: {  	_ =	shalt  }
0x63: {  	_ =	shalt  }
0x64: {  	_ =	shalt  }
0x65: {  	_ =	shalt  }
0x66: {  	_ =	shalt  }
0x67: {  	_ =	shalt  }
0x68: {  	_ =	shalt  }
0x69: {  	_ =	shalt  }
0x6a: {  	_ =	shalt  }
0x6b: {  	_ =	shalt  }
0x6c: {  	_ =	shalt  }
0x6d: {  	_ =	shalt  }
0x6e: {  	_ =	shalt  }
0x6f: {  	_ =	shalt  }
0x70: {  	_ =	shalt  }
0x71: {  	_ =	shalt  }
0x72: {  	_ =	shalt  }
0x73: {  	_ =	shalt  }
0x74: {  	_ =	shalt  }
0x75: {  	_ =	shalt  }
0x76: {  	_ =	shalt  }
0x77: {  	_ =	shalt  }
0x78: {  	_ =	shalt  }
0x79: {  	_ =	shalt  }
0x7a: {  	_ =	shalt  }
0x7b: {  	_ =	shalt  }
0x7c: {  	_ =	shalt  }
0x7d: {  	_ =	shalt  }
0x7e: {  	_ =	shalt  }
0x7f: {  	_ =	shalt  }
0x80: {  	_ =	shalt  }
0x81: {  	_ =	shalt  }
0x82: {  	_ =	shalt  }
0x83: {  	_ =	shalt  }
0x84: {  	_ =	shalt  }
0x85: {  	_ =	shalt  }
0x86: {  	_ =	shalt  }
0x87: {  	_ =	shalt  }
.Lfunc_end0:
.L_simem_size_0:
called_computation.1_lowered:
.L_overlay_start_0:
0x88: {  	s2 =	sld [smem:$0x3FD9]  }
0x89: {  	s3 =	sld [smem:$0x3FFE];
	_ =	sdelay $0x1  }
0x8a: {  	s1 =	srdreg.scid  }
0x8b: {  	s0 =	sand.u32 $0x1, s1  }
0x8c: {  	s17 =	sshll.u32 s0, $0xA;
	s2 =	sadd.s32 s3, s2  }
0x8d: {  	s2 =	sadd.s32 s2, s17  }
0x8e: {  	[smem:$0x3FB9] =	sst s2  }
0x8f: {  	_ = 	snop  }
0x90: {  	s2 =	sld [smem:$0x3FC4];
	(tm) =	ssettm $0x1  }
0x91: {  	s18 =	sld [smem:$0x3FFB];
	_ =	sdelay $0x3  }
0x92: {  	_ =	strace s18  }
0x93: {  	s3 =	sld [smem:$0x3FFC];
	_ =	sdelay $0x3  }
0x94: {  	_ =	strace s3  }
0x95: {  	s3 =	sld [smem:$0x3FFD];
	_ =	sdelay $0x3  }
0x96: {  	_ =	strace s3  }
0x97: {  	_ =	strace $0x8FFFFFFF  }
0x98: {  	s19 =	sld [smem:$0x3FDB];
	_ =	sdelay $0x1  }
0x99: {  	s4 =	simm.s32 $_scs_section_size  }
0x9a: {  	s5 =	simm.s32 $_size__tile_overlayer_lowered;
	s6 =	simm.s32 $_tile_overlayer_lowered  }
0x9b: {  	s22 =	simm.s32 $0x1BFF;
	s21 =	sshll.u32 s6, $0x1;
	s3 =	sadd.s32 s4, s19  }
0x9c: {  	s7 =	simm.s32 $0x0;
	s20 =	sshll.u32 s5, $0x1;
	s5 =	sadd.s32 s21, s3  }
0x9d: {  	[timem:s7], [sflag:s22] =	dma.local [hbm:s5], s20  }
0x9e: {  	_ =	swait.ge [sflag:s22], s20  }
0x9f: {  	s4 =	ssub.s32 $0x0, s20;
	[sflag:s22] =	ssyncset.done $0x0  }
0xa0: {  	[sflag:s22] =	ssyncadd.s32 s4;
	_ =	sdelay $0x1  }
0xa1: {  	s23 =	simm.s32 $0x1B8B  }
0xa2: {  	_ =	swait.ge [sflag:s23], $0x1  }
0xa3: {  	[sflag:s23] =	ssyncset.done $0x0  }
0xa4: {  	s25 =	simm.s32 $0x1B8E;
	s24 =	sld [smem:$0x3FFE];
	[sflag:s23] =	ssyncadd.s32 $0xFFFFFFFF  }
0xa5: {  	s26 =	simm.s32 $execute0_lowered;
	[smem:$0x3FD2] =	sst s25  }
0xa6: {  	s5 =	sshll.u32 s26, $0x1;
	_ =	strace $0x80000049;
	[dreg:$0x1] =	wrdreg $0xFFFFFFFF  }
0xa7: {  	s28 =	simm.s32 $_size_execute0_lowered;
	s3 =	sadd.s32 s3, s5;
	[dreg:$0x0] =	wrdreg $0x0  }
0xa8: {  	s5 =	sshll.u32 s28, $0x1;
	[dreg:$0x2] =	wrdreg s3  }
0xa9: {  	[dreg:$0x3] =	wrdreg s5  }
0xaa: {  	[dreg:$0x4] =	wrdreg $0xC0  }
0xab: {  	_ =	task [dreg:s7], $0x5FFFF  }
0xac: {  	[dreg:$0x1] =	wrdreg $0xFFFFFFFF  }
0xad: {  	[dreg:$0x0] =	wrdreg $0x60  }
0xae: {  	[dreg:$0x2] =	wrdreg s24  }
0xaf: {  	[dreg:$0x3] =	wrdreg s2  }
0xb0: {  	[dreg:$0x4] =	wrdreg $0x68700  }
0xb1: {  	[dreg:$0x5] =	wrdreg $0x9  }
0xb2: {  	_ =	task.clear_ibuf [dreg:s7], $0x6FFFF;
	_ =	strace $0x90000049  }
0xb3: {  	s29 =	simm.s32 $0x9;
	_ =	strace $0x8000004B  }
0xb4: {  	_ =	swait.ge [sflag:s29], $0x1  }
0xb5: {  	[sflag:s29] =	ssyncadd.s32 $0xFFFFFFFF  }
0xb6: {  	_ =	strace $0x9000004B  }
0xb7: {  	_ =	sfence  }
0xb8: {  	s30 =	sld [smem:$0x0];
	_ =	sdelay $0x2  }
0xb9: {  	s31 =	sshll.u32 s1, $0xD;
	s1 =	sshrl.u32 s1, $0x2  }
0xba: {  	s3 =	sand.u32 $0x4000, s31;
	s1 =	sadd.s32 s1, s30  }
0xbb: {  	s0 =	sor.u32 s3, s0;
	s1 =	sshll.u32 s1, $0x11  }
0xbc: {  	s0 =	sor.u32 s1, s0  }
0xbd: {  	s0 =	sadd.s32 $0x8F2B, s0  }
0xbe: {  	[sflag:s0] =	ssyncadd.remote.s32 $0x1  }
0xbf: {  	_ =	sfence.sel $0xFFFF  }
0xc0: {  	[dreg:$0x0] =	wrdreg $0xFFFFFFFF;
	(pc) =	sbr.abs _section_cstart, $3  }
0xc1: {  	[dreg:$0x1] =	wrdreg $0xFFFFFFFF  }
0xc2: {  	_ =	task.clear_ibuf [dreg:s7], $0x2FFFF;
	_ =	strace $0x9FFFFFFF  }
0xc3: {  	(tm) =	ssettm $0x7FFFFFFF  }
tec
execute0_lowered:
.L_overlay_start_1:
0x0: {  	(tag) =	ssettag $0x1  }
0x1: {  	s0 =	rddreg [dreg:$0x0]  }
0x2: {  	s1 =	rddreg [dreg:$0x1]  }
0x3: {  	s3 =	rddreg [dreg:$0x2]  }
0x4: {  	s4 =	simm.s32 $0x0;
	s5 =	srdreg.scid;
	s2 =	stileid.u32  }
0x5: {  	s16 =	simm.s32 $0x29F0;
	s17 =	simm.s32 $0x2;
	s18 =	simm.s32 $0x7D0  }
0x6: {  	s19 =	simm.s32 $0x860;
	s20 =	simm.s32 $0x80;
	s22 =	simm.s32 $0x9F0  }
0x7: {  	v0 =	vlaneseq.u32;
	s23 =	simm.s32 $0x1;
	s8 =	smul.u32 $0x4E200, s2;
	s6 =	sadd.s32 $0x775600, s0  }
0x8: {  	v1 =	vimm.f32 $0.0e+00;
	v2 =	vimm.s32 $0x0;
	s5 =	sand.u32 $0x1, s5;
	s7 =	sadd.s32 $0x293600, s0;
	s0 =	smul.u32 $0x4E20, s2;
	v3 =	vadd.s32 $0x1, v0  }
.Ltmp0:
0x9: {  	[smem:$0x7FF] =	sst s4;
	v4 =	vor.u32 $0x4E20, v0;
	v5 =	vadd.s32 $0x11, v0;
	v6 =	vor.u32 $0x10, v0;
	s9 =	ssub.s32 $0x2, s5;
	(pc) =	sbr.rel .LBB2_1-.Ltmp0, $4  }
0xa: {  	s10 =	smul.u32 $0x4E2, s2;
	v7 =	vadd.s32 $0x21, v0;
	v8 =	vor.u32 $0x20, v0;
	v9 =	vadd.s32 $0x31, v0;
	s30 =	sshrl.u32 s9, $0x1;
	s8 =	sshrl.u32 s8, $0x2  }
0xb: {  	v10 =	vor.u32 $0x30, v0;
	v11 =	vadd.s32 $0x41, v0;
	v12 =	vor.u32 $0x40, v0;
	_ =	strace $0x8000004A;
	s15 =	ssub.s32 s9, s30;
	s9 =	sadd.s32 s8, s3  }
0xc: {  	v13 =	vadd.s32 $0x51, v0;
	v14 =	vor.u32 $0x50, v0;
	v15 =	vadd.s32 $0x61, v0;
	s11 =	sadd.s32 $0x3E80, s9;
	s12 =	sadd.s32 $0x7D00, s9;
	s31 =	smax.u32 s15, $0x1  }
0xd: {  	v16 =	vor.u32 $0x60, v0;
	v17 =	vadd.s32 $0x71, v0;
	v18 =	vor.u32 $0x70, v0;
	s13 =	sadd.s32 $0xBB80, s9;
	s14 =	sadd.s32 $0xFA00, s9;
	[dreg:$0x5] =	wrdreg s31  }
.LBB2_11:
0xe: {  	s4 =	rddreg [dreg:$0x4]  }
0xf: {  	s2 =	rddreg [dreg:$0x5];
	s4 =	sadd.s32 $0x1, s4  }
0x10: {  	p0 =	sne.s32 s4, s2  }
.Ltmp1:
0x11: {  	_ = 	snop;
	(pc) =	sbr.rel @!p0 .LBB2_12-.Ltmp1, $1  }
0x12: {  	_ =	sdelay $0x3  }
.LBB2_1:
0x13: {  	[dreg:$0x4] =	wrdreg s4;
	s25 =	simm.s32 $0x100;
	s8 =	simm.s32 $0x0  }
.LBB2_2:
0x14: {  	p0 =	sne.s32 s25, $0xF900;
	[tilespmem:s8+$0x2A20] =	vst v1;
	s26 =	smov.u32 s25;
	s25 =	sadd.s32 $0x100, s25  }
.Ltmp2:
0x15: {  	[tilespmem:s8+$0x2A10] =	vst v1;
	(pc) =	sbr.rel @p0 .LBB2_2-.Ltmp2, $3  }
0x16: {  	[tilespmem:s8+$0x29F0] =	vst v1  }
0x17: {  	[tilespmem:s8+$0x2A00] =	vst v1;
	_ =	sdelay $0x1  }
0x18: {  	s8 =	sshra.s32 s26, $0x2  }
.Ltmp3:
0x19: {  	(pc) =	sbr.rel .LBB2_4-.Ltmp3, $4  }
0x1a: {  	[tilespmem:s8+$0x2A20] =	vst v1  }
0x1b: {  	[tilespmem:s8+$0x2A10] =	vst v1  }
0x1c: {  	[tilespmem:s8+$0x29F0] =	vst v1  }
0x1d: {  	s25 =	simm.s32 $0x0;
	[tilespmem:s8+$0x2A00] =	vst v1  }
.LBB2_10:
0x1e: {  	s2 =	sadd.s32 s10, s26;
	[bflag:$0x0] =	sbarrier.arrive $0xFFFF  }
0x1f: {  	s4 =	stileid.u32;
	s8 =	sshrl.u32 s9, $0x3;
	s25 =	sadd.s32 $0x1, s25  }
0x20: {  	s2 =	sshll.u32 s2, $0x3;
	s4 =	sshll.u32 s4, $0x6;
	p0 =	sne.s32 s25, $0x8  }
.Ltmp4:
0x21: {  	s2 =	sadd.s32 s7, s2;
	s4 =	sor.u32 $0x1C02, s4;
	(pc) =	sbr.rel @!p0 .LBB2_11-.Ltmp4, $4  }
0x22: {  	[hbm:s2], [sflag:s4] =	dma.local [spmem:s8], $0x2710  }
0x23: {  	_ =	swait.ge [sflag:s17], $0x2710  }
0x24: {  	[sflag:s17] =	ssyncset.done $0x0  }
0x25: {  	[sflag:s17] =	ssyncadd.s32 $0xFFFFD8F0  }
.LBB2_4:
0x26: {  	[spmem:s9] =	stream.linear.scatter [tilespmem:s16], [sflag:$0x2], $0x3E80, $0x38;
	[tilespmem:$0x1A130] =	vst v63  }
0x27: {  	_ =	swait.ge [sflag:s17], $0x3E80  }
0x28: {  	[sflag:s17] =	ssyncset.done $0x0  }
0x29: {  	[sflag:s17] =	ssyncadd.s32 $0xFFFFC180  }
0x2a: {  	[spmem:s11] =	stream.linear.scatter [tilespmem:s16], [sflag:$0x2], $0x3E80, $0x38;
	[tilespmem:$0x1A130] =	vst v63  }
0x2b: {  	_ =	swait.ge [sflag:s17], $0x3E80  }
0x2c: {  	[sflag:s17] =	ssyncset.done $0x0  }
0x2d: {  	[sflag:s17] =	ssyncadd.s32 $0xFFFFC180  }
0x2e: {  	[spmem:s12] =	stream.linear.scatter [tilespmem:s16], [sflag:$0x2], $0x3E80, $0x38;
	[tilespmem:$0x1A130] =	vst v63  }
0x2f: {  	_ =	swait.ge [sflag:s17], $0x3E80  }
0x30: {  	[sflag:s17] =	ssyncset.done $0x0  }
0x31: {  	[sflag:s17] =	ssyncadd.s32 $0xFFFFC180  }
0x32: {  	[spmem:s13] =	stream.linear.scatter [tilespmem:s16], [sflag:$0x2], $0x3E80, $0x38;
	[tilespmem:$0x1A130] =	vst v63  }
0x33: {  	_ =	swait.ge [sflag:s17], $0x3E80  }
0x34: {  	s8 =	sshll.u32 s25, $0x1;
	[sflag:s17] =	ssyncset.done $0x0  }
0x35: {  	s8 =	sor.u32 s5, s8;
	[sflag:s17] =	ssyncadd.s32 $0xFFFFC180  }
0x36: {  	[spmem:s14] =	stream.linear.scatter [tilespmem:s16], [sflag:$0x2], $0x3E80, $0x38;
	[tilespmem:$0x1A130] =	vst v63  }
0x37: {  	s26 =	smul.u32 $0x4E20, s8;
	_ =	swait.ge [sflag:s17], $0x3E80  }
0x38: {  	[sflag:s17] =	ssyncset.done $0x0  }
0x39: {  	s30 =	simm.s32 $0x0;
	s8 =	sadd.s32 $0x4E20, s26;
	[sflag:s17] =	ssyncadd.s32 $0xFFFFC180  }
0x3a: {  	s29 =	simm.s32 $0x0;
	v19 =	vmov s26;
	v20 =	vmov s8;
	s8 =	smov.u32 s0;
	[bflag:$0x0] =	sbarrier.arrive $0xFFFF  }
.LBB2_5:
0x3b: {  	s28 =	smul.u32 $0x7D0, s29;
	_ =	sdelay $0x1  }
0x3c: {  	s28 =	sadd.s32 s0, s28  }
0x3d: {  	s28 =	sshrl.u32 s28, $0x3  }
0x3e: {  	s31 =	simm.s32 $0x0;
	s28 =	sadd.s32 s1, s28  }
0x3f: {  	[tilespmem:s31], [sflag:$0x2] =	stream.linear.gather [hbm4b:s28+s31], $0x7D0, $0x38;
	[tilespmem:$0x1A130] =	vst v63  }
0x40: {  	_ =	swait.ge [sflag:s17], $0x7D0  }
0x41: {  	[sflag:s17] =	ssyncset.done $0x0  }
0x42: {  	s28 =	simm.s32 $0x0;
	[sflag:s17] =	ssyncadd.s32 $0xFFFFF830  }
0x43: {  	v21 =	vld [tilespmem:s28+$0x0];
	_ =	sdelay $0x4  }
0x44: {  	vm0 =	vge.s32 v21, v19;
	vm1 =	vlt.s32 v21, v20  }
0x45: {  	vm0 =	vmand vm0, vm1  }
0x46: {  	v22 =	vsel vm0, $0x1, v2  }
0x47: {  	(xrf0) =	vadd.scan.msk.s32 $0xffff, v22;
	_ =	sdelay $0x5  }
0x48: {  	v22, _, _ =	vpop (xrf0)  }
0x49: {  	(v2sf) =	vpush v22, $0xF;
	_ =	sdelay $0x8  }
0x4a: {  	v23 =	vsel vm0, $0xFFFFFFFF, v2  }
0x4b: {  	v23 =	vadd.s32 s30, v23  }
0x4c: {  	v22 =	vadd.s32 v22, v23;
	_ =	sdelay $0x3  }
0x4d: {  	v23 =	vor.u32 s8, v0;
	s28 =	spop (v2sf)  }
0x4e: {  	v21 =	vsub.s32 v21, v19;
	[tilespmem:v22+s18+$0x0] =	vst.idx.msk vm0, v23;
	s28 =	sadd.s32 s30, s28  }
0x4f: {  	[tilespmem:v22+s19+$0x0] =	vst.idx.msk vm0, v21;
	p0 =	slt.s32 s28, $0x80  }
0x50: {  	v21 =	vld @!p0 [tilespmem:$0x890]  }
0x51: {  	v22 =	vld @!p0 [tilespmem:$0x810]  }
0x52: {  	v23 =	vld @!p0 [tilespmem:$0x880]  }
0x53: {  	v24 =	vld @!p0 [tilespmem:$0x800]  }
0x54: {  	v25 =	vld @!p0 [tilespmem:$0x7E0]  }
0x55: {  	v26 =	vld @!p0 [tilespmem:$0x7F0];
	[tilespmem:$0x9A0] =	vst @!p0 v21  }
0x56: {  	v27 =	vld @!p0 [tilespmem:$0x870];
	[tilespmem:$0x930] =	vst @!p0 v22  }
0x57: {  	v28 =	vld @!p0 [tilespmem:$0x860];
	[tilespmem:$0x990] =	vst @!p0 v23  }
0x58: {  	v29 =	vld @!p0 [tilespmem:$0x7D0];
	[tilespmem:$0x920] =	vst @!p0 v24  }
0x59: {  	[tilespmem:$0x900] =	vst @!p0 v25;
	v24 =	vld @!p0 [tilespmem:$0x8A0]  }
0x5a: {  	[tilespmem:$0x910] =	vst @!p0 v26;
	v21 =	vld @!p0 [tilespmem:$0x820]  }
0x5b: {  	[tilespmem:$0x980] =	vst @!p0 v27;
	v22 =	vld @!p0 [tilespmem:$0x8B0]  }
0x5c: {  	s30 =	sadd.s32 @!p0 $0xFFFFFF80, s28;
	[tilespmem:$0x970] =	vst @!p0 v28;
	v23 =	vld @!p0 [tilespmem:$0x830]  }
0x5d: {  	s31 =	simm.s32 $0x40;
	s30 =	smov.u32 @p0 s28;
	s28 =	smov.u32 s8;
	[tilespmem:$0x8F0] =	vst @!p0 v29;
	v25 =	vld @!p0 [tilespmem:$0x8C0]  }
.LBB2_6:
0x5e: {  	[tilespmem:$0x9B0] =	vst @!p0 v24;
	v24 =	vld @!p0 [tilespmem:$0x840];
	s28 =	sadd.s32 $0x10, s28;
	s15 =	smov.u32 s31;
	s31 =	sadd.s32 $0x40, s31  }
0x5f: {  	p1 =	sne.s32 s31, $0x1F40;
	[tilespmem:$0x940] =	vst @!p0 v21;
	v21 =	vld @!p0 [tilespmem:$0x8D0]  }
0x60: {  	[tilespmem:$0x9C0] =	vst @!p0 v22  }
0x61: {  	[tilespmem:$0x950] =	vst @!p0 v23  }
0x62: {  	[tilespmem:$0x9D0] =	vst @!p0 v25  }
0x63: {  	s4 =	simm.s32 @!p0 $0x1;
	[tilespmem:$0x960] =	vst @!p0 v24  }
0x64: {  	s21 =	simm.s32 @!p0 $0x80;
	s24 =	simm.s32 @!p0 $0x8F0;
	s2 =	simm.s32 @!p0 $0x9F0;
	[tilespmem:$0x9E0] =	vst @!p0 v21  }
0x65: {  	[tilespmem:s2], [sflag:$0x1] =	stream.indirect.gather @!p0 [hbm4b:s6+s21], $0x40, s24, s21, $0xb8;
	[tilespmem:$0x1A130] =	vst v63  }
0x66: {  	_ =	swait.ge @!p0 [sflag:s4], $0x2000  }
0x67: {  	[sflag:s4] =	ssyncset.done @!p0 $0x0  }
0x68: {  	s24 =	simm.s32 @!p0 $0x2;
	[sflag:s4] =	ssyncadd.s32 @!p0 $0xFFFFE000;
	s4 =	simm.s32 @!p0 $0x970  }
0x69: {  	[spmem:s3] =	stream.indirect.scatter.add.f32 @!p0 [tilespmem:s2], [sflag:$0x2], $0x40, s4, s21, $0xb8;
	[tilespmem:$0x1A130] =	vst v63  }
0x6a: {  	_ =	swait.ge @!p0 [sflag:s24], $0x2000  }
0x6b: {  	[sflag:s24] =	ssyncset.done @!p0 $0x0  }
0x6c: {  	[sflag:s24] =	ssyncadd.s32 @!p0 $0xFFFFE000  }
0x6d: {  	v21 =	vld @!p0 [tilespmem:$0x850]  }
0x6e: {  	s2 =	sshra.s32 s15, $0x2;
	v22 =	vld @!p0 [tilespmem:$0x8E0];
	_ =	sdelay $0x3  }
0x6f: {  	[tilespmem:$0x7D0] =	vst @!p0 v21  }
0x70: {  	[tilespmem:$0x860] =	vst @!p0 v22  }
0x71: {  	v21 =	vld [tilespmem:s2+$0x0];
	_ =	sdelay $0x4  }
0x72: {  	vm0 =	vge.s32 v21, v19;
	vm1 =	vlt.s32 v21, v20  }
0x73: {  	vm0 =	vmand vm0, vm1  }
0x74: {  	v22 =	vsel vm0, $0xFFFFFFFF, v2;
	v23 =	vsel vm0, $0x1, v2  }
0x75: {  	(xrf0) =	vadd.scan.msk.s32 $0xffff, v23;
	_ =	sdelay $0x5  }
0x76: {  	v22 =	vadd.s32 s30, v22;
	v23, _, _ =	vpop (xrf0)  }
0x77: {  	v22 =	vadd.s32 v23, v22;
	(v2sf) =	vpush v23, $0xF;
	_ =	sdelay $0xe  }
0x78: {  	v23 =	vor.u32 s28, v0;
	s2 =	spop (v2sf)  }
0x79: {  	v21 =	vsub.s32 v21, v19;
	[tilespmem:v22+s18+$0x0] =	vst.idx.msk vm0, v23;
	s2 =	sadd.s32 s30, s2  }
0x7a: {  	[tilespmem:v22+s19+$0x0] =	vst.idx.msk vm0, v21;
	p0 =	slt.s32 s2, $0x80  }
0x7b: {  	v21 =	vld @!p0 [tilespmem:$0x890];
	s30 =	sadd.s32 @!p0 $0xFFFFFF80, s2  }
0x7c: {  	v22 =	vld @!p0 [tilespmem:$0x810];
	s30 =	smov.u32 @p0 s2  }
0x7d: {  	v23 =	vld @!p0 [tilespmem:$0x880]  }
0x7e: {  	v24 =	vld @!p0 [tilespmem:$0x800]  }
0x7f: {  	v25 =	vld @!p0 [tilespmem:$0x7E0]  }
0x80: {  	v26 =	vld @!p0 [tilespmem:$0x7F0];
	[tilespmem:$0x9A0] =	vst @!p0 v21  }
0x81: {  	v27 =	vld @!p0 [tilespmem:$0x870];
	[tilespmem:$0x930] =	vst @!p0 v22  }
0x82: {  	v28 =	vld @!p0 [tilespmem:$0x860];
	[tilespmem:$0x990] =	vst @!p0 v23  }
0x83: {  	v29 =	vld @!p0 [tilespmem:$0x7D0];
	[tilespmem:$0x920] =	vst @!p0 v24  }
.Ltmp5:
0x84: {  	[tilespmem:$0x900] =	vst @!p0 v25;
	v24 =	vld @!p0 [tilespmem:$0x8A0];
	(pc) =	sbr.rel @p1 .LBB2_6-.Ltmp5, $4  }
0x85: {  	[tilespmem:$0x910] =	vst @!p0 v26;
	v21 =	vld @!p0 [tilespmem:$0x820]  }
0x86: {  	[tilespmem:$0x980] =	vst @!p0 v27;
	v22 =	vld @!p0 [tilespmem:$0x8B0]  }
0x87: {  	[tilespmem:$0x970] =	vst @!p0 v28;
	v23 =	vld @!p0 [tilespmem:$0x830]  }
0x88: {  	[tilespmem:$0x8F0] =	vst @!p0 v29;
	v25 =	vld @!p0 [tilespmem:$0x8C0]  }
0x89: {  	[tilespmem:$0x9B0] =	vst @!p0 v24;
	v24 =	vld @!p0 [tilespmem:$0x840]  }
0x8a: {  	[tilespmem:$0x940] =	vst @!p0 v21;
	v21 =	vld @!p0 [tilespmem:$0x8D0]  }
0x8b: {  	[tilespmem:$0x9C0] =	vst @!p0 v22  }
0x8c: {  	[tilespmem:$0x950] =	vst @!p0 v23  }
0x8d: {  	[tilespmem:$0x9D0] =	vst @!p0 v25  }
0x8e: {  	s2 =	simm.s32 @!p0 $0x1;
	[tilespmem:$0x960] =	vst @!p0 v24  }
0x8f: {  	s4 =	simm.s32 @!p0 $0x80;
	s15 =	simm.s32 @!p0 $0x8F0;
	s21 =	simm.s32 @!p0 $0x9F0;
	[tilespmem:$0x9E0] =	vst @!p0 v21  }
0x90: {  	[tilespmem:s21], [sflag:$0x1] =	stream.indirect.gather @!p0 [hbm4b:s6+s4], $0x40, s15, s4, $0xb8;
	[tilespmem:$0x1A130] =	vst v63  }
0x91: {  	_ =	swait.ge @!p0 [sflag:s2], $0x2000  }
0x92: {  	[sflag:s2] =	ssyncset.done @!p0 $0x0  }
0x93: {  	s15 =	simm.s32 @!p0 $0x2;
	[sflag:s2] =	ssyncadd.s32 @!p0 $0xFFFFE000;
	s2 =	simm.s32 @!p0 $0x970  }
0x94: {  	[spmem:s3] =	stream.indirect.scatter.add.f32 @!p0 [tilespmem:s21], [sflag:$0x2], $0x40, s2, s4, $0xb8;
	[tilespmem:$0x1A130] =	vst v63  }
0x95: {  	_ =	swait.ge @!p0 [sflag:s15], $0x2000  }
0x96: {  	[sflag:s15] =	ssyncset.done @!p0 $0x0  }
0x97: {  	[sflag:s15] =	ssyncadd.s32 @!p0 $0xFFFFE000  }
0x98: {  	s29 =	sadd.s32 $0x1, s29;
	v21 =	vld @!p0 [tilespmem:$0x850]  }
0x99: {  	p1 =	sne.s32 s29, $0xA;
	v22 =	vld @!p0 [tilespmem:$0x8E0]  }
.Ltmp6:
0x9a: {  	_ = 	snop;
	(pc) =	sbr.rel @p1 .LBB2_5-.Ltmp6, $3  }
0x9b: {  	_ =	sdelay $0x1  }
0x9c: {  	[tilespmem:$0x7D0] =	vst @!p0 v21  }
0x9d: {  	s8 =	sadd.s32 $0x7D0, s8;
	[tilespmem:$0x860] =	vst @!p0 v22  }
0x9e: {  	p0 =	slt.s32 s30, $0x1  }
.Ltmp7:
0x9f: {  	_ = 	snop;
	(pc) =	sbr.rel @p0 .LBB2_10-.Ltmp7, $1  }
0xa0: {  	_ =	sdelay $0x3  }
0xa1: {  	v19 =	vmov s30  }
0xa2: {  	vm0 =	vlt.s32 v19, v3;
	_ =	sdelay $0x1  }
0xa3: {  	vm1 =	vlt.s32 v19, v5;
	_ =	sdelay $0x1  }
0xa4: {  	vm2 =	vlt.s32 v19, v7;
	_ =	sdelay $0x1  }
0xa5: {  	vm3 =	vlt.s32 v19, v9;
	[tilespmem:v0+s18+$0x0] =	vst.idx.msk vm0, v0  }
0xa6: {  	[tilespmem:v0+s19+$0x0] =	vst.idx.msk vm0, v4  }
0xa7: {  	vm12 =	vlt.s32 v19, v11;
	[tilespmem:v6+s18+$0x0] =	vst.idx.msk vm1, v0  }
0xa8: {  	[tilespmem:v6+s19+$0x0] =	vst.idx.msk vm1, v4  }
0xa9: {  	vm13 =	vlt.s32 v19, v13;
	[tilespmem:v8+s18+$0x0] =	vst.idx.msk vm2, v0  }
0xaa: {  	[tilespmem:v8+s19+$0x0] =	vst.idx.msk vm2, v4  }
0xab: {  	vm14 =	vlt.s32 v19, v15;
	[tilespmem:v10+s18+$0x0] =	vst.idx.msk vm3, v0  }
0xac: {  	[tilespmem:v10+s19+$0x0] =	vst.idx.msk vm3, v4  }
0xad: {  	vm15 =	vlt.s32 v19, v17;
	[tilespmem:v12+s18+$0x0] =	vst.idx.msk vm12, v0  }
0xae: {  	[tilespmem:v12+s19+$0x0] =	vst.idx.msk vm12, v4  }
0xaf: {  	[tilespmem:v14+s18+$0x0] =	vst.idx.msk vm13, v0  }
0xb0: {  	[tilespmem:v14+s19+$0x0] =	vst.idx.msk vm13, v4  }
0xb1: {  	[tilespmem:v16+s18+$0x0] =	vst.idx.msk vm14, v0  }
0xb2: {  	[tilespmem:v16+s19+$0x0] =	vst.idx.msk vm14, v4  }
0xb3: {  	[tilespmem:v18+s18+$0x0] =	vst.idx.msk vm15, v0  }
0xb4: {  	[tilespmem:v18+s19+$0x0] =	vst.idx.msk vm15, v4  }
0xb5: {  	v19 =	vld [tilespmem:$0x7D0]  }
0xb6: {  	v20 =	vld [tilespmem:$0x860]  }
0xb7: {  	v21 =	vld [tilespmem:$0x7E0]  }
0xb8: {  	v22 =	vld [tilespmem:$0x870]  }
0xb9: {  	v23 =	vld [tilespmem:$0x7F0]  }
0xba: {  	[tilespmem:$0x8F0] =	vst v19;
	v19 =	vld [tilespmem:$0x880]  }
0xbb: {  	v58 =	vld [tilespmem:$0x890];
	[tilespmem:$0x970] =	vst v20  }
0xbc: {  	v59 =	vld [tilespmem:$0x810];
	[tilespmem:$0x900] =	vst v21  }
0xbd: {  	v60 =	vld [tilespmem:$0x8A0];
	[tilespmem:$0x980] =	vst v22  }
0xbe: {  	v20 =	vld [tilespmem:$0x800];
	[tilespmem:$0x910] =	vst v23  }
0xbf: {  	[tilespmem:$0x990] =	vst v19;
	v19 =	vld [tilespmem:$0x820]  }
0xc0: {  	v61 =	vld [tilespmem:$0x830];
	[tilespmem:$0x9A0] =	vst v58  }
0xc1: {  	v62 =	vld [tilespmem:$0x8C0];
	[tilespmem:$0x930] =	vst v59  }
0xc2: {  	v63 =	vld [tilespmem:$0x840];
	[tilespmem:$0x9B0] =	vst v60  }
0xc3: {  	[tilespmem:$0x920] =	vst v20;
	v20 =	vld [tilespmem:$0x8B0]  }
0xc4: {  	[tilespmem:$0x940] =	vst v19;
	v19 =	vld [tilespmem:$0x8D0]  }
0xc5: {  	[tilespmem:$0x950] =	vst v61  }
0xc6: {  	[tilespmem:$0x9D0] =	vst v62  }
0xc7: {  	[tilespmem:$0x960] =	vst v63  }
0xc8: {  	[tilespmem:$0x9C0] =	vst v20  }
0xc9: {  	s2 =	simm.s32 $0x8F0;
	[tilespmem:$0x9E0] =	vst v19  }
0xca: {  	[tilespmem:s22], [sflag:$0x1] =	stream.indirect.gather [hbm4b:s6+s20], $0x40, s2, s20, $0xb8;
	[tilespmem:$0x1A130] =	vst v63  }
0xcb: {  	_ =	swait.ge [sflag:s23], $0x2000  }
0xcc: {  	[sflag:s23] =	ssyncset.done $0x0  }
.Ltmp8:
0xcd: {  	s31 =	simm.s32 $0x970;
	[sflag:s23] =	ssyncadd.s32 $0xFFFFE000;
	(pc) =	sbr.rel .LBB2_10-.Ltmp8, $4  }
0xce: {  	[spmem:s3] =	stream.indirect.scatter.add.f32 [tilespmem:s22], [sflag:$0x2], $0x40, s31, s20, $0xb8;
	[tilespmem:$0x1A130] =	vst v63  }
0xcf: {  	_ =	swait.ge [sflag:s17], $0x2000  }
0xd0: {  	[sflag:s17] =	ssyncset.done $0x0  }
0xd1: {  	[sflag:s17] =	ssyncadd.s32 $0xFFFFE000  }
.LBB2_12:
0xd2: {  	_ =	sfence.sel $0x180000  }
0xd3: {  	[bflag:$0x0] =	sbarrier.arrive $0xFFFF  }
0xd4: {  	_ =	strace $0x9000004A  }
0xd5: {  	s0 =	stileid.u32;
	[bflag:$0x2] =	sbarrier.arrive $0xFFFF  }
0xd6: {  	p0 =	sne.s32 s0, $0x0;
	s0 =	rddreg [dreg:$0x3]  }
0xd7: {  	s0 =	sadd.s32 @!p0 $0x100000, s0  }
0xd8: {  	[sflag:s0] =	ssyncadd.tile.s32 @!p0 $0x1;
	_ =	shalt  }
.Lfunc_end2:
_tile_overlayer_lowered:
.L_overlay_start_2:
0xd9: {  	(tag) =	ssettag $0x2  }
0xda: {  	s0 =	rddreg [dreg:$0x0];
	s2 =	stileid.u32  }
0xdb: {  	s1 =	rddreg [dreg:$0x1];
	p0 =	sne.s32 s2, $0x0  }
0xdc: {  	s3 =	rddreg [dreg:$0x2];
	[bflag:$0x3] =	sbarrier.arrive $0xFFFF;
	s2 =	simm.s32 @!p0 $0x1C02  }
0xdd: {  	[timem:s3], [sflag:s2] =	dma.local @!p0 [hbm:s0], s1  }
0xde: {  	s0 =	simm.s32 @!p0 $0x2  }
0xdf: {  	_ =	swait.ge @!p0 [sflag:s0], s1  }
0xe0: {  	s1 =	ssub.s32 @!p0 $0x0, s1;
	[sflag:s0] =	ssyncset.done @!p0 $0x0  }
0xe1: {  	[sflag:s0] =	ssyncadd.s32 @!p0 s1  }
0xe2: {  	[bflag:$0x3] =	sbarrier.arrive $0xFFFF  }
0xe3: {  	_ =	shalt  }

</sc_bundles>
